<compile_context>
chip_gen: v7x
topology: tpu7x:2x2x1
jax: 0.10.2.dev20260603
libtpu: 0.0.44.dev20260713+nightly
codegen_flags: <defaults>
</compile_context>

<pallas_src>
import functools

import jax
import jax.numpy as jnp
from jax import lax
from jax.experimental import pallas as pl
from jax.experimental.pallas import tpu as pltpu
from jax.experimental.pallas import tpu_sc as plsc

E = 16
TOP_K = 2
D = 768
DFF = 768
T = 2048
C = 512
S = E * C
S_PAD = S + 8
ALPHA = 1.702
LIMIT = 7.0

NC, NS = 2, 16
NW = NC * NS
TPW = T // NW


BK = 512


def _router_body(x_ref, wr_ref, br_ref, gp_ref, w0_ref, w1_ref, carry_ref):
    b = pl.program_id(0)

    @pl.when(b == 0)
    def _():
        carry_ref[...] = jnp.zeros((1, E), jnp.float32)

    logits = lax.dot_general(x_ref[...], wr_ref[...], (((1,), (1,)), ((), ())),
                             preferred_element_type=jnp.float32) + br_ref[...]
    m = jnp.max(logits, axis=1, keepdims=True)
    ex = jnp.exp(logits - m)
    p = ex / jnp.sum(ex, axis=1, keepdims=True)

    iota_e = lax.broadcasted_iota(jnp.int32, (BK, E), 1)
    w0 = jnp.max(p, axis=1, keepdims=True)
    i0 = jnp.min(jnp.where(p == w0, iota_e, E), axis=1, keepdims=True)
    p1 = jnp.where(iota_e == i0, -1.0, p)
    w1 = jnp.max(p1, axis=1, keepdims=True)
    i1 = jnp.min(jnp.where(p1 == w1, iota_e, E), axis=1, keepdims=True)
    tot = w0 + w1
    w0n = w0 / tot
    w1n = w1 / tot

    oh0 = (iota_e == i0).astype(jnp.float32)
    oh1 = (iota_e == i1).astype(jnp.float32)
    counts = oh0 + oh1

    r = lax.broadcasted_iota(jnp.int32, (BK, BK), 0)
    c = lax.broadcasted_iota(jnp.int32, (BK, BK), 1)
    ltri = (c < r).astype(jnp.float32)
    carry = carry_ref[...]
    excl = jnp.dot(ltri, counts, preferred_element_type=jnp.float32) + carry
    carry_ref[...] = carry + jnp.sum(counts, axis=0, keepdims=True)

    pos0 = jnp.sum(excl * oh0, axis=1, keepdims=True).astype(jnp.int32)
    pos1 = jnp.sum(excl * oh1, axis=1, keepdims=True).astype(jnp.int32)
    v0 = pos0 < C
    v1 = pos1 < C
    g0 = jnp.where(v0, i0 * C + pos0, S)
    g1 = jnp.where(v1, i1 * C + pos1, S)
    gp_ref[...] = g0 | (g1 << 16)
    w0_ref[...] = jnp.broadcast_to(jnp.where(v0, w0n, 0.0), (BK, 16))
    w1_ref[...] = jnp.broadcast_to(jnp.where(v1, w1n, 0.0), (BK, 16))


def _router(x, wr, br2):
    return pl.pallas_call(
        _router_body,
        grid=(T // BK,),
        in_specs=[
            pl.BlockSpec((BK, D), lambda b: (b, 0)),
            pl.BlockSpec((E, D), lambda b: (0, 0)),
            pl.BlockSpec((1, E), lambda b: (0, 0)),
        ],
        out_specs=(
            pl.BlockSpec((BK, 1), lambda b: (b, 0)),
            pl.BlockSpec((BK, 16), lambda b: (b, 0)),
            pl.BlockSpec((BK, 16), lambda b: (b, 0)),
        ),
        out_shape=(
            jax.ShapeDtypeStruct((T, 1), jnp.int32),
            jax.ShapeDtypeStruct((T, 16), jnp.float32),
            jax.ShapeDtypeStruct((T, 16), jnp.float32),
        ),
        scratch_shapes=[pltpu.VMEM((1, E), jnp.float32)],
    )(x, wr, br2)


@functools.lru_cache(maxsize=None)
def _sc_kernels():
    mesh = plsc.VectorSubcoreMesh(core_axis_name="c", subcore_axis_name="s")

    @functools.partial(
        pl.kernel,
        out_type=jax.ShapeDtypeStruct((S_PAD, D), jnp.float32),
        mesh=mesh,
        scratch_types=[
            pltpu.VMEM((TPW,), jnp.int32),
            pltpu.VMEM((TPW, D), jnp.float32),
            pltpu.SemaphoreType.DMA,
        ],
    )
    def dispatch(x_hbm, gp_hbm, buf_hbm, pk_v, rows_v, sem):
        wid = lax.axis_index("s") * NC + lax.axis_index("c")
        base = wid * TPW
        pltpu.sync_copy(gp_hbm.at[pl.ds(base, TPW)], pk_v)
        pltpu.sync_copy(x_hbm.at[pl.ds(base, TPW)], rows_v)
        copies = []
        for jj in range(TPW // 16):
            sl = pl.ds(jj * 16, 16)
            pk = pk_v[sl]
            i0 = pk & 0xFFFF
            i1 = pk >> 16
            copies.append(pltpu.async_copy(rows_v.at[sl], buf_hbm.at[i0], sem))
            copies.append(pltpu.async_copy(rows_v.at[sl], buf_hbm.at[i1], sem))
        for cp in copies:
            cp.wait()

    @functools.partial(
        pl.kernel,
        out_type=jax.ShapeDtypeStruct((T, D), jnp.float32),
        mesh=mesh,
        scratch_types=[
            pltpu.VMEM((TPW,), jnp.int32),
            pltpu.VMEM((TPW, D), jnp.float32),
            pltpu.VMEM((TPW, D), jnp.float32),
            pltpu.VMEM((TPW, 16), jnp.float32),
            pltpu.VMEM((TPW, 16), jnp.float32),
            pltpu.SemaphoreType.DMA,
        ],
    )
    def combine(ye_hbm, gp_hbm, w0_hbm, w1_hbm, out_hbm,
                pk_v, rows0_v, rows1_v, wc0_v, wc1_v, sem):
        wid = lax.axis_index("s") * NC + lax.axis_index("c")
        base = wid * TPW
        pltpu.sync_copy(gp_hbm.at[pl.ds(base, TPW)], pk_v)
        pltpu.sync_copy(w0_hbm.at[pl.ds(base, TPW)], wc0_v)
        pltpu.sync_copy(w1_hbm.at[pl.ds(base, TPW)], wc1_v)
        copies = []
        for jj in range(TPW // 16):
            sl = pl.ds(jj * 16, 16)
            pk = pk_v[sl]
            copies.append(pltpu.async_copy(
                ye_hbm.at[pk & 0xFFFF], rows0_v.at[sl], sem))
            copies.append(pltpu.async_copy(
                ye_hbm.at[pk >> 16], rows1_v.at[sl], sem))
        for cp in copies:
            cp.wait()

        def body(t, carry):
            w0v = wc0_v[t, pl.ds(0, 16)]
            w1v = wc1_v[t, pl.ds(0, 16)]
            for j in range(D // 16):
                sl = pl.ds(j * 16, 16)
                rows0_v[t, sl] = rows0_v[t, sl] * w0v + rows1_v[t, sl] * w1v
            return carry

        lax.fori_loop(0, TPW, body, 0)
        pltpu.sync_copy(rows0_v, out_hbm.at[pl.ds(base, TPW)])

    return dispatch, combine


def _mlp_body(buf_ref, w13_ref, b13_ref, w2_ref, b2_ref, ye_ref):
    e = pl.program_id(0)

    @pl.when(e < E)
    def _():
        xe = buf_ref[...]
        h = lax.dot_general(xe, w13_ref[...], (((1,), (1,)), ((), ())),
                            preferred_element_type=jnp.float32) + b13_ref[...]
        gate = jnp.minimum(h[:, :DFF], LIMIT)
        up = jnp.clip(h[:, DFF:], -LIMIT, LIMIT)
        act = gate * (1.0 / (1.0 + jnp.exp(-ALPHA * gate))) * (up + 1.0)
        ye = lax.dot_general(act, w2_ref[...], (((1,), (1,)), ((), ())),
                             preferred_element_type=jnp.float32) + b2_ref[...]
        ye_ref[...] = ye

    @pl.when(e == E)
    def _():
        ye_ref[...] = jnp.zeros((C, D), jnp.float32)


def _mlp(buf, w13, b13, w2, b2):
    b13 = b13.reshape(E, 1, 2 * DFF)
    b2 = b2.reshape(E, 1, D)
    return pl.pallas_call(
        _mlp_body,
        grid=(E + 1,),
        in_specs=[
            pl.BlockSpec((C, D), lambda e: (jnp.minimum(e, E - 1), 0)),
            pl.BlockSpec((None, 2 * DFF, D), lambda e: (jnp.minimum(e, E - 1), 0, 0)),
            pl.BlockSpec((None, 1, 2 * DFF), lambda e: (jnp.minimum(e, E - 1), 0, 0)),
            pl.BlockSpec((None, D, DFF), lambda e: (jnp.minimum(e, E - 1), 0, 0)),
            pl.BlockSpec((None, 1, D), lambda e: (jnp.minimum(e, E - 1), 0, 0)),
        ],
        out_specs=pl.BlockSpec((C, D), lambda e: (e, 0)),
        out_shape=jax.ShapeDtypeStruct((S + C, D), jnp.float32),
    )(buf, w13, b13, w2, b2)


def kernel(x, Wr, br, W13, b13, W2, b2):
    br2 = br.reshape(1, E)
    gp, w0b, w1b = _router(x, Wr, br2)
    gp = gp.reshape(T)
    dispatch, combine = _sc_kernels()
    buf = dispatch(x, gp)
    ye = _mlp(buf, W13, b13, W2, b2)
    return combine(ye, gp, w0b, w1b)

# --- scband reference (transcript-rebuilt; emitter-appended) ---
"""Pipeline reference for scband-gpt-oss-model-5282809774798 (READ-ONLY COPY).

The authoritative reference and input builder live on the scoring server;
editing this copy changes nothing except your own understanding.
"""

import jax, jax.numpy as jnp
import numpy as np

E = 16
TOP_K = 2
D_MODEL = 768
D_FF = 768
T = 2048
CAP_FACTOR = 2.0
ALPHA = 1.702
LIMIT = 7.0


def setup_inputs(seed: int = 0) -> dict:
    key = jax.random.key(seed)
    ks = jax.random.split(key, 8)
    x = jax.random.normal(ks[0], (T, D_MODEL), dtype=jnp.float32)
    Wr = jax.random.normal(ks[1], (E, D_MODEL), dtype=jnp.float32) * (D_MODEL ** -0.5)
    br = jnp.zeros((E,), dtype=jnp.float32)
    W13 = jax.random.normal(ks[2], (E, 2 * D_FF, D_MODEL), dtype=jnp.float32) * (D_MODEL ** -0.5)
    b13 = jnp.zeros((E, 2 * D_FF), dtype=jnp.float32)
    W2 = jax.random.normal(ks[3], (E, D_MODEL, D_FF), dtype=jnp.float32) * (D_FF ** -0.5)
    b2 = jnp.zeros((E, D_MODEL), dtype=jnp.float32)
    return {"x": x, "Wr": Wr, "br": br, "W13": W13, "b13": b13, "W2": W2, "b2": b2}


def _swiglu_oai(gate, up):
    # vLLM 'swigluoai' activation: clamped SwiGLU with alpha=1.702, limit=7.0
    gate = jnp.minimum(gate, LIMIT)
    up = jnp.clip(up, -LIMIT, LIMIT)
    return gate * jax.nn.sigmoid(ALPHA * gate) * (up + 1.0)


def reference(x, Wr, br, W13, b13, W2, b2):
    T_, d = x.shape
    # router
    logits = x @ Wr.T + br
    probs = jax.nn.softmax(logits, axis=-1)
    topk_w, topk_idx = jax.lax.top_k(probs, TOP_K)
    # renormalize=True in FusedMoE
    topk_w = topk_w / jnp.sum(topk_w, axis=-1, keepdims=True)
    P = T_ * TOP_K
    C = int(CAP_FACTOR * P / E)  # expert capacity
    flat_e = topk_idx.reshape(-1)                      # [P] expert id per (token, slot) pair
    flat_t = jnp.repeat(jnp.arange(T_), TOP_K)         # [P] token id per pair
    flat_w = topk_w.reshape(-1)                        # [P] routing weight per pair
    # position of each pair within its expert group (stable order)
    one_hot = (flat_e[:, None] == jnp.arange(E)[None, :]).astype(jnp.int32)  # [P, E]
    pos = jnp.take_along_axis(jnp.cumsum(one_hot, axis=0) - 1, flat_e[:, None], axis=1)[:, 0]
    valid = pos < C
    slot = jnp.where(valid, flat_e * C + pos, E * C)   # out-of-range slot -> dropped
    # dispatch: scatter token features into per-expert capacity buffers
    buf = jnp.zeros((E * C, d), dtype=x.dtype).at[slot].set(x[flat_t], mode='drop')
    xe = buf.reshape(E, C, d)
    # expert MLPs (w13 has bias, torch Linear layout [E, 2*d_ff, d])
    h = jnp.einsum('ecd,efd->ecf', xe, W13) + b13[:, None, :]
    act = _swiglu_oai(h[..., :D_FF], h[..., D_FF:])
    ye = jnp.einsum('ecf,edf->ecd', act, W2) + b2[:, None, :]
    # combine: gather expert outputs back and weighted scatter-add to tokens
    pair_y = ye.reshape(E * C, d)[jnp.minimum(slot, E * C - 1)]
    contrib = pair_y * (flat_w * valid.astype(x.dtype))[:, None]
    out = jnp.zeros((T_, d), dtype=x.dtype).at[flat_t].add(contrib)
    return out

if __name__ == "__main__":
    import jax
    _d = setup_inputs()
    print(jax.jit(kernel)(*tuple(_d.values())))

</pallas_src>

<mosaic_0001>
#map = affine_map<(d0, d1) -> (0, 0)>
#map1 = affine_map<(d0, d1) -> (0)>
module attributes {stable_mosaic.version = 14 : i64} {
  func.func @dispatch(%arg0: i32, %arg1: i32, %arg2: memref<2048x768xf32, #tpu.memory_space<hbm>>, %arg3: memref<2048xi32, #tpu.memory_space<hbm>>, %arg4: memref<8200x768xf32, #tpu.memory_space<hbm>>, %arg5: memref<64xi32, #tpu.memory_space<vmem>>, %arg6: memref<64x768xf32, #tpu.memory_space<vmem>>, %arg7: memref<!tpu.dma_semaphore, #tpu.memory_space<semaphore_mem>>) attributes {dimension_semantics = [#tpu.dimension_semantics<core_parallel>, #tpu.dimension_semantics<subcore_parallel>], iteration_bounds = array<i64: 2, 16>, scalar_prefetch = 0 : i64, scratch_operands = 3 : i64, tpu.core_type = #tpu.core_type<sc_vector_subcore>, window_params = [{transform_indices = #map}, {transform_indices = #map1}, {transform_indices = #map}]} {
    %mul3A = arith.constant 2 : i32
    %mul3A_0 = arith.muli %arg1, %mul3A : i32
    %add3A = arith.addi %mul3A_0, %arg0 : i32
    %mul3A_1 = arith.constant 64 : i32
    %mul3A_2 = arith.muli %add3A, %mul3A_1 : i32
    "tpu.region"() ({
      %run_scoped3A = tpu.sem_alloc : memref<!tpu.dma_semaphore, #tpu.memory_space<semaphore_mem>>
      %dma_start3A_130 = tpu.memref_slice %arg3[%mul3A_2] : memref<2048xi32, #tpu.memory_space<hbm>> -> memref<64xi32, #tpu.memory_space<hbm>>
      %dma_start3A_131 = tpu.memref_slice %arg3[%mul3A_2] : memref<2048xi32, #tpu.memory_space<hbm>> -> memref<64xi32, #tpu.memory_space<hbm>>
      tpu.enqueue_dma source(%dma_start3A_131 : memref<64xi32, #tpu.memory_space<hbm>>) target(%arg5 : memref<64xi32, #tpu.memory_space<vmem>>) target_semaphore(%run_scoped3A : memref<!tpu.dma_semaphore, #tpu.memory_space<semaphore_mem>>)
      %dma_wait3A_132 = tpu.memref_slice %arg3[%mul3A_2] : memref<2048xi32, #tpu.memory_space<hbm>> -> memref<64xi32, #tpu.memory_space<hbm>>
      %dma_wait3A_133 = tpu.memref_slice %arg3[%mul3A_2] : memref<2048xi32, #tpu.memory_space<hbm>> -> memref<64xi32, #tpu.memory_space<hbm>>
      tpu.wait_dma2 semaphore(%run_scoped3A : memref<!tpu.dma_semaphore, #tpu.memory_space<semaphore_mem>>) src(%dma_wait3A_133 : memref<64xi32, #tpu.memory_space<hbm>>) dst(%arg5 : memref<64xi32, #tpu.memory_space<vmem>>)
      tpu.yield
    }) : () -> ()
    "tpu.region"() ({
      %run_scoped3A = tpu.sem_alloc : memref<!tpu.dma_semaphore, #tpu.memory_space<semaphore_mem>>
      %dma_start3A_130 = arith.constant 0 : i32
      %dma_start3A_131 = tpu.memref_slice %arg2[%mul3A_2, %dma_start3A_130] : memref<2048x768xf32, #tpu.memory_space<hbm>> -> memref<64x768xf32, #tpu.memory_space<hbm>>
      %dma_start3A_132 = arith.constant 0 : i32
      %dma_start3A_133 = tpu.memref_slice %arg2[%mul3A_2, %dma_start3A_132] : memref<2048x768xf32, #tpu.memory_space<hbm>> -> memref<64x768xf32, #tpu.memory_space<hbm>>
      tpu.enqueue_dma source(%dma_start3A_133 : memref<64x768xf32, #tpu.memory_space<hbm>>) target(%arg6 : memref<64x768xf32, #tpu.memory_space<vmem>>) target_semaphore(%run_scoped3A : memref<!tpu.dma_semaphore, #tpu.memory_space<semaphore_mem>>)
      %dma_wait3A_134 = arith.constant 0 : i32
      %dma_wait3A_135 = tpu.memref_slice %arg2[%mul3A_2, %dma_wait3A_134] : memref<2048x768xf32, #tpu.memory_space<hbm>> -> memref<64x768xf32, #tpu.memory_space<hbm>>
      %dma_wait3A_136 = arith.constant 0 : i32
      %dma_wait3A_137 = tpu.memref_slice %arg2[%mul3A_2, %dma_wait3A_136] : memref<2048x768xf32, #tpu.memory_space<hbm>> -> memref<64x768xf32, #tpu.memory_space<hbm>>
      tpu.wait_dma2 semaphore(%run_scoped3A : memref<!tpu.dma_semaphore, #tpu.memory_space<semaphore_mem>>) src(%dma_wait3A_137 : memref<64x768xf32, #tpu.memory_space<hbm>>) dst(%arg6 : memref<64x768xf32, #tpu.memory_space<vmem>>)
      tpu.yield
    }) : () -> ()
    %get3A = arith.constant 0 : index
    %get3A_3 = tpu.vector_load %arg5[%get3A] {strides = array<i32>} : memref<64xi32, #tpu.memory_space<vmem>>, vector<16xi32>,
    %get3A_4 = vector.shape_cast %get3A_3 : vector<16xi32> to vector<16xi32>
    %and3A = arith.constant 65535 : i32
    %and3A_5 = vector.broadcast %and3A : i32 to vector<16xi32>
    %and3A_6 = arith.andi %get3A_4, %and3A_5 : vector<16xi32>
    %shift_right_arithmetic3A = arith.constant 16 : i32
    %shift_right_arithmetic3A_7 = vector.broadcast %shift_right_arithmetic3A : i32 to vector<16xi32>
    %shift_right_arithmetic3A_8 = arith.shrsi %get3A_4, %shift_right_arithmetic3A_7 : vector<16xi32>
    %dma_start3A = arith.constant 0 : i32
    %dma_start3A_9 = arith.constant 0 : i32
    %dma_start3A_10 = tpu.memref_slice %arg6[%dma_start3A, %dma_start3A_9] : memref<64x768xf32, #tpu.memory_space<vmem>> -> memref<16x768xf32, #tpu.memory_space<vmem>>
    %dma_start3A_11 = arith.constant 0 : i32
    %dma_start3A_12 = arith.constant 0 : i32
    %dma_start3A_13 = tpu.memref_slice %arg4[%dma_start3A_11, %dma_start3A_12] : memref<8200x768xf32, #tpu.memory_space<hbm>> -> memref<8200x768xf32, #tpu.memory_space<hbm>>
    tpu.enqueue_indirect_dma source(%dma_start3A_10 : memref<16x768xf32, #tpu.memory_space<vmem>>) target(%dma_start3A_13 : memref<8200x768xf32, #tpu.memory_space<hbm>>) offsets(%and3A_6 : vector<16xi32>) semaphore(%arg7 : memref<!tpu.dma_semaphore, #tpu.memory_space<semaphore_mem>>)
    %dma_start3A_14 = arith.constant 0 : i32
    %dma_start3A_15 = arith.constant 0 : i32
    %dma_start3A_16 = tpu.memref_slice %arg6[%dma_start3A_14, %dma_start3A_15] : memref<64x768xf32, #tpu.memory_space<vmem>> -> memref<16x768xf32, #tpu.memory_space<vmem>>
    %dma_start3A_17 = arith.constant 0 : i32
    %dma_start3A_18 = arith.constant 0 : i32
    %dma_start3A_19 = tpu.memref_slice %arg4[%dma_start3A_17, %dma_start3A_18] : memref<8200x768xf32, #tpu.memory_space<hbm>> -> memref<8200x768xf32, #tpu.memory_space<hbm>>
    tpu.enqueue_indirect_dma source(%dma_start3A_16 : memref<16x768xf32, #tpu.memory_space<vmem>>) target(%dma_start3A_19 : memref<8200x768xf32, #tpu.memory_space<hbm>>) offsets(%shift_right_arithmetic3A_8 : vector<16xi32>) semaphore(%arg7 : memref<!tpu.dma_semaphore, #tpu.memory_space<semaphore_mem>>)
    %get3A_20 = arith.constant 16 : index
    %get3A_21 = tpu.vector_load %arg5[%get3A_20] {strides = array<i32>} : memref<64xi32, #tpu.memory_space<vmem>>, vector<16xi32>,
    %get3A_22 = vector.shape_cast %get3A_21 : vector<16xi32> to vector<16xi32>
    %and3A_23 = arith.constant 65535 : i32
    %and3A_24 = vector.broadcast %and3A_23 : i32 to vector<16xi32>
    %and3A_25 = arith.andi %get3A_22, %and3A_24 : vector<16xi32>
    %shift_right_arithmetic3A_26 = arith.constant 16 : i32
    %shift_right_arithmetic3A_27 = vector.broadcast %shift_right_arithmetic3A_26 : i32 to vector<16xi32>
    %shift_right_arithmetic3A_28 = arith.shrsi %get3A_22, %shift_right_arithmetic3A_27 : vector<16xi32>
    %dma_start3A_29 = arith.constant 16 : i32
    %dma_start3A_30 = arith.constant 0 : i32
    %dma_start3A_31 = tpu.memref_slice %arg6[%dma_start3A_29, %dma_start3A_30] : memref<64x768xf32, #tpu.memory_space<vmem>> -> memref<16x768xf32, #tpu.memory_space<vmem>>
    %dma_start3A_32 = arith.constant 0 : i32
    %dma_start3A_33 = arith.constant 0 : i32
    %dma_start3A_34 = tpu.memref_slice %arg4[%dma_start3A_32, %dma_start3A_33] : memref<8200x768xf32, #tpu.memory_space<hbm>> -> memref<8200x768xf32, #tpu.memory_space<hbm>>
    tpu.enqueue_indirect_dma source(%dma_start3A_31 : memref<16x768xf32, #tpu.memory_space<vmem>>) target(%dma_start3A_34 : memref<8200x768xf32, #tpu.memory_space<hbm>>) offsets(%and3A_25 : vector<16xi32>) semaphore(%arg7 : memref<!tpu.dma_semaphore, #tpu.memory_space<semaphore_mem>>)
    %dma_start3A_35 = arith.constant 16 : i32
    %dma_start3A_36 = arith.constant 0 : i32
    %dma_start3A_37 = tpu.memref_slice %arg6[%dma_start3A_35, %dma_start3A_36] : memref<64x768xf32, #tpu.memory_space<vmem>> -> memref<16x768xf32, #tpu.memory_space<vmem>>
    %dma_start3A_38 = arith.constant 0 : i32
    %dma_start3A_39 = arith.constant 0 : i32
    %dma_start3A_40 = tpu.memref_slice %arg4[%dma_start3A_38, %dma_start3A_39] : memref<8200x768xf32, #tpu.memory_space<hbm>> -> memref<8200x768xf32, #tpu.memory_space<hbm>>
    tpu.enqueue_indirect_dma source(%dma_start3A_37 : memref<16x768xf32, #tpu.memory_space<vmem>>) target(%dma_start3A_40 : memref<8200x768xf32, #tpu.memory_space<hbm>>) offsets(%shift_right_arithmetic3A_28 : vector<16xi32>) semaphore(%arg7 : memref<!tpu.dma_semaphore, #tpu.memory_space<semaphore_mem>>)
    %get3A_41 = arith.constant 32 : index
    %get3A_42 = tpu.vector_load %arg5[%get3A_41] {strides = array<i32>} : memref<64xi32, #tpu.memory_space<vmem>>, vector<16xi32>,
    %get3A_43 = vector.shape_cast %get3A_42 : vector<16xi32> to vector<16xi32>
    %and3A_44 = arith.constant 65535 : i32
    %and3A_45 = vector.broadcast %and3A_44 : i32 to vector<16xi32>
    %and3A_46 = arith.andi %get3A_43, %and3A_45 : vector<16xi32>
    %shift_right_arithmetic3A_47 = arith.constant 16 : i32
    %shift_right_arithmetic3A_48 = vector.broadcast %shift_right_arithmetic3A_47 : i32 to vector<16xi32>
    %shift_right_arithmetic3A_49 = arith.shrsi %get3A_43, %shift_right_arithmetic3A_48 : vector<16xi32>
    %dma_start3A_50 = arith.constant 32 : i32
    %dma_start3A_51 = arith.constant 0 : i32
    %dma_start3A_52 = tpu.memref_slice %arg6[%dma_start3A_50, %dma_start3A_51] : memref<64x768xf32, #tpu.memory_space<vmem>> -> memref<16x768xf32, #tpu.memory_space<vmem>>
    %dma_start3A_53 = arith.constant 0 : i32
    %dma_start3A_54 = arith.constant 0 : i32
    %dma_start3A_55 = tpu.memref_slice %arg4[%dma_start3A_53, %dma_start3A_54] : memref<8200x768xf32, #tpu.memory_space<hbm>> -> memref<8200x768xf32, #tpu.memory_space<hbm>>
    tpu.enqueue_indirect_dma source(%dma_start3A_52 : memref<16x768xf32, #tpu.memory_space<vmem>>) target(%dma_start3A_55 : memref<8200x768xf32, #tpu.memory_space<hbm>>) offsets(%and3A_46 : vector<16xi32>) semaphore(%arg7 : memref<!tpu.dma_semaphore, #tpu.memory_space<semaphore_mem>>)
    %dma_start3A_56 = arith.constant 32 : i32
    %dma_start3A_57 = arith.constant 0 : i32
    %dma_start3A_58 = tpu.memref_slice %arg6[%dma_start3A_56, %dma_start3A_57] : memref<64x768xf32, #tpu.memory_space<vmem>> -> memref<16x768xf32, #tpu.memory_space<vmem>>
    %dma_start3A_59 = arith.constant 0 : i32
    %dma_start3A_60 = arith.constant 0 : i32
    %dma_start3A_61 = tpu.memref_slice %arg4[%dma_start3A_59, %dma_start3A_60] : memref<8200x768xf32, #tpu.memory_space<hbm>> -> memref<8200x768xf32, #tpu.memory_space<hbm>>
    tpu.enqueue_indirect_dma source(%dma_start3A_58 : memref<16x768xf32, #tpu.memory_space<vmem>>) target(%dma_start3A_61 : memref<8200x768xf32, #tpu.memory_space<hbm>>) offsets(%shift_right_arithmetic3A_49 : vector<16xi32>) semaphore(%arg7 : memref<!tpu.dma_semaphore, #tpu.memory_space<semaphore_mem>>)
    %get3A_62 = arith.constant 48 : index
    %get3A_63 = tpu.vector_load %arg5[%get3A_62] {strides = array<i32>} : memref<64xi32, #tpu.memory_space<vmem>>, vector<16xi32>,
    %get3A_64 = vector.shape_cast %get3A_63 : vector<16xi32> to vector<16xi32>
    %and3A_65 = arith.constant 65535 : i32
    %and3A_66 = vector.broadcast %and3A_65 : i32 to vector<16xi32>
    %and3A_67 = arith.andi %get3A_64, %and3A_66 : vector<16xi32>
    %shift_right_arithmetic3A_68 = arith.constant 16 : i32
    %shift_right_arithmetic3A_69 = vector.broadcast %shift_right_arithmetic3A_68 : i32 to vector<16xi32>
    %shift_right_arithmetic3A_70 = arith.shrsi %get3A_64, %shift_right_arithmetic3A_69 : vector<16xi32>
    %dma_start3A_71 = arith.constant 48 : i32
    %dma_start3A_72 = arith.constant 0 : i32
    %dma_start3A_73 = tpu.memref_slice %arg6[%dma_start3A_71, %dma_start3A_72] : memref<64x768xf32, #tpu.memory_space<vmem>> -> memref<16x768xf32, #tpu.memory_space<vmem>>
    %dma_start3A_74 = arith.constant 0 : i32
    %dma_start3A_75 = arith.constant 0 : i32
    %dma_start3A_76 = tpu.memref_slice %arg4[%dma_start3A_74, %dma_start3A_75] : memref<8200x768xf32, #tpu.memory_space<hbm>> -> memref<8200x768xf32, #tpu.memory_space<hbm>>
    tpu.enqueue_indirect_dma source(%dma_start3A_73 : memref<16x768xf32, #tpu.memory_space<vmem>>) target(%dma_start3A_76 : memref<8200x768xf32, #tpu.memory_space<hbm>>) offsets(%and3A_67 : vector<16xi32>) semaphore(%arg7 : memref<!tpu.dma_semaphore, #tpu.memory_space<semaphore_mem>>)
    %dma_start3A_77 = arith.constant 48 : i32
    %dma_start3A_78 = arith.constant 0 : i32
    %dma_start3A_79 = tpu.memref_slice %arg6[%dma_start3A_77, %dma_start3A_78] : memref<64x768xf32, #tpu.memory_space<vmem>> -> memref<16x768xf32, #tpu.memory_space<vmem>>
    %dma_start3A_80 = arith.constant 0 : i32
    %dma_start3A_81 = arith.constant 0 : i32
    %dma_start3A_82 = tpu.memref_slice %arg4[%dma_start3A_80, %dma_start3A_81] : memref<8200x768xf32, #tpu.memory_space<hbm>> -> memref<8200x768xf32, #tpu.memory_space<hbm>>
    tpu.enqueue_indirect_dma source(%dma_start3A_79 : memref<16x768xf32, #tpu.memory_space<vmem>>) target(%dma_start3A_82 : memref<8200x768xf32, #tpu.memory_space<hbm>>) offsets(%shift_right_arithmetic3A_70 : vector<16xi32>) semaphore(%arg7 : memref<!tpu.dma_semaphore, #tpu.memory_space<semaphore_mem>>)
    %dma_wait3A = arith.constant 0 : i32
    %dma_wait3A_83 = arith.constant 0 : i32
    %dma_wait3A_84 = tpu.memref_slice %arg6[%dma_wait3A, %dma_wait3A_83] : memref<64x768xf32, #tpu.memory_space<vmem>> -> memref<16x768xf32, #tpu.memory_space<vmem>>
    %dma_wait3A_85 = arith.constant 0 : i32
    %dma_wait3A_86 = arith.constant 0 : i32
    %dma_wait3A_87 = tpu.memref_slice %arg4[%dma_wait3A_85, %dma_wait3A_86] : memref<8200x768xf32, #tpu.memory_space<hbm>> -> memref<8200x768xf32, #tpu.memory_space<hbm>>
    tpu.wait_indirect_dma semaphore(%arg7 : memref<!tpu.dma_semaphore, #tpu.memory_space<semaphore_mem>>) src(%dma_wait3A_84 : memref<16x768xf32, #tpu.memory_space<vmem>>) dst(%dma_wait3A_87 : memref<8200x768xf32, #tpu.memory_space<hbm>>)
    %dma_wait3A_88 = arith.constant 0 : i32
    %dma_wait3A_89 = arith.constant 0 : i32
    %dma_wait3A_90 = tpu.memref_slice %arg6[%dma_wait3A_88, %dma_wait3A_89] : memref<64x768xf32, #tpu.memory_space<vmem>> -> memref<16x768xf32, #tpu.memory_space<vmem>>
    %dma_wait3A_91 = arith.constant 0 : i32
    %dma_wait3A_92 = arith.constant 0 : i32
    %dma_wait3A_93 = tpu.memref_slice %arg4[%dma_wait3A_91, %dma_wait3A_92] : memref<8200x768xf32, #tpu.memory_space<hbm>> -> memref<8200x768xf32, #tpu.memory_space<hbm>>
    tpu.wait_indirect_dma semaphore(%arg7 : memref<!tpu.dma_semaphore, #tpu.memory_space<semaphore_mem>>) src(%dma_wait3A_90 : memref<16x768xf32, #tpu.memory_space<vmem>>) dst(%dma_wait3A_93 : memref<8200x768xf32, #tpu.memory_space<hbm>>)
    %dma_wait3A_94 = arith.constant 16 : i32
    %dma_wait3A_95 = arith.constant 0 : i32
    %dma_wait3A_96 = tpu.memref_slice %arg6[%dma_wait3A_94, %dma_wait3A_95] : memref<64x768xf32, #tpu.memory_space<vmem>> -> memref<16x768xf32, #tpu.memory_space<vmem>>
    %dma_wait3A_97 = arith.constant 0 : i32
    %dma_wait3A_98 = arith.constant 0 : i32
    %dma_wait3A_99 = tpu.memref_slice %arg4[%dma_wait3A_97, %dma_wait3A_98] : memref<8200x768xf32, #tpu.memory_space<hbm>> -> memref<8200x768xf32, #tpu.memory_space<hbm>>
    tpu.wait_indirect_dma semaphore(%arg7 : memref<!tpu.dma_semaphore, #tpu.memory_space<semaphore_mem>>) src(%dma_wait3A_96 : memref<16x768xf32, #tpu.memory_space<vmem>>) dst(%dma_wait3A_99 : memref<8200x768xf32, #tpu.memory_space<hbm>>)
    %dma_wait3A_100 = arith.constant 16 : i32
    %dma_wait3A_101 = arith.constant 0 : i32
    %dma_wait3A_102 = tpu.memref_slice %arg6[%dma_wait3A_100, %dma_wait3A_101] : memref<64x768xf32, #tpu.memory_space<vmem>> -> memref<16x768xf32, #tpu.memory_space<vmem>>
    %dma_wait3A_103 = arith.constant 0 : i32
    %dma_wait3A_104 = arith.constant 0 : i32
    %dma_wait3A_105 = tpu.memref_slice %arg4[%dma_wait3A_103, %dma_wait3A_104] : memref<8200x768xf32, #tpu.memory_space<hbm>> -> memref<8200x768xf32, #tpu.memory_space<hbm>>
    tpu.wait_indirect_dma semaphore(%arg7 : memref<!tpu.dma_semaphore, #tpu.memory_space<semaphore_mem>>) src(%dma_wait3A_102 : memref<16x768xf32, #tpu.memory_space<vmem>>) dst(%dma_wait3A_105 : memref<8200x768xf32, #tpu.memory_space<hbm>>)
    %dma_wait3A_106 = arith.constant 32 : i32
    %dma_wait3A_107 = arith.constant 0 : i32
    %dma_wait3A_108 = tpu.memref_slice %arg6[%dma_wait3A_106, %dma_wait3A_107] : memref<64x768xf32, #tpu.memory_space<vmem>> -> memref<16x768xf32, #tpu.memory_space<vmem>>
    %dma_wait3A_109 = arith.constant 0 : i32
    %dma_wait3A_110 = arith.constant 0 : i32
    %dma_wait3A_111 = tpu.memref_slice %arg4[%dma_wait3A_109, %dma_wait3A_110] : memref<8200x768xf32, #tpu.memory_space<hbm>> -> memref<8200x768xf32, #tpu.memory_space<hbm>>
    tpu.wait_indirect_dma semaphore(%arg7 : memref<!tpu.dma_semaphore, #tpu.memory_space<semaphore_mem>>) src(%dma_wait3A_108 : memref<16x768xf32, #tpu.memory_space<vmem>>) dst(%dma_wait3A_111 : memref<8200x768xf32, #tpu.memory_space<hbm>>)
    %dma_wait3A_112 = arith.constant 32 : i32
    %dma_wait3A_113 = arith.constant 0 : i32
    %dma_wait3A_114 = tpu.memref_slice %arg6[%dma_wait3A_112, %dma_wait3A_113] : memref<64x768xf32, #tpu.memory_space<vmem>> -> memref<16x768xf32, #tpu.memory_space<vmem>>
    %dma_wait3A_115 = arith.constant 0 : i32
    %dma_wait3A_116 = arith.constant 0 : i32
    %dma_wait3A_117 = tpu.memref_slice %arg4[%dma_wait3A_115, %dma_wait3A_116] : memref<8200x768xf32, #tpu.memory_space<hbm>> -> memref<8200x768xf32, #tpu.memory_space<hbm>>
    tpu.wait_indirect_dma semaphore(%arg7 : memref<!tpu.dma_semaphore, #tpu.memory_space<semaphore_mem>>) src(%dma_wait3A_114 : memref<16x768xf32, #tpu.memory_space<vmem>>) dst(%dma_wait3A_117 : memref<8200x768xf32, #tpu.memory_space<hbm>>)
    %dma_wait3A_118 = arith.constant 48 : i32
    %dma_wait3A_119 = arith.constant 0 : i32
    %dma_wait3A_120 = tpu.memref_slice %arg6[%dma_wait3A_118, %dma_wait3A_119] : memref<64x768xf32, #tpu.memory_space<vmem>> -> memref<16x768xf32, #tpu.memory_space<vmem>>
    %dma_wait3A_121 = arith.constant 0 : i32
    %dma_wait3A_122 = arith.constant 0 : i32
    %dma_wait3A_123 = tpu.memref_slice %arg4[%dma_wait3A_121, %dma_wait3A_122] : memref<8200x768xf32, #tpu.memory_space<hbm>> -> memref<8200x768xf32, #tpu.memory_space<hbm>>
    tpu.wait_indirect_dma semaphore(%arg7 : memref<!tpu.dma_semaphore, #tpu.memory_space<semaphore_mem>>) src(%dma_wait3A_120 : memref<16x768xf32, #tpu.memory_space<vmem>>) dst(%dma_wait3A_123 : memref<8200x768xf32, #tpu.memory_space<hbm>>)
    %dma_wait3A_124 = arith.constant 48 : i32
    %dma_wait3A_125 = arith.constant 0 : i32
    %dma_wait3A_126 = tpu.memref_slice %arg6[%dma_wait3A_124, %dma_wait3A_125] : memref<64x768xf32, #tpu.memory_space<vmem>> -> memref<16x768xf32, #tpu.memory_space<vmem>>
    %dma_wait3A_127 = arith.constant 0 : i32
    %dma_wait3A_128 = arith.constant 0 : i32
    %dma_wait3A_129 = tpu.memref_slice %arg4[%dma_wait3A_127, %dma_wait3A_128] : memref<8200x768xf32, #tpu.memory_space<hbm>> -> memref<8200x768xf32, #tpu.memory_space<hbm>>
    tpu.wait_indirect_dma semaphore(%arg7 : memref<!tpu.dma_semaphore, #tpu.memory_space<semaphore_mem>>) src(%dma_wait3A_126 : memref<16x768xf32, #tpu.memory_space<vmem>>) dst(%dma_wait3A_129 : memref<8200x768xf32, #tpu.memory_space<hbm>>)
    return
  }
}

#map = affine_map<(d0, d1) -> (0, 0)>
#map1 = affine_map<(d0, d1) -> (0)>
module attributes {stable_mosaic.version = 14 : i64} {
  func.func @combine(%arg0: i32, %arg1: i32, %arg2: memref<8704x768xf32, #tpu.memory_space<hbm>>, %arg3: memref<2048xi32, #tpu.memory_space<hbm>>, %arg4: memref<2048x16xf32, #tpu.memory_space<hbm>>, %arg5: memref<2048x16xf32, #tpu.memory_space<hbm>>, %arg6: memref<2048x768xf32, #tpu.memory_space<hbm>>, %arg7: memref<64xi32, #tpu.memory_space<vmem>>, %arg8: memref<64x768xf32, #tpu.memory_space<vmem>>, %arg9: memref<64x768xf32, #tpu.memory_space<vmem>>, %arg10: memref<64x16xf32, #tpu.memory_space<vmem>>, %arg11: memref<64x16xf32, #tpu.memory_space<vmem>>, %arg12: memref<!tpu.dma_semaphore, #tpu.memory_space<semaphore_mem>>) attributes {dimension_semantics = [#tpu.dimension_semantics<core_parallel>, #tpu.dimension_semantics<subcore_parallel>], iteration_bounds = array<i64: 2, 16>, scalar_prefetch = 0 : i64, scratch_operands = 6 : i64, tpu.core_type = #tpu.core_type<sc_vector_subcore>, window_params = [{transform_indices = #map}, {transform_indices = #map1}, {transform_indices = #map}, {transform_indices = #map}, {transform_indices = #map}]} {
    %mul3A = arith.constant 2 : i32
    %mul3A_0 = arith.muli %arg1, %mul3A : i32
    %add3A = arith.addi %mul3A_0, %arg0 : i32
    %mul3A_1 = arith.constant 64 : i32
    %mul3A_2 = arith.muli %add3A, %mul3A_1 : i32
    "tpu.region"() ({
      %run_scoped3A = tpu.sem_alloc : memref<!tpu.dma_semaphore, #tpu.memory_space<semaphore_mem>>
      %dma_start3A_135 = tpu.memref_slice %arg3[%mul3A_2] : memref<2048xi32, #tpu.memory_space<hbm>> -> memref<64xi32, #tpu.memory_space<hbm>>
      %dma_start3A_136 = tpu.memref_slice %arg3[%mul3A_2] : memref<2048xi32, #tpu.memory_space<hbm>> -> memref<64xi32, #tpu.memory_space<hbm>>
      tpu.enqueue_dma source(%dma_start3A_136 : memref<64xi32, #tpu.memory_space<hbm>>) target(%arg7 : memref<64xi32, #tpu.memory_space<vmem>>) target_semaphore(%run_scoped3A : memref<!tpu.dma_semaphore, #tpu.memory_space<semaphore_mem>>)
      %dma_wait3A_137 = tpu.memref_slice %arg3[%mul3A_2] : memref<2048xi32, #tpu.memory_space<hbm>> -> memref<64xi32, #tpu.memory_space<hbm>>
      %dma_wait3A_138 = tpu.memref_slice %arg3[%mul3A_2] : memref<2048xi32, #tpu.memory_space<hbm>> -> memref<64xi32, #tpu.memory_space<hbm>>
      tpu.wait_dma2 semaphore(%run_scoped3A : memref<!tpu.dma_semaphore, #tpu.memory_space<semaphore_mem>>) src(%dma_wait3A_138 : memref<64xi32, #tpu.memory_space<hbm>>) dst(%arg7 : memref<64xi32, #tpu.memory_space<vmem>>)
      tpu.yield
    }) : () -> ()
    "tpu.region"() ({
      %run_scoped3A = tpu.sem_alloc : memref<!tpu.dma_semaphore, #tpu.memory_space<semaphore_mem>>
      %dma_start3A_135 = arith.constant 0 : i32
      %dma_start3A_136 = tpu.memref_slice %arg4[%mul3A_2, %dma_start3A_135] : memref<2048x16xf32, #tpu.memory_space<hbm>> -> memref<64x16xf32, #tpu.memory_space<hbm>>
      %dma_start3A_137 = arith.constant 0 : i32
      %dma_start3A_138 = tpu.memref_slice %arg4[%mul3A_2, %dma_start3A_137] : memref<2048x16xf32, #tpu.memory_space<hbm>> -> memref<64x16xf32, #tpu.memory_space<hbm>>
      tpu.enqueue_dma source(%dma_start3A_138 : memref<64x16xf32, #tpu.memory_space<hbm>>) target(%arg10 : memref<64x16xf32, #tpu.memory_space<vmem>>) target_semaphore(%run_scoped3A : memref<!tpu.dma_semaphore, #tpu.memory_space<semaphore_mem>>)
      %dma_wait3A_139 = arith.constant 0 : i32
      %dma_wait3A_140 = tpu.memref_slice %arg4[%mul3A_2, %dma_wait3A_139] : memref<2048x16xf32, #tpu.memory_space<hbm>> -> memref<64x16xf32, #tpu.memory_space<hbm>>
      %dma_wait3A_141 = arith.constant 0 : i32
      %dma_wait3A_142 = tpu.memref_slice %arg4[%mul3A_2, %dma_wait3A_141] : memref<2048x16xf32, #tpu.memory_space<hbm>> -> memref<64x16xf32, #tpu.memory_space<hbm>>
      tpu.wait_dma2 semaphore(%run_scoped3A : memref<!tpu.dma_semaphore, #tpu.memory_space<semaphore_mem>>) src(%dma_wait3A_142 : memref<64x16xf32, #tpu.memory_space<hbm>>) dst(%arg10 : memref<64x16xf32, #tpu.memory_space<vmem>>)
      tpu.yield
    }) : () -> ()
    "tpu.region"() ({
      %run_scoped3A = tpu.sem_alloc : memref<!tpu.dma_semaphore, #tpu.memory_space<semaphore_mem>>
      %dma_start3A_135 = arith.constant 0 : i32
      %dma_start3A_136 = tpu.memref_slice %arg5[%mul3A_2, %dma_start3A_135] : memref<2048x16xf32, #tpu.memory_space<hbm>> -> memref<64x16xf32, #tpu.memory_space<hbm>>
      %dma_start3A_137 = arith.constant 0 : i32
      %dma_start3A_138 = tpu.memref_slice %arg5[%mul3A_2, %dma_start3A_137] : memref<2048x16xf32, #tpu.memory_space<hbm>> -> memref<64x16xf32, #tpu.memory_space<hbm>>
      tpu.enqueue_dma source(%dma_start3A_138 : memref<64x16xf32, #tpu.memory_space<hbm>>) target(%arg11 : memref<64x16xf32, #tpu.memory_space<vmem>>) target_semaphore(%run_scoped3A : memref<!tpu.dma_semaphore, #tpu.memory_space<semaphore_mem>>)
      %dma_wait3A_139 = arith.constant 0 : i32
      %dma_wait3A_140 = tpu.memref_slice %arg5[%mul3A_2, %dma_wait3A_139] : memref<2048x16xf32, #tpu.memory_space<hbm>> -> memref<64x16xf32, #tpu.memory_space<hbm>>
      %dma_wait3A_141 = arith.constant 0 : i32
      %dma_wait3A_142 = tpu.memref_slice %arg5[%mul3A_2, %dma_wait3A_141] : memref<2048x16xf32, #tpu.memory_space<hbm>> -> memref<64x16xf32, #tpu.memory_space<hbm>>
      tpu.wait_dma2 semaphore(%run_scoped3A : memref<!tpu.dma_semaphore, #tpu.memory_space<semaphore_mem>>) src(%dma_wait3A_142 : memref<64x16xf32, #tpu.memory_space<hbm>>) dst(%arg11 : memref<64x16xf32, #tpu.memory_space<vmem>>)
      tpu.yield
    }) : () -> ()
    %get3A = arith.constant 0 : index
    %get3A_3 = tpu.vector_load %arg7[%get3A] {strides = array<i32>} : memref<64xi32, #tpu.memory_space<vmem>>, vector<16xi32>,
    %get3A_4 = vector.shape_cast %get3A_3 : vector<16xi32> to vector<16xi32>
    %and3A = arith.constant 65535 : i32
    %and3A_5 = vector.broadcast %and3A : i32 to vector<16xi32>
    %and3A_6 = arith.andi %get3A_4, %and3A_5 : vector<16xi32>
    %dma_start3A = arith.constant 0 : i32
    %dma_start3A_7 = arith.constant 0 : i32
    %dma_start3A_8 = tpu.memref_slice %arg8[%dma_start3A, %dma_start3A_7] : memref<64x768xf32, #tpu.memory_space<vmem>> -> memref<16x768xf32, #tpu.memory_space<vmem>>
    %dma_start3A_9 = arith.constant 0 : i32
    %dma_start3A_10 = arith.constant 0 : i32
    %dma_start3A_11 = tpu.memref_slice %arg2[%dma_start3A_9, %dma_start3A_10] : memref<8704x768xf32, #tpu.memory_space<hbm>> -> memref<8704x768xf32, #tpu.memory_space<hbm>>
    tpu.enqueue_indirect_dma source(%dma_start3A_11 : memref<8704x768xf32, #tpu.memory_space<hbm>>) target(%dma_start3A_8 : memref<16x768xf32, #tpu.memory_space<vmem>>) offsets(%and3A_6 : vector<16xi32>) semaphore(%arg12 : memref<!tpu.dma_semaphore, #tpu.memory_space<semaphore_mem>>)
    %shift_right_arithmetic3A = arith.constant 16 : i32
    %shift_right_arithmetic3A_12 = vector.broadcast %shift_right_arithmetic3A : i32 to vector<16xi32>
    %shift_right_arithmetic3A_13 = arith.shrsi %get3A_4, %shift_right_arithmetic3A_12 : vector<16xi32>
    %dma_start3A_14 = arith.constant 0 : i32
    %dma_start3A_15 = arith.constant 0 : i32
    %dma_start3A_16 = tpu.memref_slice %arg9[%dma_start3A_14, %dma_start3A_15] : memref<64x768xf32, #tpu.memory_space<vmem>> -> memref<16x768xf32, #tpu.memory_space<vmem>>
    %dma_start3A_17 = arith.constant 0 : i32
    %dma_start3A_18 = arith.constant 0 : i32
    %dma_start3A_19 = tpu.memref_slice %arg2[%dma_start3A_17, %dma_start3A_18] : memref<8704x768xf32, #tpu.memory_space<hbm>> -> memref<8704x768xf32, #tpu.memory_space<hbm>>
    tpu.enqueue_indirect_dma source(%dma_start3A_19 : memref<8704x768xf32, #tpu.memory_space<hbm>>) target(%dma_start3A_16 : memref<16x768xf32, #tpu.memory_space<vmem>>) offsets(%shift_right_arithmetic3A_13 : vector<16xi32>) semaphore(%arg12 : memref<!tpu.dma_semaphore, #tpu.memory_space<semaphore_mem>>)
    %get3A_20 = arith.constant 16 : index
    %get3A_21 = tpu.vector_load %arg7[%get3A_20] {strides = array<i32>} : memref<64xi32, #tpu.memory_space<vmem>>, vector<16xi32>,
    %get3A_22 = vector.shape_cast %get3A_21 : vector<16xi32> to vector<16xi32>
    %and3A_23 = arith.constant 65535 : i32
    %and3A_24 = vector.broadcast %and3A_23 : i32 to vector<16xi32>
    %and3A_25 = arith.andi %get3A_22, %and3A_24 : vector<16xi32>
    %dma_start3A_26 = arith.constant 16 : i32
    %dma_start3A_27 = arith.constant 0 : i32
    %dma_start3A_28 = tpu.memref_slice %arg8[%dma_start3A_26, %dma_start3A_27] : memref<64x768xf32, #tpu.memory_space<vmem>> -> memref<16x768xf32, #tpu.memory_space<vmem>>
    %dma_start3A_29 = arith.constant 0 : i32
    %dma_start3A_30 = arith.constant 0 : i32
    %dma_start3A_31 = tpu.memref_slice %arg2[%dma_start3A_29, %dma_start3A_30] : memref<8704x768xf32, #tpu.memory_space<hbm>> -> memref<8704x768xf32, #tpu.memory_space<hbm>>
    tpu.enqueue_indirect_dma source(%dma_start3A_31 : memref<8704x768xf32, #tpu.memory_space<hbm>>) target(%dma_start3A_28 : memref<16x768xf32, #tpu.memory_space<vmem>>) offsets(%and3A_25 : vector<16xi32>) semaphore(%arg12 : memref<!tpu.dma_semaphore, #tpu.memory_space<semaphore_mem>>)
    %shift_right_arithmetic3A_32 = arith.constant 16 : i32
    %shift_right_arithmetic3A_33 = vector.broadcast %shift_right_arithmetic3A_32 : i32 to vector<16xi32>
    %shift_right_arithmetic3A_34 = arith.shrsi %get3A_22, %shift_right_arithmetic3A_33 : vector<16xi32>
    %dma_start3A_35 = arith.constant 16 : i32
    %dma_start3A_36 = arith.constant 0 : i32
    %dma_start3A_37 = tpu.memref_slice %arg9[%dma_start3A_35, %dma_start3A_36] : memref<64x768xf32, #tpu.memory_space<vmem>> -> memref<16x768xf32, #tpu.memory_space<vmem>>
    %dma_start3A_38 = arith.constant 0 : i32
    %dma_start3A_39 = arith.constant 0 : i32
    %dma_start3A_40 = tpu.memref_slice %arg2[%dma_start3A_38, %dma_start3A_39] : memref<8704x768xf32, #tpu.memory_space<hbm>> -> memref<8704x768xf32, #tpu.memory_space<hbm>>
    tpu.enqueue_indirect_dma source(%dma_start3A_40 : memref<8704x768xf32, #tpu.memory_space<hbm>>) target(%dma_start3A_37 : memref<16x768xf32, #tpu.memory_space<vmem>>) offsets(%shift_right_arithmetic3A_34 : vector<16xi32>) semaphore(%arg12 : memref<!tpu.dma_semaphore, #tpu.memory_space<semaphore_mem>>)
    %get3A_41 = arith.constant 32 : index
    %get3A_42 = tpu.vector_load %arg7[%get3A_41] {strides = array<i32>} : memref<64xi32, #tpu.memory_space<vmem>>, vector<16xi32>,
    %get3A_43 = vector.shape_cast %get3A_42 : vector<16xi32> to vector<16xi32>
    %and3A_44 = arith.constant 65535 : i32
    %and3A_45 = vector.broadcast %and3A_44 : i32 to vector<16xi32>
    %and3A_46 = arith.andi %get3A_43, %and3A_45 : vector<16xi32>
    %dma_start3A_47 = arith.constant 32 : i32
    %dma_start3A_48 = arith.constant 0 : i32
    %dma_start3A_49 = tpu.memref_slice %arg8[%dma_start3A_47, %dma_start3A_48] : memref<64x768xf32, #tpu.memory_space<vmem>> -> memref<16x768xf32, #tpu.memory_space<vmem>>
    %dma_start3A_50 = arith.constant 0 : i32
    %dma_start3A_51 = arith.constant 0 : i32
    %dma_start3A_52 = tpu.memref_slice %arg2[%dma_start3A_50, %dma_start3A_51] : memref<8704x768xf32, #tpu.memory_space<hbm>> -> memref<8704x768xf32, #tpu.memory_space<hbm>>
    tpu.enqueue_indirect_dma source(%dma_start3A_52 : memref<8704x768xf32, #tpu.memory_space<hbm>>) target(%dma_start3A_49 : memref<16x768xf32, #tpu.memory_space<vmem>>) offsets(%and3A_46 : vector<16xi32>) semaphore(%arg12 : memref<!tpu.dma_semaphore, #tpu.memory_space<semaphore_mem>>)
    %shift_right_arithmetic3A_53 = arith.constant 16 : i32
    %shift_right_arithmetic3A_54 = vector.broadcast %shift_right_arithmetic3A_53 : i32 to vector<16xi32>
    %shift_right_arithmetic3A_55 = arith.shrsi %get3A_43, %shift_right_arithmetic3A_54 : vector<16xi32>
    %dma_start3A_56 = arith.constant 32 : i32
    %dma_start3A_57 = arith.constant 0 : i32
    %dma_start3A_58 = tpu.memref_slice %arg9[%dma_start3A_56, %dma_start3A_57] : memref<64x768xf32, #tpu.memory_space<vmem>> -> memref<16x768xf32, #tpu.memory_space<vmem>>
    %dma_start3A_59 = arith.constant 0 : i32
    %dma_start3A_60 = arith.constant 0 : i32
    %dma_start3A_61 = tpu.memref_slice %arg2[%dma_start3A_59, %dma_start3A_60] : memref<8704x768xf32, #tpu.memory_space<hbm>> -> memref<8704x768xf32, #tpu.memory_space<hbm>>
    tpu.enqueue_indirect_dma source(%dma_start3A_61 : memref<8704x768xf32, #tpu.memory_space<hbm>>) target(%dma_start3A_58 : memref<16x768xf32, #tpu.memory_space<vmem>>) offsets(%shift_right_arithmetic3A_55 : vector<16xi32>) semaphore(%arg12 : memref<!tpu.dma_semaphore, #tpu.memory_space<semaphore_mem>>)
    %get3A_62 = arith.constant 48 : index
    %get3A_63 = tpu.vector_load %arg7[%get3A_62] {strides = array<i32>} : memref<64xi32, #tpu.memory_space<vmem>>, vector<16xi32>,
    %get3A_64 = vector.shape_cast %get3A_63 : vector<16xi32> to vector<16xi32>
    %and3A_65 = arith.constant 65535 : i32
    %and3A_66 = vector.broadcast %and3A_65 : i32 to vector<16xi32>
    %and3A_67 = arith.andi %get3A_64, %and3A_66 : vector<16xi32>
    %dma_start3A_68 = arith.constant 48 : i32
    %dma_start3A_69 = arith.constant 0 : i32
    %dma_start3A_70 = tpu.memref_slice %arg8[%dma_start3A_68, %dma_start3A_69] : memref<64x768xf32, #tpu.memory_space<vmem>> -> memref<16x768xf32, #tpu.memory_space<vmem>>
    %dma_start3A_71 = arith.constant 0 : i32
    %dma_start3A_72 = arith.constant 0 : i32
    %dma_start3A_73 = tpu.memref_slice %arg2[%dma_start3A_71, %dma_start3A_72] : memref<8704x768xf32, #tpu.memory_space<hbm>> -> memref<8704x768xf32, #tpu.memory_space<hbm>>
    tpu.enqueue_indirect_dma source(%dma_start3A_73 : memref<8704x768xf32, #tpu.memory_space<hbm>>) target(%dma_start3A_70 : memref<16x768xf32, #tpu.memory_space<vmem>>) offsets(%and3A_67 : vector<16xi32>) semaphore(%arg12 : memref<!tpu.dma_semaphore, #tpu.memory_space<semaphore_mem>>)
    %shift_right_arithmetic3A_74 = arith.constant 16 : i32
    %shift_right_arithmetic3A_75 = vector.broadcast %shift_right_arithmetic3A_74 : i32 to vector<16xi32>
    %shift_right_arithmetic3A_76 = arith.shrsi %get3A_64, %shift_right_arithmetic3A_75 : vector<16xi32>
    %dma_start3A_77 = arith.constant 48 : i32
    %dma_start3A_78 = arith.constant 0 : i32
    %dma_start3A_79 = tpu.memref_slice %arg9[%dma_start3A_77, %dma_start3A_78] : memref<64x768xf32, #tpu.memory_space<vmem>> -> memref<16x768xf32, #tpu.memory_space<vmem>>
    %dma_start3A_80 = arith.constant 0 : i32
    %dma_start3A_81 = arith.constant 0 : i32
    %dma_start3A_82 = tpu.memref_slice %arg2[%dma_start3A_80, %dma_start3A_81] : memref<8704x768xf32, #tpu.memory_space<hbm>> -> memref<8704x768xf32, #tpu.memory_space<hbm>>
    tpu.enqueue_indirect_dma source(%dma_start3A_82 : memref<8704x768xf32, #tpu.memory_space<hbm>>) target(%dma_start3A_79 : memref<16x768xf32, #tpu.memory_space<vmem>>) offsets(%shift_right_arithmetic3A_76 : vector<16xi32>) semaphore(%arg12 : memref<!tpu.dma_semaphore, #tpu.memory_space<semaphore_mem>>)
    %dma_wait3A = arith.constant 0 : i32
    %dma_wait3A_83 = arith.constant 0 : i32
    %dma_wait3A_84 = tpu.memref_slice %arg8[%dma_wait3A, %dma_wait3A_83] : memref<64x768xf32, #tpu.memory_space<vmem>> -> memref<16x768xf32, #tpu.memory_space<vmem>>
    %dma_wait3A_85 = arith.constant 0 : i32
    %dma_wait3A_86 = arith.constant 0 : i32
    %dma_wait3A_87 = tpu.memref_slice %arg2[%dma_wait3A_85, %dma_wait3A_86] : memref<8704x768xf32, #tpu.memory_space<hbm>> -> memref<8704x768xf32, #tpu.memory_space<hbm>>
    tpu.wait_indirect_dma semaphore(%arg12 : memref<!tpu.dma_semaphore, #tpu.memory_space<semaphore_mem>>) src(%dma_wait3A_87 : memref<8704x768xf32, #tpu.memory_space<hbm>>) dst(%dma_wait3A_84 : memref<16x768xf32, #tpu.memory_space<vmem>>)
    %dma_wait3A_88 = arith.constant 0 : i32
    %dma_wait3A_89 = arith.constant 0 : i32
    %dma_wait3A_90 = tpu.memref_slice %arg9[%dma_wait3A_88, %dma_wait3A_89] : memref<64x768xf32, #tpu.memory_space<vmem>> -> memref<16x768xf32, #tpu.memory_space<vmem>>
    %dma_wait3A_91 = arith.constant 0 : i32
    %dma_wait3A_92 = arith.constant 0 : i32
    %dma_wait3A_93 = tpu.memref_slice %arg2[%dma_wait3A_91, %dma_wait3A_92] : memref<8704x768xf32, #tpu.memory_space<hbm>> -> memref<8704x768xf32, #tpu.memory_space<hbm>>
    tpu.wait_indirect_dma semaphore(%arg12 : memref<!tpu.dma_semaphore, #tpu.memory_space<semaphore_mem>>) src(%dma_wait3A_93 : memref<8704x768xf32, #tpu.memory_space<hbm>>) dst(%dma_wait3A_90 : memref<16x768xf32, #tpu.memory_space<vmem>>)
    %dma_wait3A_94 = arith.constant 16 : i32
    %dma_wait3A_95 = arith.constant 0 : i32
    %dma_wait3A_96 = tpu.memref_slice %arg8[%dma_wait3A_94, %dma_wait3A_95] : memref<64x768xf32, #tpu.memory_space<vmem>> -> memref<16x768xf32, #tpu.memory_space<vmem>>
    %dma_wait3A_97 = arith.constant 0 : i32
    %dma_wait3A_98 = arith.constant 0 : i32
    %dma_wait3A_99 = tpu.memref_slice %arg2[%dma_wait3A_97, %dma_wait3A_98] : memref<8704x768xf32, #tpu.memory_space<hbm>> -> memref<8704x768xf32, #tpu.memory_space<hbm>>
    tpu.wait_indirect_dma semaphore(%arg12 : memref<!tpu.dma_semaphore, #tpu.memory_space<semaphore_mem>>) src(%dma_wait3A_99 : memref<8704x768xf32, #tpu.memory_space<hbm>>) dst(%dma_wait3A_96 : memref<16x768xf32, #tpu.memory_space<vmem>>)
    %dma_wait3A_100 = arith.constant 16 : i32
    %dma_wait3A_101 = arith.constant 0 : i32
    %dma_wait3A_102 = tpu.memref_slice %arg9[%dma_wait3A_100, %dma_wait3A_101] : memref<64x768xf32, #tpu.memory_space<vmem>> -> memref<16x768xf32, #tpu.memory_space<vmem>>
    %dma_wait3A_103 = arith.constant 0 : i32
    %dma_wait3A_104 = arith.constant 0 : i32
    %dma_wait3A_105 = tpu.memref_slice %arg2[%dma_wait3A_103, %dma_wait3A_104] : memref<8704x768xf32, #tpu.memory_space<hbm>> -> memref<8704x768xf32, #tpu.memory_space<hbm>>
    tpu.wait_indirect_dma semaphore(%arg12 : memref<!tpu.dma_semaphore, #tpu.memory_space<semaphore_mem>>) src(%dma_wait3A_105 : memref<8704x768xf32, #tpu.memory_space<hbm>>) dst(%dma_wait3A_102 : memref<16x768xf32, #tpu.memory_space<vmem>>)
    %dma_wait3A_106 = arith.constant 32 : i32
    %dma_wait3A_107 = arith.constant 0 : i32
    %dma_wait3A_108 = tpu.memref_slice %arg8[%dma_wait3A_106, %dma_wait3A_107] : memref<64x768xf32, #tpu.memory_space<vmem>> -> memref<16x768xf32, #tpu.memory_space<vmem>>
    %dma_wait3A_109 = arith.constant 0 : i32
    %dma_wait3A_110 = arith.constant 0 : i32
    %dma_wait3A_111 = tpu.memref_slice %arg2[%dma_wait3A_109, %dma_wait3A_110] : memref<8704x768xf32, #tpu.memory_space<hbm>> -> memref<8704x768xf32, #tpu.memory_space<hbm>>
    tpu.wait_indirect_dma semaphore(%arg12 : memref<!tpu.dma_semaphore, #tpu.memory_space<semaphore_mem>>) src(%dma_wait3A_111 : memref<8704x768xf32, #tpu.memory_space<hbm>>) dst(%dma_wait3A_108 : memref<16x768xf32, #tpu.memory_space<vmem>>)
    %dma_wait3A_112 = arith.constant 32 : i32
    %dma_wait3A_113 = arith.constant 0 : i32
    %dma_wait3A_114 = tpu.memref_slice %arg9[%dma_wait3A_112, %dma_wait3A_113] : memref<64x768xf32, #tpu.memory_space<vmem>> -> memref<16x768xf32, #tpu.memory_space<vmem>>
    %dma_wait3A_115 = arith.constant 0 : i32
    %dma_wait3A_116 = arith.constant 0 : i32
    %dma_wait3A_117 = tpu.memref_slice %arg2[%dma_wait3A_115, %dma_wait3A_116] : memref<8704x768xf32, #tpu.memory_space<hbm>> -> memref<8704x768xf32, #tpu.memory_space<hbm>>
    tpu.wait_indirect_dma semaphore(%arg12 : memref<!tpu.dma_semaphore, #tpu.memory_space<semaphore_mem>>) src(%dma_wait3A_117 : memref<8704x768xf32, #tpu.memory_space<hbm>>) dst(%dma_wait3A_114 : memref<16x768xf32, #tpu.memory_space<vmem>>)
    %dma_wait3A_118 = arith.constant 48 : i32
    %dma_wait3A_119 = arith.constant 0 : i32
    %dma_wait3A_120 = tpu.memref_slice %arg8[%dma_wait3A_118, %dma_wait3A_119] : memref<64x768xf32, #tpu.memory_space<vmem>> -> memref<16x768xf32, #tpu.memory_space<vmem>>
    %dma_wait3A_121 = arith.constant 0 : i32
    %dma_wait3A_122 = arith.constant 0 : i32
    %dma_wait3A_123 = tpu.memref_slice %arg2[%dma_wait3A_121, %dma_wait3A_122] : memref<8704x768xf32, #tpu.memory_space<hbm>> -> memref<8704x768xf32, #tpu.memory_space<hbm>>
    tpu.wait_indirect_dma semaphore(%arg12 : memref<!tpu.dma_semaphore, #tpu.memory_space<semaphore_mem>>) src(%dma_wait3A_123 : memref<8704x768xf32, #tpu.memory_space<hbm>>) dst(%dma_wait3A_120 : memref<16x768xf32, #tpu.memory_space<vmem>>)
    %dma_wait3A_124 = arith.constant 48 : i32
    %dma_wait3A_125 = arith.constant 0 : i32
    %dma_wait3A_126 = tpu.memref_slice %arg9[%dma_wait3A_124, %dma_wait3A_125] : memref<64x768xf32, #tpu.memory_space<vmem>> -> memref<16x768xf32, #tpu.memory_space<vmem>>
    %dma_wait3A_127 = arith.constant 0 : i32
    %dma_wait3A_128 = arith.constant 0 : i32
    %dma_wait3A_129 = tpu.memref_slice %arg2[%dma_wait3A_127, %dma_wait3A_128] : memref<8704x768xf32, #tpu.memory_space<hbm>> -> memref<8704x768xf32, #tpu.memory_space<hbm>>
    tpu.wait_indirect_dma semaphore(%arg12 : memref<!tpu.dma_semaphore, #tpu.memory_space<semaphore_mem>>) src(%dma_wait3A_129 : memref<8704x768xf32, #tpu.memory_space<hbm>>) dst(%dma_wait3A_126 : memref<16x768xf32, #tpu.memory_space<vmem>>)
    %scan3A = arith.constant 0 : i32
    %scan3A_130 = arith.constant 0 : i32
    %scan3A_131 = arith.constant 64 : i32
    %scan3A_132 = arith.addi %scan3A_130, %scan3A_131 : i32
    %scan3A_133 = arith.constant 1 : i32
    scf.for %scan3A_135 = %scan3A_130 to %scan3A_132 step %scan3A_133  : i32 {
      %get3A_136 = arith.index_cast %scan3A_135 : i32 to index
      %get3A_137 = arith.constant 0 : index
      %get3A_138 = tpu.vector_load %arg10[%get3A_136, %get3A_137] {strides = array<i32>} : memref<64x16xf32, #tpu.memory_space<vmem>>, vector<1x16xf32>,
      %get3A_139 = vector.shape_cast %get3A_138 : vector<1x16xf32> to vector<16xf32>
      %get3A_140 = arith.index_cast %scan3A_135 : i32 to index
      %get3A_141 = arith.constant 0 : index
      %get3A_142 = tpu.vector_load %arg11[%get3A_140, %get3A_141] {strides = array<i32>} : memref<64x16xf32, #tpu.memory_space<vmem>>, vector<1x16xf32>,
      %get3A_143 = vector.shape_cast %get3A_142 : vector<1x16xf32> to vector<16xf32>
      %get3A_144 = arith.index_cast %scan3A_135 : i32 to index
      %get3A_145 = arith.constant 0 : index
      %get3A_146 = tpu.vector_load %arg8[%get3A_144, %get3A_145] {strides = array<i32>} : memref<64x768xf32, #tpu.memory_space<vmem>>, vector<1x16xf32>,
      %get3A_147 = vector.shape_cast %get3A_146 : vector<1x16xf32> to vector<16xf32>
      %mul3A_148 = arith.mulf %get3A_147, %get3A_139 : vector<16xf32>
      %get3A_149 = arith.index_cast %scan3A_135 : i32 to index
      %get3A_150 = arith.constant 0 : index
      %get3A_151 = tpu.vector_load %arg9[%get3A_149, %get3A_150] {strides = array<i32>} : memref<64x768xf32, #tpu.memory_space<vmem>>, vector<1x16xf32>,
      %get3A_152 = vector.shape_cast %get3A_151 : vector<1x16xf32> to vector<16xf32>
      %mul3A_153 = arith.mulf %get3A_152, %get3A_143 : vector<16xf32>
      %add3A_154 = arith.addf %mul3A_148, %mul3A_153 : vector<16xf32>
      %swap3A = arith.index_cast %scan3A_135 : i32 to index
      %swap3A_155 = arith.constant 0 : index
      %swap3A_156 = tpu.vector_load %arg8[%swap3A, %swap3A_155] {strides = array<i32>} : memref<64x768xf32, #tpu.memory_space<vmem>>, vector<1x16xf32>,
      %swap3A_157 = vector.shape_cast %swap3A_156 : vector<1x16xf32> to vector<16xf32>
      %swap3A_158 = vector.shape_cast %add3A_154 : vector<16xf32> to vector<1x16xf32>
      tpu.vector_store %arg8[%swap3A, %swap3A_155], %swap3A_158 {strides = array<i32>} : memref<64x768xf32, #tpu.memory_space<vmem>>, vector<1x16xf32>,
      %get3A_159 = arith.index_cast %scan3A_135 : i32 to index
      %get3A_160 = arith.constant 16 : index
      %get3A_161 = tpu.vector_load %arg8[%get3A_159, %get3A_160] {strides = array<i32>} : memref<64x768xf32, #tpu.memory_space<vmem>>, vector<1x16xf32>,
      %get3A_162 = vector.shape_cast %get3A_161 : vector<1x16xf32> to vector<16xf32>
      %mul3A_163 = arith.mulf %get3A_162, %get3A_139 : vector<16xf32>
      %get3A_164 = arith.index_cast %scan3A_135 : i32 to index
      %get3A_165 = arith.constant 16 : index
      %get3A_166 = tpu.vector_load %arg9[%get3A_164, %get3A_165] {strides = array<i32>} : memref<64x768xf32, #tpu.memory_space<vmem>>, vector<1x16xf32>,
      %get3A_167 = vector.shape_cast %get3A_166 : vector<1x16xf32> to vector<16xf32>
      %mul3A_168 = arith.mulf %get3A_167, %get3A_143 : vector<16xf32>
      %add3A_169 = arith.addf %mul3A_163, %mul3A_168 : vector<16xf32>
      %swap3A_170 = arith.index_cast %scan3A_135 : i32 to index
      %swap3A_171 = arith.constant 16 : index
      %swap3A_172 = tpu.vector_load %arg8[%swap3A_170, %swap3A_171] {strides = array<i32>} : memref<64x768xf32, #tpu.memory_space<vmem>>, vector<1x16xf32>,
      %swap3A_173 = vector.shape_cast %swap3A_172 : vector<1x16xf32> to vector<16xf32>
      %swap3A_174 = vector.shape_cast %add3A_169 : vector<16xf32> to vector<1x16xf32>
      tpu.vector_store %arg8[%swap3A_170, %swap3A_171], %swap3A_174 {strides = array<i32>} : memref<64x768xf32, #tpu.memory_space<vmem>>, vector<1x16xf32>,
      %get3A_175 = arith.index_cast %scan3A_135 : i32 to index
      %get3A_176 = arith.constant 32 : index
      %get3A_177 = tpu.vector_load %arg8[%get3A_175, %get3A_176] {strides = array<i32>} : memref<64x768xf32, #tpu.memory_space<vmem>>, vector<1x16xf32>,
      %get3A_178 = vector.shape_cast %get3A_177 : vector<1x16xf32> to vector<16xf32>
      %mul3A_179 = arith.mulf %get3A_178, %get3A_139 : vector<16xf32>
      %get3A_180 = arith.index_cast %scan3A_135 : i32 to index
      %get3A_181 = arith.constant 32 : index
      %get3A_182 = tpu.vector_load %arg9[%get3A_180, %get3A_181] {strides = array<i32>} : memref<64x768xf32, #tpu.memory_space<vmem>>, vector<1x16xf32>,
      %get3A_183 = vector.shape_cast %get3A_182 : vector<1x16xf32> to vector<16xf32>
      %mul3A_184 = arith.mulf %get3A_183, %get3A_143 : vector<16xf32>
      %add3A_185 = arith.addf %mul3A_179, %mul3A_184 : vector<16xf32>
      %swap3A_186 = arith.index_cast %scan3A_135 : i32 to index
      %swap3A_187 = arith.constant 32 : index
      %swap3A_188 = tpu.vector_load %arg8[%swap3A_186, %swap3A_187] {strides = array<i32>} : memref<64x768xf32, #tpu.memory_space<vmem>>, vector<1x16xf32>,
      %swap3A_189 = vector.shape_cast %swap3A_188 : vector<1x16xf32> to vector<16xf32>
      %swap3A_190 = vector.shape_cast %add3A_185 : vector<16xf32> to vector<1x16xf32>
      tpu.vector_store %arg8[%swap3A_186, %swap3A_187], %swap3A_190 {strides = array<i32>} : memref<64x768xf32, #tpu.memory_space<vmem>>, vector<1x16xf32>,
      %get3A_191 = arith.index_cast %scan3A_135 : i32 to index
      %get3A_192 = arith.constant 48 : index
      %get3A_193 = tpu.vector_load %arg8[%get3A_191, %get3A_192] {strides = array<i32>} : memref<64x768xf32, #tpu.memory_space<vmem>>, vector<1x16xf32>,
      %get3A_194 = vector.shape_cast %get3A_193 : vector<1x16xf32> to vector<16xf32>
      %mul3A_195 = arith.mulf %get3A_194, %get3A_139 : vector<16xf32>
      %get3A_196 = arith.index_cast %scan3A_135 : i32 to index
      %get3A_197 = arith.constant 48 : index
      %get3A_198 = tpu.vector_load %arg9[%get3A_196, %get3A_197] {strides = array<i32>} : memref<64x768xf32, #tpu.memory_space<vmem>>, vector<1x16xf32>,
      %get3A_199 = vector.shape_cast %get3A_198 : vector<1x16xf32> to vector<16xf32>
      %mul3A_200 = arith.mulf %get3A_199, %get3A_143 : vector<16xf32>
      %add3A_201 = arith.addf %mul3A_195, %mul3A_200 : vector<16xf32>
      %swap3A_202 = arith.index_cast %scan3A_135 : i32 to index
      %swap3A_203 = arith.constant 48 : index
      %swap3A_204 = tpu.vector_load %arg8[%swap3A_202, %swap3A_203] {strides = array<i32>} : memref<64x768xf32, #tpu.memory_space<vmem>>, vector<1x16xf32>,
      %swap3A_205 = vector.shape_cast %swap3A_204 : vector<1x16xf32> to vector<16xf32>
      %swap3A_206 = vector.shape_cast %add3A_201 : vector<16xf32> to vector<1x16xf32>
      tpu.vector_store %arg8[%swap3A_202, %swap3A_203], %swap3A_206 {strides = array<i32>} : memref<64x768xf32, #tpu.memory_space<vmem>>, vector<1x16xf32>,
      %get3A_207 = arith.index_cast %scan3A_135 : i32 to index
      %get3A_208 = arith.constant 64 : index
      %get3A_209 = tpu.vector_load %arg8[%get3A_207, %get3A_208] {strides = array<i32>} : memref<64x768xf32, #tpu.memory_space<vmem>>, vector<1x16xf32>,
      %get3A_210 = vector.shape_cast %get3A_209 : vector<1x16xf32> to vector<16xf32>
      %mul3A_211 = arith.mulf %get3A_210, %get3A_139 : vector<16xf32>
      %get3A_212 = arith.index_cast %scan3A_135 : i32 to index
      %get3A_213 = arith.constant 64 : index
      %get3A_214 = tpu.vector_load %arg9[%get3A_212, %get3A_213] {strides = array<i32>} : memref<64x768xf32, #tpu.memory_space<vmem>>, vector<1x16xf32>,
      %get3A_215 = vector.shape_cast %get3A_214 : vector<1x16xf32> to vector<16xf32>
      %mul3A_216 = arith.mulf %get3A_215, %get3A_143 : vector<16xf32>
      %add3A_217 = arith.addf %mul3A_211, %mul3A_216 : vector<16xf32>
      %swap3A_218 = arith.index_cast %scan3A_135 : i32 to index
      %swap3A_219 = arith.constant 64 : index
      %swap3A_220 = tpu.vector_load %arg8[%swap3A_218, %swap3A_219] {strides = array<i32>} : memref<64x768xf32, #tpu.memory_space<vmem>>, vector<1x16xf32>,
      %swap3A_221 = vector.shape_cast %swap3A_220 : vector<1x16xf32> to vector<16xf32>
      %swap3A_222 = vector.shape_cast %add3A_217 : vector<16xf32> to vector<1x16xf32>
      tpu.vector_store %arg8[%swap3A_218, %swap3A_219], %swap3A_222 {strides = array<i32>} : memref<64x768xf32, #tpu.memory_space<vmem>>, vector<1x16xf32>,
      %get3A_223 = arith.index_cast %scan3A_135 : i32 to index
      %get3A_224 = arith.constant 80 : index
      %get3A_225 = tpu.vector_load %arg8[%get3A_223, %get3A_224] {strides = array<i32>} : memref<64x768xf32, #tpu.memory_space<vmem>>, vector<1x16xf32>,
      %get3A_226 = vector.shape_cast %get3A_225 : vector<1x16xf32> to vector<16xf32>
      %mul3A_227 = arith.mulf %get3A_226, %get3A_139 : vector<16xf32>
      %get3A_228 = arith.index_cast %scan3A_135 : i32 to index
      %get3A_229 = arith.constant 80 : index
      %get3A_230 = tpu.vector_load %arg9[%get3A_228, %get3A_229] {strides = array<i32>} : memref<64x768xf32, #tpu.memory_space<vmem>>, vector<1x16xf32>,
      %get3A_231 = vector.shape_cast %get3A_230 : vector<1x16xf32> to vector<16xf32>
      %mul3A_232 = arith.mulf %get3A_231, %get3A_143 : vector<16xf32>
      %add3A_233 = arith.addf %mul3A_227, %mul3A_232 : vector<16xf32>
      %swap3A_234 = arith.index_cast %scan3A_135 : i32 to index
      %swap3A_235 = arith.constant 80 : index
      %swap3A_236 = tpu.vector_load %arg8[%swap3A_234, %swap3A_235] {strides = array<i32>} : memref<64x768xf32, #tpu.memory_space<vmem>>, vector<1x16xf32>,
      %swap3A_237 = vector.shape_cast %swap3A_236 : vector<1x16xf32> to vector<16xf32>
      %swap3A_238 = vector.shape_cast %add3A_233 : vector<16xf32> to vector<1x16xf32>
      tpu.vector_store %arg8[%swap3A_234, %swap3A_235], %swap3A_238 {strides = array<i32>} : memref<64x768xf32, #tpu.memory_space<vmem>>, vector<1x16xf32>,
      %get3A_239 = arith.index_cast %scan3A_135 : i32 to index
      %get3A_240 = arith.constant 96 : index
      %get3A_241 = tpu.vector_load %arg8[%get3A_239, %get3A_240] {strides = array<i32>} : memref<64x768xf32, #tpu.memory_space<vmem>>, vector<1x16xf32>,
      %get3A_242 = vector.shape_cast %get3A_241 : vector<1x16xf32> to vector<16xf32>
      %mul3A_243 = arith.mulf %get3A_242, %get3A_139 : vector<16xf32>
      %get3A_244 = arith.index_cast %scan3A_135 : i32 to index
      %get3A_245 = arith.constant 96 : index
      %get3A_246 = tpu.vector_load %arg9[%get3A_244, %get3A_245] {strides = array<i32>} : memref<64x768xf32, #tpu.memory_space<vmem>>, vector<1x16xf32>,
      %get3A_247 = vector.shape_cast %get3A_246 : vector<1x16xf32> to vector<16xf32>
      %mul3A_248 = arith.mulf %get3A_247, %get3A_143 : vector<16xf32>
      %add3A_249 = arith.addf %mul3A_243, %mul3A_248 : vector<16xf32>
      %swap3A_250 = arith.index_cast %scan3A_135 : i32 to index
      %swap3A_251 = arith.constant 96 : index
      %swap3A_252 = tpu.vector_load %arg8[%swap3A_250, %swap3A_251] {strides = array<i32>} : memref<64x768xf32, #tpu.memory_space<vmem>>, vector<1x16xf32>,
      %swap3A_253 = vector.shape_cast %swap3A_252 : vector<1x16xf32> to vector<16xf32>
      %swap3A_254 = vector.shape_cast %add3A_249 : vector<16xf32> to vector<1x16xf32>
      tpu.vector_store %arg8[%swap3A_250, %swap3A_251], %swap3A_254 {strides = array<i32>} : memref<64x768xf32, #tpu.memory_space<vmem>>, vector<1x16xf32>,
      %get3A_255 = arith.index_cast %scan3A_135 : i32 to index
      %get3A_256 = arith.constant 112 : index
      %get3A_257 = tpu.vector_load %arg8[%get3A_255, %get3A_256] {strides = array<i32>} : memref<64x768xf32, #tpu.memory_space<vmem>>, vector<1x16xf32>,
      %get3A_258 = vector.shape_cast %get3A_257 : vector<1x16xf32> to vector<16xf32>
      %mul3A_259 = arith.mulf %get3A_258, %get3A_139 : vector<16xf32>
      %get3A_260 = arith.index_cast %scan3A_135 : i32 to index
      %get3A_261 = arith.constant 112 : index
      %get3A_262 = tpu.vector_load %arg9[%get3A_260, %get3A_261] {strides = array<i32>} : memref<64x768xf32, #tpu.memory_space<vmem>>, vector<1x16xf32>,
      %get3A_263 = vector.shape_cast %get3A_262 : vector<1x16xf32> to vector<16xf32>
      %mul3A_264 = arith.mulf %get3A_263, %get3A_143 : vector<16xf32>
      %add3A_265 = arith.addf %mul3A_259, %mul3A_264 : vector<16xf32>
      %swap3A_266 = arith.index_cast %scan3A_135 : i32 to index
      %swap3A_267 = arith.constant 112 : index
      %swap3A_268 = tpu.vector_load %arg8[%swap3A_266, %swap3A_267] {strides = array<i32>} : memref<64x768xf32, #tpu.memory_space<vmem>>, vector<1x16xf32>,
      %swap3A_269 = vector.shape_cast %swap3A_268 : vector<1x16xf32> to vector<16xf32>
      %swap3A_270 = vector.shape_cast %add3A_265 : vector<16xf32> to vector<1x16xf32>
      tpu.vector_store %arg8[%swap3A_266, %swap3A_267], %swap3A_270 {strides = array<i32>} : memref<64x768xf32, #tpu.memory_space<vmem>>, vector<1x16xf32>,
      %get3A_271 = arith.index_cast %scan3A_135 : i32 to index
      %get3A_272 = arith.constant 128 : index
      %get3A_273 = tpu.vector_load %arg8[%get3A_271, %get3A_272] {strides = array<i32>} : memref<64x768xf32, #tpu.memory_space<vmem>>, vector<1x16xf32>,
      %get3A_274 = vector.shape_cast %get3A_273 : vector<1x16xf32> to vector<16xf32>
      %mul3A_275 = arith.mulf %get3A_274, %get3A_139 : vector<16xf32>
      %get3A_276 = arith.index_cast %scan3A_135 : i32 to index
      %get3A_277 = arith.constant 128 : index
      %get3A_278 = tpu.vector_load %arg9[%get3A_276, %get3A_277] {strides = array<i32>} : memref<64x768xf32, #tpu.memory_space<vmem>>, vector<1x16xf32>,
      %get3A_279 = vector.shape_cast %get3A_278 : vector<1x16xf32> to vector<16xf32>
      %mul3A_280 = arith.mulf %get3A_279, %get3A_143 : vector<16xf32>
      %add3A_281 = arith.addf %mul3A_275, %mul3A_280 : vector<16xf32>
      %swap3A_282 = arith.index_cast %scan3A_135 : i32 to index
      %swap3A_283 = arith.constant 128 : index
      %swap3A_284 = tpu.vector_load %arg8[%swap3A_282, %swap3A_283] {strides = array<i32>} : memref<64x768xf32, #tpu.memory_space<vmem>>, vector<1x16xf32>,
      %swap3A_285 = vector.shape_cast %swap3A_284 : vector<1x16xf32> to vector<16xf32>
      %swap3A_286 = vector.shape_cast %add3A_281 : vector<16xf32> to vector<1x16xf32>
      tpu.vector_store %arg8[%swap3A_282, %swap3A_283], %swap3A_286 {strides = array<i32>} : memref<64x768xf32, #tpu.memory_space<vmem>>, vector<1x16xf32>,
      %get3A_287 = arith.index_cast %scan3A_135 : i32 to index
      %get3A_288 = arith.constant 144 : index
      %get3A_289 = tpu.vector_load %arg8[%get3A_287, %get3A_288] {strides = array<i32>} : memref<64x768xf32, #tpu.memory_space<vmem>>, vector<1x16xf32>,
      %get3A_290 = vector.shape_cast %get3A_289 : vector<1x16xf32> to vector<16xf32>
      %mul3A_291 = arith.mulf %get3A_290, %get3A_139 : vector<16xf32>
      %get3A_292 = arith.index_cast %scan3A_135 : i32 to index
      %get3A_293 = arith.constant 144 : index
      %get3A_294 = tpu.vector_load %arg9[%get3A_292, %get3A_293] {strides = array<i32>} : memref<64x768xf32, #tpu.memory_space<vmem>>, vector<1x16xf32>,
      %get3A_295 = vector.shape_cast %get3A_294 : vector<1x16xf32> to vector<16xf32>
      %mul3A_296 = arith.mulf %get3A_295, %get3A_143 : vector<16xf32>
      %add3A_297 = arith.addf %mul3A_291, %mul3A_296 : vector<16xf32>
      %swap3A_298 = arith.index_cast %scan3A_135 : i32 to index
      %swap3A_299 = arith.constant 144 : index
      %swap3A_300 = tpu.vector_load %arg8[%swap3A_298, %swap3A_299] {strides = array<i32>} : memref<64x768xf32, #tpu.memory_space<vmem>>, vector<1x16xf32>,
      %swap3A_301 = vector.shape_cast %swap3A_300 : vector<1x16xf32> to vector<16xf32>
      %swap3A_302 = vector.shape_cast %add3A_297 : vector<16xf32> to vector<1x16xf32>
      tpu.vector_store %arg8[%swap3A_298, %swap3A_299], %swap3A_302 {strides = array<i32>} : memref<64x768xf32, #tpu.memory_space<vmem>>, vector<1x16xf32>,
      %get3A_303 = arith.index_cast %scan3A_135 : i32 to index
      %get3A_304 = arith.constant 160 : index
      %get3A_305 = tpu.vector_load %arg8[%get3A_303, %get3A_304] {strides = array<i32>} : memref<64x768xf32, #tpu.memory_space<vmem>>, vector<1x16xf32>,
      %get3A_306 = vector.shape_cast %get3A_305 : vector<1x16xf32> to vector<16xf32>
      %mul3A_307 = arith.mulf %get3A_306, %get3A_139 : vector<16xf32>
      %get3A_308 = arith.index_cast %scan3A_135 : i32 to index
      %get3A_309 = arith.constant 160 : index
      %get3A_310 = tpu.vector_load %arg9[%get3A_308, %get3A_309] {strides = array<i32>} : memref<64x768xf32, #tpu.memory_space<vmem>>, vector<1x16xf32>,
      %get3A_311 = vector.shape_cast %get3A_310 : vector<1x16xf32> to vector<16xf32>
      %mul3A_312 = arith.mulf %get3A_311, %get3A_143 : vector<16xf32>
      %add3A_313 = arith.addf %mul3A_307, %mul3A_312 : vector<16xf32>
      %swap3A_314 = arith.index_cast %scan3A_135 : i32 to index
      %swap3A_315 = arith.constant 160 : index
      %swap3A_316 = tpu.vector_load %arg8[%swap3A_314, %swap3A_315] {strides = array<i32>} : memref<64x768xf32, #tpu.memory_space<vmem>>, vector<1x16xf32>,
      %swap3A_317 = vector.shape_cast %swap3A_316 : vector<1x16xf32> to vector<16xf32>
      %swap3A_318 = vector.shape_cast %add3A_313 : vector<16xf32> to vector<1x16xf32>
      tpu.vector_store %arg8[%swap3A_314, %swap3A_315], %swap3A_318 {strides = array<i32>} : memref<64x768xf32, #tpu.memory_space<vmem>>, vector<1x16xf32>,
      %get3A_319 = arith.index_cast %scan3A_135 : i32 to index
      %get3A_320 = arith.constant 176 : index
      %get3A_321 = tpu.vector_load %arg8[%get3A_319, %get3A_320] {strides = array<i32>} : memref<64x768xf32, #tpu.memory_space<vmem>>, vector<1x16xf32>,
      %get3A_322 = vector.shape_cast %get3A_321 : vector<1x16xf32> to vector<16xf32>
      %mul3A_323 = arith.mulf %get3A_322, %get3A_139 : vector<16xf32>
      %get3A_324 = arith.index_cast %scan3A_135 : i32 to index
      %get3A_325 = arith.constant 176 : index
      %get3A_326 = tpu.vector_load %arg9[%get3A_324, %get3A_325] {strides = array<i32>} : memref<64x768xf32, #tpu.memory_space<vmem>>, vector<1x16xf32>,
      %get3A_327 = vector.shape_cast %get3A_326 : vector<1x16xf32> to vector<16xf32>
      %mul3A_328 = arith.mulf %get3A_327, %get3A_143 : vector<16xf32>
      %add3A_329 = arith.addf %mul3A_323, %mul3A_328 : vector<16xf32>
      %swap3A_330 = arith.index_cast %scan3A_135 : i32 to index
      %swap3A_331 = arith.constant 176 : index
      %swap3A_332 = tpu.vector_load %arg8[%swap3A_330, %swap3A_331] {strides = array<i32>} : memref<64x768xf32, #tpu.memory_space<vmem>>, vector<1x16xf32>,
      %swap3A_333 = vector.shape_cast %swap3A_332 : vector<1x16xf32> to vector<16xf32>
      %swap3A_334 = vector.shape_cast %add3A_329 : vector<16xf32> to vector<1x16xf32>
      tpu.vector_store %arg8[%swap3A_330, %swap3A_331], %swap3A_334 {strides = array<i32>} : memref<64x768xf32, #tpu.memory_space<vmem>>, vector<1x16xf32>,
      %get3A_335 = arith.index_cast %scan3A_135 : i32 to index
      %get3A_336 = arith.constant 192 : index
      %get3A_337 = tpu.vector_load %arg8[%get3A_335, %get3A_336] {strides = array<i32>} : memref<64x768xf32, #tpu.memory_space<vmem>>, vector<1x16xf32>,
      %get3A_338 = vector.shape_cast %get3A_337 : vector<1x16xf32> to vector<16xf32>
      %mul3A_339 = arith.mulf %get3A_338, %get3A_139 : vector<16xf32>
      %get3A_340 = arith.index_cast %scan3A_135 : i32 to index
      %get3A_341 = arith.constant 192 : index
      %get3A_342 = tpu.vector_load %arg9[%get3A_340, %get3A_341] {strides = array<i32>} : memref<64x768xf32, #tpu.memory_space<vmem>>, vector<1x16xf32>,
      %get3A_343 = vector.shape_cast %get3A_342 : vector<1x16xf32> to vector<16xf32>
      %mul3A_344 = arith.mulf %get3A_343, %get3A_143 : vector<16xf32>
      %add3A_345 = arith.addf %mul3A_339, %mul3A_344 : vector<16xf32>
      %swap3A_346 = arith.index_cast %scan3A_135 : i32 to index
      %swap3A_347 = arith.constant 192 : index
      %swap3A_348 = tpu.vector_load %arg8[%swap3A_346, %swap3A_347] {strides = array<i32>} : memref<64x768xf32, #tpu.memory_space<vmem>>, vector<1x16xf32>,
      %swap3A_349 = vector.shape_cast %swap3A_348 : vector<1x16xf32> to vector<16xf32>
      %swap3A_350 = vector.shape_cast %add3A_345 : vector<16xf32> to vector<1x16xf32>
      tpu.vector_store %arg8[%swap3A_346, %swap3A_347], %swap3A_350 {strides = array<i32>} : memref<64x768xf32, #tpu.memory_space<vmem>>, vector<1x16xf32>,
      %get3A_351 = arith.index_cast %scan3A_135 : i32 to index
      %get3A_352 = arith.constant 208 : index
      %get3A_353 = tpu.vector_load %arg8[%get3A_351, %get3A_352] {strides = array<i32>} : memref<64x768xf32, #tpu.memory_space<vmem>>, vector<1x16xf32>,
      %get3A_354 = vector.shape_cast %get3A_353 : vector<1x16xf32> to vector<16xf32>
      %mul3A_355 = arith.mulf %get3A_354, %get3A_139 : vector<16xf32>
      %get3A_356 = arith.index_cast %scan3A_135 : i32 to index
      %get3A_357 = arith.constant 208 : index
      %get3A_358 = tpu.vector_load %arg9[%get3A_356, %get3A_357] {strides = array<i32>} : memref<64x768xf32, #tpu.memory_space<vmem>>, vector<1x16xf32>,
      %get3A_359 = vector.shape_cast %get3A_358 : vector<1x16xf32> to vector<16xf32>
      %mul3A_360 = arith.mulf %get3A_359, %get3A_143 : vector<16xf32>
      %add3A_361 = arith.addf %mul3A_355, %mul3A_360 : vector<16xf32>
      %swap3A_362 = arith.index_cast %scan3A_135 : i32 to index
      %swap3A_363 = arith.constant 208 : index
      %swap3A_364 = tpu.vector_load %arg8[%swap3A_362, %swap3A_363] {strides = array<i32>} : memref<64x768xf32, #tpu.memory_space<vmem>>, vector<1x16xf32>,
      %swap3A_365 = vector.shape_cast %swap3A_364 : vector<1x16xf32> to vector<16xf32>
      %swap3A_366 = vector.shape_cast %add3A_361 : vector<16xf32> to vector<1x16xf32>
      tpu.vector_store %arg8[%swap3A_362, %swap3A_363], %swap3A_366 {strides = array<i32>} : memref<64x768xf32, #tpu.memory_space<vmem>>, vector<1x16xf32>,
      %get3A_367 = arith.index_cast %scan3A_135 : i32 to index
      %get3A_368 = arith.constant 224 : index
      %get3A_369 = tpu.vector_load %arg8[%get3A_367, %get3A_368] {strides = array<i32>} : memref<64x768xf32, #tpu.memory_space<vmem>>, vector<1x16xf32>,
      %get3A_370 = vector.shape_cast %get3A_369 : vector<1x16xf32> to vector<16xf32>
      %mul3A_371 = arith.mulf %get3A_370, %get3A_139 : vector<16xf32>
      %get3A_372 = arith.index_cast %scan3A_135 : i32 to index
      %get3A_373 = arith.constant 224 : index
      %get3A_374 = tpu.vector_load %arg9[%get3A_372, %get3A_373] {strides = array<i32>} : memref<64x768xf32, #tpu.memory_space<vmem>>, vector<1x16xf32>,
      %get3A_375 = vector.shape_cast %get3A_374 : vector<1x16xf32> to vector<16xf32>
      %mul3A_376 = arith.mulf %get3A_375, %get3A_143 : vector<16xf32>
      %add3A_377 = arith.addf %mul3A_371, %mul3A_376 : vector<16xf32>
      %swap3A_378 = arith.index_cast %scan3A_135 : i32 to index
      %swap3A_379 = arith.constant 224 : index
      %swap3A_380 = tpu.vector_load %arg8[%swap3A_378, %swap3A_379] {strides = array<i32>} : memref<64x768xf32, #tpu.memory_space<vmem>>, vector<1x16xf32>,
      %swap3A_381 = vector.shape_cast %swap3A_380 : vector<1x16xf32> to vector<16xf32>
      %swap3A_382 = vector.shape_cast %add3A_377 : vector<16xf32> to vector<1x16xf32>
      tpu.vector_store %arg8[%swap3A_378, %swap3A_379], %swap3A_382 {strides = array<i32>} : memref<64x768xf32, #tpu.memory_space<vmem>>, vector<1x16xf32>,
      %get3A_383 = arith.index_cast %scan3A_135 : i32 to index
      %get3A_384 = arith.constant 240 : index
      %get3A_385 = tpu.vector_load %arg8[%get3A_383, %get3A_384] {strides = array<i32>} : memref<64x768xf32, #tpu.memory_space<vmem>>, vector<1x16xf32>,
      %get3A_386 = vector.shape_cast %get3A_385 : vector<1x16xf32> to vector<16xf32>
      %mul3A_387 = arith.mulf %get3A_386, %get3A_139 : vector<16xf32>
      %get3A_388 = arith.index_cast %scan3A_135 : i32 to index
      %get3A_389 = arith.constant 240 : index
      %get3A_390 = tpu.vector_load %arg9[%get3A_388, %get3A_389] {strides = array<i32>} : memref<64x768xf32, #tpu.memory_space<vmem>>, vector<1x16xf32>,
      %get3A_391 = vector.shape_cast %get3A_390 : vector<1x16xf32> to vector<16xf32>
      %mul3A_392 = arith.mulf %get3A_391, %get3A_143 : vector<16xf32>
      %add3A_393 = arith.addf %mul3A_387, %mul3A_392 : vector<16xf32>
      %swap3A_394 = arith.index_cast %scan3A_135 : i32 to index
      %swap3A_395 = arith.constant 240 : index
      %swap3A_396 = tpu.vector_load %arg8[%swap3A_394, %swap3A_395] {strides = array<i32>} : memref<64x768xf32, #tpu.memory_space<vmem>>, vector<1x16xf32>,
      %swap3A_397 = vector.shape_cast %swap3A_396 : vector<1x16xf32> to vector<16xf32>
      %swap3A_398 = vector.shape_cast %add3A_393 : vector<16xf32> to vector<1x16xf32>
      tpu.vector_store %arg8[%swap3A_394, %swap3A_395], %swap3A_398 {strides = array<i32>} : memref<64x768xf32, #tpu.memory_space<vmem>>, vector<1x16xf32>,
      %get3A_399 = arith.index_cast %scan3A_135 : i32 to index
      %get3A_400 = arith.constant 256 : index
      %get3A_401 = tpu.vector_load %arg8[%get3A_399, %get3A_400] {strides = array<i32>} : memref<64x768xf32, #tpu.memory_space<vmem>>, vector<1x16xf32>,
      %get3A_402 = vector.shape_cast %get3A_401 : vector<1x16xf32> to vector<16xf32>
      %mul3A_403 = arith.mulf %get3A_402, %get3A_139 : vector<16xf32>
      %get3A_404 = arith.index_cast %scan3A_135 : i32 to index
      %get3A_405 = arith.constant 256 : index
      %get3A_406 = tpu.vector_load %arg9[%get3A_404, %get3A_405] {strides = array<i32>} : memref<64x768xf32, #tpu.memory_space<vmem>>, vector<1x16xf32>,
      %get3A_407 = vector.shape_cast %get3A_406 : vector<1x16xf32> to vector<16xf32>
      %mul3A_408 = arith.mulf %get3A_407, %get3A_143 : vector<16xf32>
      %add3A_409 = arith.addf %mul3A_403, %mul3A_408 : vector<16xf32>
      %swap3A_410 = arith.index_cast %scan3A_135 : i32 to index
      %swap3A_411 = arith.constant 256 : index
      %swap3A_412 = tpu.vector_load %arg8[%swap3A_410, %swap3A_411] {strides = array<i32>} : memref<64x768xf32, #tpu.memory_space<vmem>>, vector<1x16xf32>,
      %swap3A_413 = vector.shape_cast %swap3A_412 : vector<1x16xf32> to vector<16xf32>
      %swap3A_414 = vector.shape_cast %add3A_409 : vector<16xf32> to vector<1x16xf32>
      tpu.vector_store %arg8[%swap3A_410, %swap3A_411], %swap3A_414 {strides = array<i32>} : memref<64x768xf32, #tpu.memory_space<vmem>>, vector<1x16xf32>,
      %get3A_415 = arith.index_cast %scan3A_135 : i32 to index
      %get3A_416 = arith.constant 272 : index
      %get3A_417 = tpu.vector_load %arg8[%get3A_415, %get3A_416] {strides = array<i32>} : memref<64x768xf32, #tpu.memory_space<vmem>>, vector<1x16xf32>,
      %get3A_418 = vector.shape_cast %get3A_417 : vector<1x16xf32> to vector<16xf32>
      %mul3A_419 = arith.mulf %get3A_418, %get3A_139 : vector<16xf32>
      %get3A_420 = arith.index_cast %scan3A_135 : i32 to index
      %get3A_421 = arith.constant 272 : index
      %get3A_422 = tpu.vector_load %arg9[%get3A_420, %get3A_421] {strides = array<i32>} : memref<64x768xf32, #tpu.memory_space<vmem>>, vector<1x16xf32>,
      %get3A_423 = vector.shape_cast %get3A_422 : vector<1x16xf32> to vector<16xf32>
      %mul3A_424 = arith.mulf %get3A_423, %get3A_143 : vector<16xf32>
      %add3A_425 = arith.addf %mul3A_419, %mul3A_424 : vector<16xf32>
      %swap3A_426 = arith.index_cast %scan3A_135 : i32 to index
      %swap3A_427 = arith.constant 272 : index
      %swap3A_428 = tpu.vector_load %arg8[%swap3A_426, %swap3A_427] {strides = array<i32>} : memref<64x768xf32, #tpu.memory_space<vmem>>, vector<1x16xf32>,
      %swap3A_429 = vector.shape_cast %swap3A_428 : vector<1x16xf32> to vector<16xf32>
      %swap3A_430 = vector.shape_cast %add3A_425 : vector<16xf32> to vector<1x16xf32>
      tpu.vector_store %arg8[%swap3A_426, %swap3A_427], %swap3A_430 {strides = array<i32>} : memref<64x768xf32, #tpu.memory_space<vmem>>, vector<1x16xf32>,
      %get3A_431 = arith.index_cast %scan3A_135 : i32 to index
      %get3A_432 = arith.constant 288 : index
      %get3A_433 = tpu.vector_load %arg8[%get3A_431, %get3A_432] {strides = array<i32>} : memref<64x768xf32, #tpu.memory_space<vmem>>, vector<1x16xf32>,
      %get3A_434 = vector.shape_cast %get3A_433 : vector<1x16xf32> to vector<16xf32>
      %mul3A_435 = arith.mulf %get3A_434, %get3A_139 : vector<16xf32>
      %get3A_436 = arith.index_cast %scan3A_135 : i32 to index
      %get3A_437 = arith.constant 288 : index
      %get3A_438 = tpu.vector_load %arg9[%get3A_436, %get3A_437] {strides = array<i32>} : memref<64x768xf32, #tpu.memory_space<vmem>>, vector<1x16xf32>,
      %get3A_439 = vector.shape_cast %get3A_438 : vector<1x16xf32> to vector<16xf32>
      %mul3A_440 = arith.mulf %get3A_439, %get3A_143 : vector<16xf32>
      %add3A_441 = arith.addf %mul3A_435, %mul3A_440 : vector<16xf32>
      %swap3A_442 = arith.index_cast %scan3A_135 : i32 to index
      %swap3A_443 = arith.constant 288 : index
      %swap3A_444 = tpu.vector_load %arg8[%swap3A_442, %swap3A_443] {strides = array<i32>} : memref<64x768xf32, #tpu.memory_space<vmem>>, vector<1x16xf32>,
      %swap3A_445 = vector.shape_cast %swap3A_444 : vector<1x16xf32> to vector<16xf32>
      %swap3A_446 = vector.shape_cast %add3A_441 : vector<16xf32> to vector<1x16xf32>
      tpu.vector_store %arg8[%swap3A_442, %swap3A_443], %swap3A_446 {strides = array<i32>} : memref<64x768xf32, #tpu.memory_space<vmem>>, vector<1x16xf32>,
      %get3A_447 = arith.index_cast %scan3A_135 : i32 to index
      %get3A_448 = arith.constant 304 : index
      %get3A_449 = tpu.vector_load %arg8[%get3A_447, %get3A_448] {strides = array<i32>} : memref<64x768xf32, #tpu.memory_space<vmem>>, vector<1x16xf32>,
      %get3A_450 = vector.shape_cast %get3A_449 : vector<1x16xf32> to vector<16xf32>
      %mul3A_451 = arith.mulf %get3A_450, %get3A_139 : vector<16xf32>
      %get3A_452 = arith.index_cast %scan3A_135 : i32 to index
      %get3A_453 = arith.constant 304 : index
      %get3A_454 = tpu.vector_load %arg9[%get3A_452, %get3A_453] {strides = array<i32>} : memref<64x768xf32, #tpu.memory_space<vmem>>, vector<1x16xf32>,
      %get3A_455 = vector.shape_cast %get3A_454 : vector<1x16xf32> to vector<16xf32>
      %mul3A_456 = arith.mulf %get3A_455, %get3A_143 : vector<16xf32>
      %add3A_457 = arith.addf %mul3A_451, %mul3A_456 : vector<16xf32>
      %swap3A_458 = arith.index_cast %scan3A_135 : i32 to index
      %swap3A_459 = arith.constant 304 : index
      %swap3A_460 = tpu.vector_load %arg8[%swap3A_458, %swap3A_459] {strides = array<i32>} : memref<64x768xf32, #tpu.memory_space<vmem>>, vector<1x16xf32>,
      %swap3A_461 = vector.shape_cast %swap3A_460 : vector<1x16xf32> to vector<16xf32>
      %swap3A_462 = vector.shape_cast %add3A_457 : vector<16xf32> to vector<1x16xf32>
      tpu.vector_store %arg8[%swap3A_458, %swap3A_459], %swap3A_462 {strides = array<i32>} : memref<64x768xf32, #tpu.memory_space<vmem>>, vector<1x16xf32>,
      %get3A_463 = arith.index_cast %scan3A_135 : i32 to index
      %get3A_464 = arith.constant 320 : index
      %get3A_465 = tpu.vector_load %arg8[%get3A_463, %get3A_464] {strides = array<i32>} : memref<64x768xf32, #tpu.memory_space<vmem>>, vector<1x16xf32>,
      %get3A_466 = vector.shape_cast %get3A_465 : vector<1x16xf32> to vector<16xf32>
      %mul3A_467 = arith.mulf %get3A_466, %get3A_139 : vector<16xf32>
      %get3A_468 = arith.index_cast %scan3A_135 : i32 to index
      %get3A_469 = arith.constant 320 : index
      %get3A_470 = tpu.vector_load %arg9[%get3A_468, %get3A_469] {strides = array<i32>} : memref<64x768xf32, #tpu.memory_space<vmem>>, vector<1x16xf32>,
      %get3A_471 = vector.shape_cast %get3A_470 : vector<1x16xf32> to vector<16xf32>
      %mul3A_472 = arith.mulf %get3A_471, %get3A_143 : vector<16xf32>
      %add3A_473 = arith.addf %mul3A_467, %mul3A_472 : vector<16xf32>
      %swap3A_474 = arith.index_cast %scan3A_135 : i32 to index
      %swap3A_475 = arith.constant 320 : index
      %swap3A_476 = tpu.vector_load %arg8[%swap3A_474, %swap3A_475] {strides = array<i32>} : memref<64x768xf32, #tpu.memory_space<vmem>>, vector<1x16xf32>,
      %swap3A_477 = vector.shape_cast %swap3A_476 : vector<1x16xf32> to vector<16xf32>
      %swap3A_478 = vector.shape_cast %add3A_473 : vector<16xf32> to vector<1x16xf32>
      tpu.vector_store %arg8[%swap3A_474, %swap3A_475], %swap3A_478 {strides = array<i32>} : memref<64x768xf32, #tpu.memory_space<vmem>>, vector<1x16xf32>,
      %get3A_479 = arith.index_cast %scan3A_135 : i32 to index
      %get3A_480 = arith.constant 336 : index
      %get3A_481 = tpu.vector_load %arg8[%get3A_479, %get3A_480] {strides = array<i32>} : memref<64x768xf32, #tpu.memory_space<vmem>>, vector<1x16xf32>,
      %get3A_482 = vector.shape_cast %get3A_481 : vector<1x16xf32> to vector<16xf32>
      %mul3A_483 = arith.mulf %get3A_482, %get3A_139 : vector<16xf32>
      %get3A_484 = arith.index_cast %scan3A_135 : i32 to index
      %get3A_485 = arith.constant 336 : index
      %get3A_486 = tpu.vector_load %arg9[%get3A_484, %get3A_485] {strides = array<i32>} : memref<64x768xf32, #tpu.memory_space<vmem>>, vector<1x16xf32>,
      %get3A_487 = vector.shape_cast %get3A_486 : vector<1x16xf32> to vector<16xf32>
      %mul3A_488 = arith.mulf %get3A_487, %get3A_143 : vector<16xf32>
      %add3A_489 = arith.addf %mul3A_483, %mul3A_488 : vector<16xf32>
      %swap3A_490 = arith.index_cast %scan3A_135 : i32 to index
      %swap3A_491 = arith.constant 336 : index
      %swap3A_492 = tpu.vector_load %arg8[%swap3A_490, %swap3A_491] {strides = array<i32>} : memref<64x768xf32, #tpu.memory_space<vmem>>, vector<1x16xf32>,
      %swap3A_493 = vector.shape_cast %swap3A_492 : vector<1x16xf32> to vector<16xf32>
      %swap3A_494 = vector.shape_cast %add3A_489 : vector<16xf32> to vector<1x16xf32>
      tpu.vector_store %arg8[%swap3A_490, %swap3A_491], %swap3A_494 {strides = array<i32>} : memref<64x768xf32, #tpu.memory_space<vmem>>, vector<1x16xf32>,
      %get3A_495 = arith.index_cast %scan3A_135 : i32 to index
      %get3A_496 = arith.constant 352 : index
      %get3A_497 = tpu.vector_load %arg8[%get3A_495, %get3A_496] {strides = array<i32>} : memref<64x768xf32, #tpu.memory_space<vmem>>, vector<1x16xf32>,
      %get3A_498 = vector.shape_cast %get3A_497 : vector<1x16xf32> to vector<16xf32>
      %mul3A_499 = arith.mulf %get3A_498, %get3A_139 : vector<16xf32>
      %get3A_500 = arith.index_cast %scan3A_135 : i32 to index
      %get3A_501 = arith.constant 352 : index
      %get3A_502 = tpu.vector_load %arg9[%get3A_500, %get3A_501] {strides = array<i32>} : memref<64x768xf32, #tpu.memory_space<vmem>>, vector<1x16xf32>,
      %get3A_503 = vector.shape_cast %get3A_502 : vector<1x16xf32> to vector<16xf32>
      %mul3A_504 = arith.mulf %get3A_503, %get3A_143 : vector<16xf32>
      %add3A_505 = arith.addf %mul3A_499, %mul3A_504 : vector<16xf32>
      %swap3A_506 = arith.index_cast %scan3A_135 : i32 to index
      %swap3A_507 = arith.constant 352 : index
      %swap3A_508 = tpu.vector_load %arg8[%swap3A_506, %swap3A_507] {strides = array<i32>} : memref<64x768xf32, #tpu.memory_space<vmem>>, vector<1x16xf32>,
      %swap3A_509 = vector.shape_cast %swap3A_508 : vector<1x16xf32> to vector<16xf32>
      %swap3A_510 = vector.shape_cast %add3A_505 : vector<16xf32> to vector<1x16xf32>
      tpu.vector_store %arg8[%swap3A_506, %swap3A_507], %swap3A_510 {strides = array<i32>} : memref<64x768xf32, #tpu.memory_space<vmem>>, vector<1x16xf32>,
      %get3A_511 = arith.index_cast %scan3A_135 : i32 to index
      %get3A_512 = arith.constant 368 : index
      %get3A_513 = tpu.vector_load %arg8[%get3A_511, %get3A_512] {strides = array<i32>} : memref<64x768xf32, #tpu.memory_space<vmem>>, vector<1x16xf32>,
      %get3A_514 = vector.shape_cast %get3A_513 : vector<1x16xf32> to vector<16xf32>
      %mul3A_515 = arith.mulf %get3A_514, %get3A_139 : vector<16xf32>
      %get3A_516 = arith.index_cast %scan3A_135 : i32 to index
      %get3A_517 = arith.constant 368 : index
      %get3A_518 = tpu.vector_load %arg9[%get3A_516, %get3A_517] {strides = array<i32>} : memref<64x768xf32, #tpu.memory_space<vmem>>, vector<1x16xf32>,
      %get3A_519 = vector.shape_cast %get3A_518 : vector<1x16xf32> to vector<16xf32>
      %mul3A_520 = arith.mulf %get3A_519, %get3A_143 : vector<16xf32>
      %add3A_521 = arith.addf %mul3A_515, %mul3A_520 : vector<16xf32>
      %swap3A_522 = arith.index_cast %scan3A_135 : i32 to index
      %swap3A_523 = arith.constant 368 : index
      %swap3A_524 = tpu.vector_load %arg8[%swap3A_522, %swap3A_523] {strides = array<i32>} : memref<64x768xf32, #tpu.memory_space<vmem>>, vector<1x16xf32>,
      %swap3A_525 = vector.shape_cast %swap3A_524 : vector<1x16xf32> to vector<16xf32>
      %swap3A_526 = vector.shape_cast %add3A_521 : vector<16xf32> to vector<1x16xf32>
      tpu.vector_store %arg8[%swap3A_522, %swap3A_523], %swap3A_526 {strides = array<i32>} : memref<64x768xf32, #tpu.memory_space<vmem>>, vector<1x16xf32>,
      %get3A_527 = arith.index_cast %scan3A_135 : i32 to index
      %get3A_528 = arith.constant 384 : index
      %get3A_529 = tpu.vector_load %arg8[%get3A_527, %get3A_528] {strides = array<i32>} : memref<64x768xf32, #tpu.memory_space<vmem>>, vector<1x16xf32>,
      %get3A_530 = vector.shape_cast %get3A_529 : vector<1x16xf32> to vector<16xf32>
      %mul3A_531 = arith.mulf %get3A_530, %get3A_139 : vector<16xf32>
      %get3A_532 = arith.index_cast %scan3A_135 : i32 to index
      %get3A_533 = arith.constant 384 : index
      %get3A_534 = tpu.vector_load %arg9[%get3A_532, %get3A_533] {strides = array<i32>} : memref<64x768xf32, #tpu.memory_space<vmem>>, vector<1x16xf32>,
      %get3A_535 = vector.shape_cast %get3A_534 : vector<1x16xf32> to vector<16xf32>
      %mul3A_536 = arith.mulf %get3A_535, %get3A_143 : vector<16xf32>
      %add3A_537 = arith.addf %mul3A_531, %mul3A_536 : vector<16xf32>
      %swap3A_538 = arith.index_cast %scan3A_135 : i32 to index
      %swap3A_539 = arith.constant 384 : index
      %swap3A_540 = tpu.vector_load %arg8[%swap3A_538, %swap3A_539] {strides = array<i32>} : memref<64x768xf32, #tpu.memory_space<vmem>>, vector<1x16xf32>,
      %swap3A_541 = vector.shape_cast %swap3A_540 : vector<1x16xf32> to vector<16xf32>
      %swap3A_542 = vector.shape_cast %add3A_537 : vector<16xf32> to vector<1x16xf32>
      tpu.vector_store %arg8[%swap3A_538, %swap3A_539], %swap3A_542 {strides = array<i32>} : memref<64x768xf32, #tpu.memory_space<vmem>>, vector<1x16xf32>,
      %get3A_543 = arith.index_cast %scan3A_135 : i32 to index
      %get3A_544 = arith.constant 400 : index
      %get3A_545 = tpu.vector_load %arg8[%get3A_543, %get3A_544] {strides = array<i32>} : memref<64x768xf32, #tpu.memory_space<vmem>>, vector<1x16xf32>,
      %get3A_546 = vector.shape_cast %get3A_545 : vector<1x16xf32> to vector<16xf32>
      %mul3A_547 = arith.mulf %get3A_546, %get3A_139 : vector<16xf32>
      %get3A_548 = arith.index_cast %scan3A_135 : i32 to index
      %get3A_549 = arith.constant 400 : index
      %get3A_550 = tpu.vector_load %arg9[%get3A_548, %get3A_549] {strides = array<i32>} : memref<64x768xf32, #tpu.memory_space<vmem>>, vector<1x16xf32>,
      %get3A_551 = vector.shape_cast %get3A_550 : vector<1x16xf32> to vector<16xf32>
      %mul3A_552 = arith.mulf %get3A_551, %get3A_143 : vector<16xf32>
      %add3A_553 = arith.addf %mul3A_547, %mul3A_552 : vector<16xf32>
      %swap3A_554 = arith.index_cast %scan3A_135 : i32 to index
      %swap3A_555 = arith.constant 400 : index
      %swap3A_556 = tpu.vector_load %arg8[%swap3A_554, %swap3A_555] {strides = array<i32>} : memref<64x768xf32, #tpu.memory_space<vmem>>, vector<1x16xf32>,
      %swap3A_557 = vector.shape_cast %swap3A_556 : vector<1x16xf32> to vector<16xf32>
      %swap3A_558 = vector.shape_cast %add3A_553 : vector<16xf32> to vector<1x16xf32>
      tpu.vector_store %arg8[%swap3A_554, %swap3A_555], %swap3A_558 {strides = array<i32>} : memref<64x768xf32, #tpu.memory_space<vmem>>, vector<1x16xf32>,
      %get3A_559 = arith.index_cast %scan3A_135 : i32 to index
      %get3A_560 = arith.constant 416 : index
      %get3A_561 = tpu.vector_load %arg8[%get3A_559, %get3A_560] {strides = array<i32>} : memref<64x768xf32, #tpu.memory_space<vmem>>, vector<1x16xf32>,
      %get3A_562 = vector.shape_cast %get3A_561 : vector<1x16xf32> to vector<16xf32>
      %mul3A_563 = arith.mulf %get3A_562, %get3A_139 : vector<16xf32>
      %get3A_564 = arith.index_cast %scan3A_135 : i32 to index
      %get3A_565 = arith.constant 416 : index
      %get3A_566 = tpu.vector_load %arg9[%get3A_564, %get3A_565] {strides = array<i32>} : memref<64x768xf32, #tpu.memory_space<vmem>>, vector<1x16xf32>,
      %get3A_567 = vector.shape_cast %get3A_566 : vector<1x16xf32> to vector<16xf32>
      %mul3A_568 = arith.mulf %get3A_567, %get3A_143 : vector<16xf32>
      %add3A_569 = arith.addf %mul3A_563, %mul3A_568 : vector<16xf32>
      %swap3A_570 = arith.index_cast %scan3A_135 : i32 to index
      %swap3A_571 = arith.constant 416 : index
      %swap3A_572 = tpu.vector_load %arg8[%swap3A_570, %swap3A_571] {strides = array<i32>} : memref<64x768xf32, #tpu.memory_space<vmem>>, vector<1x16xf32>,
      %swap3A_573 = vector.shape_cast %swap3A_572 : vector<1x16xf32> to vector<16xf32>
      %swap3A_574 = vector.shape_cast %add3A_569 : vector<16xf32> to vector<1x16xf32>
      tpu.vector_store %arg8[%swap3A_570, %swap3A_571], %swap3A_574 {strides = array<i32>} : memref<64x768xf32, #tpu.memory_space<vmem>>, vector<1x16xf32>,
      %get3A_575 = arith.index_cast %scan3A_135 : i32 to index
      %get3A_576 = arith.constant 432 : index
      %get3A_577 = tpu.vector_load %arg8[%get3A_575, %get3A_576] {strides = array<i32>} : memref<64x768xf32, #tpu.memory_space<vmem>>, vector<1x16xf32>,
      %get3A_578 = vector.shape_cast %get3A_577 : vector<1x16xf32> to vector<16xf32>
      %mul3A_579 = arith.mulf %get3A_578, %get3A_139 : vector<16xf32>
      %get3A_580 = arith.index_cast %scan3A_135 : i32 to index
      %get3A_581 = arith.constant 432 : index
      %get3A_582 = tpu.vector_load %arg9[%get3A_580, %get3A_581] {strides = array<i32>} : memref<64x768xf32, #tpu.memory_space<vmem>>, vector<1x16xf32>,
      %get3A_583 = vector.shape_cast %get3A_582 : vector<1x16xf32> to vector<16xf32>
      %mul3A_584 = arith.mulf %get3A_583, %get3A_143 : vector<16xf32>
      %add3A_585 = arith.addf %mul3A_579, %mul3A_584 : vector<16xf32>
      %swap3A_586 = arith.index_cast %scan3A_135 : i32 to index
      %swap3A_587 = arith.constant 432 : index
      %swap3A_588 = tpu.vector_load %arg8[%swap3A_586, %swap3A_587] {strides = array<i32>} : memref<64x768xf32, #tpu.memory_space<vmem>>, vector<1x16xf32>,
      %swap3A_589 = vector.shape_cast %swap3A_588 : vector<1x16xf32> to vector<16xf32>
      %swap3A_590 = vector.shape_cast %add3A_585 : vector<16xf32> to vector<1x16xf32>
      tpu.vector_store %arg8[%swap3A_586, %swap3A_587], %swap3A_590 {strides = array<i32>} : memref<64x768xf32, #tpu.memory_space<vmem>>, vector<1x16xf32>,
      %get3A_591 = arith.index_cast %scan3A_135 : i32 to index
      %get3A_592 = arith.constant 448 : index
      %get3A_593 = tpu.vector_load %arg8[%get3A_591, %get3A_592] {strides = array<i32>} : memref<64x768xf32, #tpu.memory_space<vmem>>, vector<1x16xf32>,
      %get3A_594 = vector.shape_cast %get3A_593 : vector<1x16xf32> to vector<16xf32>
      %mul3A_595 = arith.mulf %get3A_594, %get3A_139 : vector<16xf32>
      %get3A_596 = arith.index_cast %scan3A_135 : i32 to index
      %get3A_597 = arith.constant 448 : index
      %get3A_598 = tpu.vector_load %arg9[%get3A_596, %get3A_597] {strides = array<i32>} : memref<64x768xf32, #tpu.memory_space<vmem>>, vector<1x16xf32>,
      %get3A_599 = vector.shape_cast %get3A_598 : vector<1x16xf32> to vector<16xf32>
      %mul3A_600 = arith.mulf %get3A_599, %get3A_143 : vector<16xf32>
      %add3A_601 = arith.addf %mul3A_595, %mul3A_600 : vector<16xf32>
      %swap3A_602 = arith.index_cast %scan3A_135 : i32 to index
      %swap3A_603 = arith.constant 448 : index
      %swap3A_604 = tpu.vector_load %arg8[%swap3A_602, %swap3A_603] {strides = array<i32>} : memref<64x768xf32, #tpu.memory_space<vmem>>, vector<1x16xf32>,
      %swap3A_605 = vector.shape_cast %swap3A_604 : vector<1x16xf32> to vector<16xf32>
      %swap3A_606 = vector.shape_cast %add3A_601 : vector<16xf32> to vector<1x16xf32>
      tpu.vector_store %arg8[%swap3A_602, %swap3A_603], %swap3A_606 {strides = array<i32>} : memref<64x768xf32, #tpu.memory_space<vmem>>, vector<1x16xf32>,
      %get3A_607 = arith.index_cast %scan3A_135 : i32 to index
      %get3A_608 = arith.constant 464 : index
      %get3A_609 = tpu.vector_load %arg8[%get3A_607, %get3A_608] {strides = array<i32>} : memref<64x768xf32, #tpu.memory_space<vmem>>, vector<1x16xf32>,
      %get3A_610 = vector.shape_cast %get3A_609 : vector<1x16xf32> to vector<16xf32>
      %mul3A_611 = arith.mulf %get3A_610, %get3A_139 : vector<16xf32>
      %get3A_612 = arith.index_cast %scan3A_135 : i32 to index
      %get3A_613 = arith.constant 464 : index
      %get3A_614 = tpu.vector_load %arg9[%get3A_612, %get3A_613] {strides = array<i32>} : memref<64x768xf32, #tpu.memory_space<vmem>>, vector<1x16xf32>,
      %get3A_615 = vector.shape_cast %get3A_614 : vector<1x16xf32> to vector<16xf32>
      %mul3A_616 = arith.mulf %get3A_615, %get3A_143 : vector<16xf32>
      %add3A_617 = arith.addf %mul3A_611, %mul3A_616 : vector<16xf32>
      %swap3A_618 = arith.index_cast %scan3A_135 : i32 to index
      %swap3A_619 = arith.constant 464 : index
      %swap3A_620 = tpu.vector_load %arg8[%swap3A_618, %swap3A_619] {strides = array<i32>} : memref<64x768xf32, #tpu.memory_space<vmem>>, vector<1x16xf32>,
      %swap3A_621 = vector.shape_cast %swap3A_620 : vector<1x16xf32> to vector<16xf32>
      %swap3A_622 = vector.shape_cast %add3A_617 : vector<16xf32> to vector<1x16xf32>
      tpu.vector_store %arg8[%swap3A_618, %swap3A_619], %swap3A_622 {strides = array<i32>} : memref<64x768xf32, #tpu.memory_space<vmem>>, vector<1x16xf32>,
      %get3A_623 = arith.index_cast %scan3A_135 : i32 to index
      %get3A_624 = arith.constant 480 : index
      %get3A_625 = tpu.vector_load %arg8[%get3A_623, %get3A_624] {strides = array<i32>} : memref<64x768xf32, #tpu.memory_space<vmem>>, vector<1x16xf32>,
      %get3A_626 = vector.shape_cast %get3A_625 : vector<1x16xf32> to vector<16xf32>
      %mul3A_627 = arith.mulf %get3A_626, %get3A_139 : vector<16xf32>
      %get3A_628 = arith.index_cast %scan3A_135 : i32 to index
      %get3A_629 = arith.constant 480 : index
      %get3A_630 = tpu.vector_load %arg9[%get3A_628, %get3A_629] {strides = array<i32>} : memref<64x768xf32, #tpu.memory_space<vmem>>, vector<1x16xf32>,
      %get3A_631 = vector.shape_cast %get3A_630 : vector<1x16xf32> to vector<16xf32>
      %mul3A_632 = arith.mulf %get3A_631, %get3A_143 : vector<16xf32>
      %add3A_633 = arith.addf %mul3A_627, %mul3A_632 : vector<16xf32>
      %swap3A_634 = arith.index_cast %scan3A_135 : i32 to index
      %swap3A_635 = arith.constant 480 : index
      %swap3A_636 = tpu.vector_load %arg8[%swap3A_634, %swap3A_635] {strides = array<i32>} : memref<64x768xf32, #tpu.memory_space<vmem>>, vector<1x16xf32>,
      %swap3A_637 = vector.shape_cast %swap3A_636 : vector<1x16xf32> to vector<16xf32>
      %swap3A_638 = vector.shape_cast %add3A_633 : vector<16xf32> to vector<1x16xf32>
      tpu.vector_store %arg8[%swap3A_634, %swap3A_635], %swap3A_638 {strides = array<i32>} : memref<64x768xf32, #tpu.memory_space<vmem>>, vector<1x16xf32>,
      %get3A_639 = arith.index_cast %scan3A_135 : i32 to index
      %get3A_640 = arith.constant 496 : index
      %get3A_641 = tpu.vector_load %arg8[%get3A_639, %get3A_640] {strides = array<i32>} : memref<64x768xf32, #tpu.memory_space<vmem>>, vector<1x16xf32>,
      %get3A_642 = vector.shape_cast %get3A_641 : vector<1x16xf32> to vector<16xf32>
      %mul3A_643 = arith.mulf %get3A_642, %get3A_139 : vector<16xf32>
      %get3A_644 = arith.index_cast %scan3A_135 : i32 to index
      %get3A_645 = arith.constant 496 : index
      %get3A_646 = tpu.vector_load %arg9[%get3A_644, %get3A_645] {strides = array<i32>} : memref<64x768xf32, #tpu.memory_space<vmem>>, vector<1x16xf32>,
      %get3A_647 = vector.shape_cast %get3A_646 : vector<1x16xf32> to vector<16xf32>
      %mul3A_648 = arith.mulf %get3A_647, %get3A_143 : vector<16xf32>
      %add3A_649 = arith.addf %mul3A_643, %mul3A_648 : vector<16xf32>
      %swap3A_650 = arith.index_cast %scan3A_135 : i32 to index
      %swap3A_651 = arith.constant 496 : index
      %swap3A_652 = tpu.vector_load %arg8[%swap3A_650, %swap3A_651] {strides = array<i32>} : memref<64x768xf32, #tpu.memory_space<vmem>>, vector<1x16xf32>,
      %swap3A_653 = vector.shape_cast %swap3A_652 : vector<1x16xf32> to vector<16xf32>
      %swap3A_654 = vector.shape_cast %add3A_649 : vector<16xf32> to vector<1x16xf32>
      tpu.vector_store %arg8[%swap3A_650, %swap3A_651], %swap3A_654 {strides = array<i32>} : memref<64x768xf32, #tpu.memory_space<vmem>>, vector<1x16xf32>,
      %get3A_655 = arith.index_cast %scan3A_135 : i32 to index
      %get3A_656 = arith.constant 512 : index
      %get3A_657 = tpu.vector_load %arg8[%get3A_655, %get3A_656] {strides = array<i32>} : memref<64x768xf32, #tpu.memory_space<vmem>>, vector<1x16xf32>,
      %get3A_658 = vector.shape_cast %get3A_657 : vector<1x16xf32> to vector<16xf32>
      %mul3A_659 = arith.mulf %get3A_658, %get3A_139 : vector<16xf32>
      %get3A_660 = arith.index_cast %scan3A_135 : i32 to index
      %get3A_661 = arith.constant 512 : index
      %get3A_662 = tpu.vector_load %arg9[%get3A_660, %get3A_661] {strides = array<i32>} : memref<64x768xf32, #tpu.memory_space<vmem>>, vector<1x16xf32>,
      %get3A_663 = vector.shape_cast %get3A_662 : vector<1x16xf32> to vector<16xf32>
      %mul3A_664 = arith.mulf %get3A_663, %get3A_143 : vector<16xf32>
      %add3A_665 = arith.addf %mul3A_659, %mul3A_664 : vector<16xf32>
      %swap3A_666 = arith.index_cast %scan3A_135 : i32 to index
      %swap3A_667 = arith.constant 512 : index
      %swap3A_668 = tpu.vector_load %arg8[%swap3A_666, %swap3A_667] {strides = array<i32>} : memref<64x768xf32, #tpu.memory_space<vmem>>, vector<1x16xf32>,
      %swap3A_669 = vector.shape_cast %swap3A_668 : vector<1x16xf32> to vector<16xf32>
      %swap3A_670 = vector.shape_cast %add3A_665 : vector<16xf32> to vector<1x16xf32>
      tpu.vector_store %arg8[%swap3A_666, %swap3A_667], %swap3A_670 {strides = array<i32>} : memref<64x768xf32, #tpu.memory_space<vmem>>, vector<1x16xf32>,
      %get3A_671 = arith.index_cast %scan3A_135 : i32 to index
      %get3A_672 = arith.constant 528 : index
      %get3A_673 = tpu.vector_load %arg8[%get3A_671, %get3A_672] {strides = array<i32>} : memref<64x768xf32, #tpu.memory_space<vmem>>, vector<1x16xf32>,
      %get3A_674 = vector.shape_cast %get3A_673 : vector<1x16xf32> to vector<16xf32>
      %mul3A_675 = arith.mulf %get3A_674, %get3A_139 : vector<16xf32>
      %get3A_676 = arith.index_cast %scan3A_135 : i32 to index
      %get3A_677 = arith.constant 528 : index
      %get3A_678 = tpu.vector_load %arg9[%get3A_676, %get3A_677] {strides = array<i32>} : memref<64x768xf32, #tpu.memory_space<vmem>>, vector<1x16xf32>,
      %get3A_679 = vector.shape_cast %get3A_678 : vector<1x16xf32> to vector<16xf32>
      %mul3A_680 = arith.mulf %get3A_679, %get3A_143 : vector<16xf32>
      %add3A_681 = arith.addf %mul3A_675, %mul3A_680 : vector<16xf32>
      %swap3A_682 = arith.index_cast %scan3A_135 : i32 to index
      %swap3A_683 = arith.constant 528 : index
      %swap3A_684 = tpu.vector_load %arg8[%swap3A_682, %swap3A_683] {strides = array<i32>} : memref<64x768xf32, #tpu.memory_space<vmem>>, vector<1x16xf32>,
      %swap3A_685 = vector.shape_cast %swap3A_684 : vector<1x16xf32> to vector<16xf32>
      %swap3A_686 = vector.shape_cast %add3A_681 : vector<16xf32> to vector<1x16xf32>
      tpu.vector_store %arg8[%swap3A_682, %swap3A_683], %swap3A_686 {strides = array<i32>} : memref<64x768xf32, #tpu.memory_space<vmem>>, vector<1x16xf32>,
      %get3A_687 = arith.index_cast %scan3A_135 : i32 to index
      %get3A_688 = arith.constant 544 : index
      %get3A_689 = tpu.vector_load %arg8[%get3A_687, %get3A_688] {strides = array<i32>} : memref<64x768xf32, #tpu.memory_space<vmem>>, vector<1x16xf32>,
      %get3A_690 = vector.shape_cast %get3A_689 : vector<1x16xf32> to vector<16xf32>
      %mul3A_691 = arith.mulf %get3A_690, %get3A_139 : vector<16xf32>
      %get3A_692 = arith.index_cast %scan3A_135 : i32 to index
      %get3A_693 = arith.constant 544 : index
      %get3A_694 = tpu.vector_load %arg9[%get3A_692, %get3A_693] {strides = array<i32>} : memref<64x768xf32, #tpu.memory_space<vmem>>, vector<1x16xf32>,
      %get3A_695 = vector.shape_cast %get3A_694 : vector<1x16xf32> to vector<16xf32>
      %mul3A_696 = arith.mulf %get3A_695, %get3A_143 : vector<16xf32>
      %add3A_697 = arith.addf %mul3A_691, %mul3A_696 : vector<16xf32>
      %swap3A_698 = arith.index_cast %scan3A_135 : i32 to index
      %swap3A_699 = arith.constant 544 : index
      %swap3A_700 = tpu.vector_load %arg8[%swap3A_698, %swap3A_699] {strides = array<i32>} : memref<64x768xf32, #tpu.memory_space<vmem>>, vector<1x16xf32>,
      %swap3A_701 = vector.shape_cast %swap3A_700 : vector<1x16xf32> to vector<16xf32>
      %swap3A_702 = vector.shape_cast %add3A_697 : vector<16xf32> to vector<1x16xf32>
      tpu.vector_store %arg8[%swap3A_698, %swap3A_699], %swap3A_702 {strides = array<i32>} : memref<64x768xf32, #tpu.memory_space<vmem>>, vector<1x16xf32>,
      %get3A_703 = arith.index_cast %scan3A_135 : i32 to index
      %get3A_704 = arith.constant 560 : index
      %get3A_705 = tpu.vector_load %arg8[%get3A_703, %get3A_704] {strides = array<i32>} : memref<64x768xf32, #tpu.memory_space<vmem>>, vector<1x16xf32>,
      %get3A_706 = vector.shape_cast %get3A_705 : vector<1x16xf32> to vector<16xf32>
      %mul3A_707 = arith.mulf %get3A_706, %get3A_139 : vector<16xf32>
      %get3A_708 = arith.index_cast %scan3A_135 : i32 to index
      %get3A_709 = arith.constant 560 : index
      %get3A_710 = tpu.vector_load %arg9[%get3A_708, %get3A_709] {strides = array<i32>} : memref<64x768xf32, #tpu.memory_space<vmem>>, vector<1x16xf32>,
      %get3A_711 = vector.shape_cast %get3A_710 : vector<1x16xf32> to vector<16xf32>
      %mul3A_712 = arith.mulf %get3A_711, %get3A_143 : vector<16xf32>
      %add3A_713 = arith.addf %mul3A_707, %mul3A_712 : vector<16xf32>
      %swap3A_714 = arith.index_cast %scan3A_135 : i32 to index
      %swap3A_715 = arith.constant 560 : index
      %swap3A_716 = tpu.vector_load %arg8[%swap3A_714, %swap3A_715] {strides = array<i32>} : memref<64x768xf32, #tpu.memory_space<vmem>>, vector<1x16xf32>,
      %swap3A_717 = vector.shape_cast %swap3A_716 : vector<1x16xf32> to vector<16xf32>
      %swap3A_718 = vector.shape_cast %add3A_713 : vector<16xf32> to vector<1x16xf32>
      tpu.vector_store %arg8[%swap3A_714, %swap3A_715], %swap3A_718 {strides = array<i32>} : memref<64x768xf32, #tpu.memory_space<vmem>>, vector<1x16xf32>,
      %get3A_719 = arith.index_cast %scan3A_135 : i32 to index
      %get3A_720 = arith.constant 576 : index
      %get3A_721 = tpu.vector_load %arg8[%get3A_719, %get3A_720] {strides = array<i32>} : memref<64x768xf32, #tpu.memory_space<vmem>>, vector<1x16xf32>,
      %get3A_722 = vector.shape_cast %get3A_721 : vector<1x16xf32> to vector<16xf32>
      %mul3A_723 = arith.mulf %get3A_722, %get3A_139 : vector<16xf32>
      %get3A_724 = arith.index_cast %scan3A_135 : i32 to index
      %get3A_725 = arith.constant 576 : index
      %get3A_726 = tpu.vector_load %arg9[%get3A_724, %get3A_725] {strides = array<i32>} : memref<64x768xf32, #tpu.memory_space<vmem>>, vector<1x16xf32>,
      %get3A_727 = vector.shape_cast %get3A_726 : vector<1x16xf32> to vector<16xf32>
      %mul3A_728 = arith.mulf %get3A_727, %get3A_143 : vector<16xf32>
      %add3A_729 = arith.addf %mul3A_723, %mul3A_728 : vector<16xf32>
      %swap3A_730 = arith.index_cast %scan3A_135 : i32 to index
      %swap3A_731 = arith.constant 576 : index
      %swap3A_732 = tpu.vector_load %arg8[%swap3A_730, %swap3A_731] {strides = array<i32>} : memref<64x768xf32, #tpu.memory_space<vmem>>, vector<1x16xf32>,
      %swap3A_733 = vector.shape_cast %swap3A_732 : vector<1x16xf32> to vector<16xf32>
      %swap3A_734 = vector.shape_cast %add3A_729 : vector<16xf32> to vector<1x16xf32>
      tpu.vector_store %arg8[%swap3A_730, %swap3A_731], %swap3A_734 {strides = array<i32>} : memref<64x768xf32, #tpu.memory_space<vmem>>, vector<1x16xf32>,
      %get3A_735 = arith.index_cast %scan3A_135 : i32 to index
      %get3A_736 = arith.constant 592 : index
      %get3A_737 = tpu.vector_load %arg8[%get3A_735, %get3A_736] {strides = array<i32>} : memref<64x768xf32, #tpu.memory_space<vmem>>, vector<1x16xf32>,
      %get3A_738 = vector.shape_cast %get3A_737 : vector<1x16xf32> to vector<16xf32>
      %mul3A_739 = arith.mulf %get3A_738, %get3A_139 : vector<16xf32>
      %get3A_740 = arith.index_cast %scan3A_135 : i32 to index
      %get3A_741 = arith.constant 592 : index
      %get3A_742 = tpu.vector_load %arg9[%get3A_740, %get3A_741] {strides = array<i32>} : memref<64x768xf32, #tpu.memory_space<vmem>>, vector<1x16xf32>,
      %get3A_743 = vector.shape_cast %get3A_742 : vector<1x16xf32> to vector<16xf32>
      %mul3A_744 = arith.mulf %get3A_743, %get3A_143 : vector<16xf32>
      %add3A_745 = arith.addf %mul3A_739, %mul3A_744 : vector<16xf32>
      %swap3A_746 = arith.index_cast %scan3A_135 : i32 to index
      %swap3A_747 = arith.constant 592 : index
      %swap3A_748 = tpu.vector_load %arg8[%swap3A_746, %swap3A_747] {strides = array<i32>} : memref<64x768xf32, #tpu.memory_space<vmem>>, vector<1x16xf32>,
      %swap3A_749 = vector.shape_cast %swap3A_748 : vector<1x16xf32> to vector<16xf32>
      %swap3A_750 = vector.shape_cast %add3A_745 : vector<16xf32> to vector<1x16xf32>
      tpu.vector_store %arg8[%swap3A_746, %swap3A_747], %swap3A_750 {strides = array<i32>} : memref<64x768xf32, #tpu.memory_space<vmem>>, vector<1x16xf32>,
      %get3A_751 = arith.index_cast %scan3A_135 : i32 to index
      %get3A_752 = arith.constant 608 : index
      %get3A_753 = tpu.vector_load %arg8[%get3A_751, %get3A_752] {strides = array<i32>} : memref<64x768xf32, #tpu.memory_space<vmem>>, vector<1x16xf32>,
      %get3A_754 = vector.shape_cast %get3A_753 : vector<1x16xf32> to vector<16xf32>
      %mul3A_755 = arith.mulf %get3A_754, %get3A_139 : vector<16xf32>
      %get3A_756 = arith.index_cast %scan3A_135 : i32 to index
      %get3A_757 = arith.constant 608 : index
      %get3A_758 = tpu.vector_load %arg9[%get3A_756, %get3A_757] {strides = array<i32>} : memref<64x768xf32, #tpu.memory_space<vmem>>, vector<1x16xf32>,
      %get3A_759 = vector.shape_cast %get3A_758 : vector<1x16xf32> to vector<16xf32>
      %mul3A_760 = arith.mulf %get3A_759, %get3A_143 : vector<16xf32>
      %add3A_761 = arith.addf %mul3A_755, %mul3A_760 : vector<16xf32>
      %swap3A_762 = arith.index_cast %scan3A_135 : i32 to index
      %swap3A_763 = arith.constant 608 : index
      %swap3A_764 = tpu.vector_load %arg8[%swap3A_762, %swap3A_763] {strides = array<i32>} : memref<64x768xf32, #tpu.memory_space<vmem>>, vector<1x16xf32>,
      %swap3A_765 = vector.shape_cast %swap3A_764 : vector<1x16xf32> to vector<16xf32>
      %swap3A_766 = vector.shape_cast %add3A_761 : vector<16xf32> to vector<1x16xf32>
      tpu.vector_store %arg8[%swap3A_762, %swap3A_763], %swap3A_766 {strides = array<i32>} : memref<64x768xf32, #tpu.memory_space<vmem>>, vector<1x16xf32>,
      %get3A_767 = arith.index_cast %scan3A_135 : i32 to index
      %get3A_768 = arith.constant 624 : index
      %get3A_769 = tpu.vector_load %arg8[%get3A_767, %get3A_768] {strides = array<i32>} : memref<64x768xf32, #tpu.memory_space<vmem>>, vector<1x16xf32>,
      %get3A_770 = vector.shape_cast %get3A_769 : vector<1x16xf32> to vector<16xf32>
      %mul3A_771 = arith.mulf %get3A_770, %get3A_139 : vector<16xf32>
      %get3A_772 = arith.index_cast %scan3A_135 : i32 to index
      %get3A_773 = arith.constant 624 : index
      %get3A_774 = tpu.vector_load %arg9[%get3A_772, %get3A_773] {strides = array<i32>} : memref<64x768xf32, #tpu.memory_space<vmem>>, vector<1x16xf32>,
      %get3A_775 = vector.shape_cast %get3A_774 : vector<1x16xf32> to vector<16xf32>
      %mul3A_776 = arith.mulf %get3A_775, %get3A_143 : vector<16xf32>
      %add3A_777 = arith.addf %mul3A_771, %mul3A_776 : vector<16xf32>
      %swap3A_778 = arith.index_cast %scan3A_135 : i32 to index
      %swap3A_779 = arith.constant 624 : index
      %swap3A_780 = tpu.vector_load %arg8[%swap3A_778, %swap3A_779] {strides = array<i32>} : memref<64x768xf32, #tpu.memory_space<vmem>>, vector<1x16xf32>,
      %swap3A_781 = vector.shape_cast %swap3A_780 : vector<1x16xf32> to vector<16xf32>
      %swap3A_782 = vector.shape_cast %add3A_777 : vector<16xf32> to vector<1x16xf32>
      tpu.vector_store %arg8[%swap3A_778, %swap3A_779], %swap3A_782 {strides = array<i32>} : memref<64x768xf32, #tpu.memory_space<vmem>>, vector<1x16xf32>,
      %get3A_783 = arith.index_cast %scan3A_135 : i32 to index
      %get3A_784 = arith.constant 640 : index
      %get3A_785 = tpu.vector_load %arg8[%get3A_783, %get3A_784] {strides = array<i32>} : memref<64x768xf32, #tpu.memory_space<vmem>>, vector<1x16xf32>,
      %get3A_786 = vector.shape_cast %get3A_785 : vector<1x16xf32> to vector<16xf32>
      %mul3A_787 = arith.mulf %get3A_786, %get3A_139 : vector<16xf32>
      %get3A_788 = arith.index_cast %scan3A_135 : i32 to index
      %get3A_789 = arith.constant 640 : index
      %get3A_790 = tpu.vector_load %arg9[%get3A_788, %get3A_789] {strides = array<i32>} : memref<64x768xf32, #tpu.memory_space<vmem>>, vector<1x16xf32>,
      %get3A_791 = vector.shape_cast %get3A_790 : vector<1x16xf32> to vector<16xf32>
      %mul3A_792 = arith.mulf %get3A_791, %get3A_143 : vector<16xf32>
      %add3A_793 = arith.addf %mul3A_787, %mul3A_792 : vector<16xf32>
      %swap3A_794 = arith.index_cast %scan3A_135 : i32 to index
      %swap3A_795 = arith.constant 640 : index
      %swap3A_796 = tpu.vector_load %arg8[%swap3A_794, %swap3A_795] {strides = array<i32>} : memref<64x768xf32, #tpu.memory_space<vmem>>, vector<1x16xf32>,
      %swap3A_797 = vector.shape_cast %swap3A_796 : vector<1x16xf32> to vector<16xf32>
      %swap3A_798 = vector.shape_cast %add3A_793 : vector<16xf32> to vector<1x16xf32>
      tpu.vector_store %arg8[%swap3A_794, %swap3A_795], %swap3A_798 {strides = array<i32>} : memref<64x768xf32, #tpu.memory_space<vmem>>, vector<1x16xf32>,
      %get3A_799 = arith.index_cast %scan3A_135 : i32 to index
      %get3A_800 = arith.constant 656 : index
      %get3A_801 = tpu.vector_load %arg8[%get3A_799, %get3A_800] {strides = array<i32>} : memref<64x768xf32, #tpu.memory_space<vmem>>, vector<1x16xf32>,
      %get3A_802 = vector.shape_cast %get3A_801 : vector<1x16xf32> to vector<16xf32>
      %mul3A_803 = arith.mulf %get3A_802, %get3A_139 : vector<16xf32>
      %get3A_804 = arith.index_cast %scan3A_135 : i32 to index
      %get3A_805 = arith.constant 656 : index
      %get3A_806 = tpu.vector_load %arg9[%get3A_804, %get3A_805] {strides = array<i32>} : memref<64x768xf32, #tpu.memory_space<vmem>>, vector<1x16xf32>,
      %get3A_807 = vector.shape_cast %get3A_806 : vector<1x16xf32> to vector<16xf32>
      %mul3A_808 = arith.mulf %get3A_807, %get3A_143 : vector<16xf32>
      %add3A_809 = arith.addf %mul3A_803, %mul3A_808 : vector<16xf32>
      %swap3A_810 = arith.index_cast %scan3A_135 : i32 to index
      %swap3A_811 = arith.constant 656 : index
      %swap3A_812 = tpu.vector_load %arg8[%swap3A_810, %swap3A_811] {strides = array<i32>} : memref<64x768xf32, #tpu.memory_space<vmem>>, vector<1x16xf32>,
      %swap3A_813 = vector.shape_cast %swap3A_812 : vector<1x16xf32> to vector<16xf32>
      %swap3A_814 = vector.shape_cast %add3A_809 : vector<16xf32> to vector<1x16xf32>
      tpu.vector_store %arg8[%swap3A_810, %swap3A_811], %swap3A_814 {strides = array<i32>} : memref<64x768xf32, #tpu.memory_space<vmem>>, vector<1x16xf32>,
      %get3A_815 = arith.index_cast %scan3A_135 : i32 to index
      %get3A_816 = arith.constant 672 : index
      %get3A_817 = tpu.vector_load %arg8[%get3A_815, %get3A_816] {strides = array<i32>} : memref<64x768xf32, #tpu.memory_space<vmem>>, vector<1x16xf32>,
      %get3A_818 = vector.shape_cast %get3A_817 : vector<1x16xf32> to vector<16xf32>
      %mul3A_819 = arith.mulf %get3A_818, %get3A_139 : vector<16xf32>
      %get3A_820 = arith.index_cast %scan3A_135 : i32 to index
      %get3A_821 = arith.constant 672 : index
      %get3A_822 = tpu.vector_load %arg9[%get3A_820, %get3A_821] {strides = array<i32>} : memref<64x768xf32, #tpu.memory_space<vmem>>, vector<1x16xf32>,
      %get3A_823 = vector.shape_cast %get3A_822 : vector<1x16xf32> to vector<16xf32>
      %mul3A_824 = arith.mulf %get3A_823, %get3A_143 : vector<16xf32>
      %add3A_825 = arith.addf %mul3A_819, %mul3A_824 : vector<16xf32>
      %swap3A_826 = arith.index_cast %scan3A_135 : i32 to index
      %swap3A_827 = arith.constant 672 : index
      %swap3A_828 = tpu.vector_load %arg8[%swap3A_826, %swap3A_827] {strides = array<i32>} : memref<64x768xf32, #tpu.memory_space<vmem>>, vector<1x16xf32>,
      %swap3A_829 = vector.shape_cast %swap3A_828 : vector<1x16xf32> to vector<16xf32>
      %swap3A_830 = vector.shape_cast %add3A_825 : vector<16xf32> to vector<1x16xf32>
      tpu.vector_store %arg8[%swap3A_826, %swap3A_827], %swap3A_830 {strides = array<i32>} : memref<64x768xf32, #tpu.memory_space<vmem>>, vector<1x16xf32>,
      %get3A_831 = arith.index_cast %scan3A_135 : i32 to index
      %get3A_832 = arith.constant 688 : index
      %get3A_833 = tpu.vector_load %arg8[%get3A_831, %get3A_832] {strides = array<i32>} : memref<64x768xf32, #tpu.memory_space<vmem>>, vector<1x16xf32>,
      %get3A_834 = vector.shape_cast %get3A_833 : vector<1x16xf32> to vector<16xf32>
      %mul3A_835 = arith.mulf %get3A_834, %get3A_139 : vector<16xf32>
      %get3A_836 = arith.index_cast %scan3A_135 : i32 to index
      %get3A_837 = arith.constant 688 : index
      %get3A_838 = tpu.vector_load %arg9[%get3A_836, %get3A_837] {strides = array<i32>} : memref<64x768xf32, #tpu.memory_space<vmem>>, vector<1x16xf32>,
      %get3A_839 = vector.shape_cast %get3A_838 : vector<1x16xf32> to vector<16xf32>
      %mul3A_840 = arith.mulf %get3A_839, %get3A_143 : vector<16xf32>
      %add3A_841 = arith.addf %mul3A_835, %mul3A_840 : vector<16xf32>
      %swap3A_842 = arith.index_cast %scan3A_135 : i32 to index
      %swap3A_843 = arith.constant 688 : index
      %swap3A_844 = tpu.vector_load %arg8[%swap3A_842, %swap3A_843] {strides = array<i32>} : memref<64x768xf32, #tpu.memory_space<vmem>>, vector<1x16xf32>,
      %swap3A_845 = vector.shape_cast %swap3A_844 : vector<1x16xf32> to vector<16xf32>
      %swap3A_846 = vector.shape_cast %add3A_841 : vector<16xf32> to vector<1x16xf32>
      tpu.vector_store %arg8[%swap3A_842, %swap3A_843], %swap3A_846 {strides = array<i32>} : memref<64x768xf32, #tpu.memory_space<vmem>>, vector<1x16xf32>,
      %get3A_847 = arith.index_cast %scan3A_135 : i32 to index
      %get3A_848 = arith.constant 704 : index
      %get3A_849 = tpu.vector_load %arg8[%get3A_847, %get3A_848] {strides = array<i32>} : memref<64x768xf32, #tpu.memory_space<vmem>>, vector<1x16xf32>,
      %get3A_850 = vector.shape_cast %get3A_849 : vector<1x16xf32> to vector<16xf32>
      %mul3A_851 = arith.mulf %get3A_850, %get3A_139 : vector<16xf32>
      %get3A_852 = arith.index_cast %scan3A_135 : i32 to index
      %get3A_853 = arith.constant 704 : index
      %get3A_854 = tpu.vector_load %arg9[%get3A_852, %get3A_853] {strides = array<i32>} : memref<64x768xf32, #tpu.memory_space<vmem>>, vector<1x16xf32>,
      %get3A_855 = vector.shape_cast %get3A_854 : vector<1x16xf32> to vector<16xf32>
      %mul3A_856 = arith.mulf %get3A_855, %get3A_143 : vector<16xf32>
      %add3A_857 = arith.addf %mul3A_851, %mul3A_856 : vector<16xf32>
      %swap3A_858 = arith.index_cast %scan3A_135 : i32 to index
      %swap3A_859 = arith.constant 704 : index
      %swap3A_860 = tpu.vector_load %arg8[%swap3A_858, %swap3A_859] {strides = array<i32>} : memref<64x768xf32, #tpu.memory_space<vmem>>, vector<1x16xf32>,
      %swap3A_861 = vector.shape_cast %swap3A_860 : vector<1x16xf32> to vector<16xf32>
      %swap3A_862 = vector.shape_cast %add3A_857 : vector<16xf32> to vector<1x16xf32>
      tpu.vector_store %arg8[%swap3A_858, %swap3A_859], %swap3A_862 {strides = array<i32>} : memref<64x768xf32, #tpu.memory_space<vmem>>, vector<1x16xf32>,
      %get3A_863 = arith.index_cast %scan3A_135 : i32 to index
      %get3A_864 = arith.constant 720 : index
      %get3A_865 = tpu.vector_load %arg8[%get3A_863, %get3A_864] {strides = array<i32>} : memref<64x768xf32, #tpu.memory_space<vmem>>, vector<1x16xf32>,
      %get3A_866 = vector.shape_cast %get3A_865 : vector<1x16xf32> to vector<16xf32>
      %mul3A_867 = arith.mulf %get3A_866, %get3A_139 : vector<16xf32>
      %get3A_868 = arith.index_cast %scan3A_135 : i32 to index
      %get3A_869 = arith.constant 720 : index
      %get3A_870 = tpu.vector_load %arg9[%get3A_868, %get3A_869] {strides = array<i32>} : memref<64x768xf32, #tpu.memory_space<vmem>>, vector<1x16xf32>,
      %get3A_871 = vector.shape_cast %get3A_870 : vector<1x16xf32> to vector<16xf32>
      %mul3A_872 = arith.mulf %get3A_871, %get3A_143 : vector<16xf32>
      %add3A_873 = arith.addf %mul3A_867, %mul3A_872 : vector<16xf32>
      %swap3A_874 = arith.index_cast %scan3A_135 : i32 to index
      %swap3A_875 = arith.constant 720 : index
      %swap3A_876 = tpu.vector_load %arg8[%swap3A_874, %swap3A_875] {strides = array<i32>} : memref<64x768xf32, #tpu.memory_space<vmem>>, vector<1x16xf32>,
      %swap3A_877 = vector.shape_cast %swap3A_876 : vector<1x16xf32> to vector<16xf32>
      %swap3A_878 = vector.shape_cast %add3A_873 : vector<16xf32> to vector<1x16xf32>
      tpu.vector_store %arg8[%swap3A_874, %swap3A_875], %swap3A_878 {strides = array<i32>} : memref<64x768xf32, #tpu.memory_space<vmem>>, vector<1x16xf32>,
      %get3A_879 = arith.index_cast %scan3A_135 : i32 to index
      %get3A_880 = arith.constant 736 : index
      %get3A_881 = tpu.vector_load %arg8[%get3A_879, %get3A_880] {strides = array<i32>} : memref<64x768xf32, #tpu.memory_space<vmem>>, vector<1x16xf32>,
      %get3A_882 = vector.shape_cast %get3A_881 : vector<1x16xf32> to vector<16xf32>
      %mul3A_883 = arith.mulf %get3A_882, %get3A_139 : vector<16xf32>
      %get3A_884 = arith.index_cast %scan3A_135 : i32 to index
      %get3A_885 = arith.constant 736 : index
      %get3A_886 = tpu.vector_load %arg9[%get3A_884, %get3A_885] {strides = array<i32>} : memref<64x768xf32, #tpu.memory_space<vmem>>, vector<1x16xf32>,
      %get3A_887 = vector.shape_cast %get3A_886 : vector<1x16xf32> to vector<16xf32>
      %mul3A_888 = arith.mulf %get3A_887, %get3A_143 : vector<16xf32>
      %add3A_889 = arith.addf %mul3A_883, %mul3A_888 : vector<16xf32>
      %swap3A_890 = arith.index_cast %scan3A_135 : i32 to index
      %swap3A_891 = arith.constant 736 : index
      %swap3A_892 = tpu.vector_load %arg8[%swap3A_890, %swap3A_891] {strides = array<i32>} : memref<64x768xf32, #tpu.memory_space<vmem>>, vector<1x16xf32>,
      %swap3A_893 = vector.shape_cast %swap3A_892 : vector<1x16xf32> to vector<16xf32>
      %swap3A_894 = vector.shape_cast %add3A_889 : vector<16xf32> to vector<1x16xf32>
      tpu.vector_store %arg8[%swap3A_890, %swap3A_891], %swap3A_894 {strides = array<i32>} : memref<64x768xf32, #tpu.memory_space<vmem>>, vector<1x16xf32>,
      %get3A_895 = arith.index_cast %scan3A_135 : i32 to index
      %get3A_896 = arith.constant 752 : index
      %get3A_897 = tpu.vector_load %arg8[%get3A_895, %get3A_896] {strides = array<i32>} : memref<64x768xf32, #tpu.memory_space<vmem>>, vector<1x16xf32>,
      %get3A_898 = vector.shape_cast %get3A_897 : vector<1x16xf32> to vector<16xf32>
      %mul3A_899 = arith.mulf %get3A_898, %get3A_139 : vector<16xf32>
      %get3A_900 = arith.index_cast %scan3A_135 : i32 to index
      %get3A_901 = arith.constant 752 : index
      %get3A_902 = tpu.vector_load %arg9[%get3A_900, %get3A_901] {strides = array<i32>} : memref<64x768xf32, #tpu.memory_space<vmem>>, vector<1x16xf32>,
      %get3A_903 = vector.shape_cast %get3A_902 : vector<1x16xf32> to vector<16xf32>
      %mul3A_904 = arith.mulf %get3A_903, %get3A_143 : vector<16xf32>
      %add3A_905 = arith.addf %mul3A_899, %mul3A_904 : vector<16xf32>
      %swap3A_906 = arith.index_cast %scan3A_135 : i32 to index
      %swap3A_907 = arith.constant 752 : index
      %swap3A_908 = tpu.vector_load %arg8[%swap3A_906, %swap3A_907] {strides = array<i32>} : memref<64x768xf32, #tpu.memory_space<vmem>>, vector<1x16xf32>,
      %swap3A_909 = vector.shape_cast %swap3A_908 : vector<1x16xf32> to vector<16xf32>
      %swap3A_910 = vector.shape_cast %add3A_905 : vector<16xf32> to vector<1x16xf32>
      tpu.vector_store %arg8[%swap3A_906, %swap3A_907], %swap3A_910 {strides = array<i32>} : memref<64x768xf32, #tpu.memory_space<vmem>>, vector<1x16xf32>,
    }
    %scan3A_134 = arith.constant 64 : i32
    "tpu.region"() ({
      %run_scoped3A = tpu.sem_alloc : memref<!tpu.dma_semaphore, #tpu.memory_space<semaphore_mem>>
      %dma_start3A_135 = arith.constant 0 : i32
      %dma_start3A_136 = tpu.memref_slice %arg6[%mul3A_2, %dma_start3A_135] : memref<2048x768xf32, #tpu.memory_space<hbm>> -> memref<64x768xf32, #tpu.memory_space<hbm>>
      %dma_start3A_137 = arith.constant 0 : i32
      %dma_start3A_138 = tpu.memref_slice %arg6[%mul3A_2, %dma_start3A_137] : memref<2048x768xf32, #tpu.memory_space<hbm>> -> memref<64x768xf32, #tpu.memory_space<hbm>>
      tpu.enqueue_dma source(%arg8 : memref<64x768xf32, #tpu.memory_space<vmem>>) target(%dma_start3A_138 : memref<64x768xf32, #tpu.memory_space<hbm>>) target_semaphore(%run_scoped3A : memref<!tpu.dma_semaphore, #tpu.memory_space<semaphore_mem>>)
      %dma_wait3A_139 = arith.constant 0 : i32
      %dma_wait3A_140 = tpu.memref_slice %arg6[%mul3A_2, %dma_wait3A_139] : memref<2048x768xf32, #tpu.memory_space<hbm>> -> memref<64x768xf32, #tpu.memory_space<hbm>>
      %dma_wait3A_141 = arith.constant 0 : i32
      %dma_wait3A_142 = tpu.memref_slice %arg6[%mul3A_2, %dma_wait3A_141] : memref<2048x768xf32, #tpu.memory_space<hbm>> -> memref<64x768xf32, #tpu.memory_space<hbm>>
      tpu.wait_dma2 semaphore(%run_scoped3A : memref<!tpu.dma_semaphore, #tpu.memory_space<semaphore_mem>>) src(%arg8 : memref<64x768xf32, #tpu.memory_space<vmem>>) dst(%dma_wait3A_142 : memref<64x768xf32, #tpu.memory_space<hbm>>)
      tpu.yield
    }) : () -> ()
    return
  }
}

module attributes {stable_mosaic.version = 14 : i64} {
  func.func @_router_body(%arg0: i32, %arg1: memref<512x768xf32, #tpu.memory_space<vmem>>, %arg2: memref<16x768xf32, #tpu.memory_space<vmem>>, %arg3: memref<1x16xf32, #tpu.memory_space<vmem>>, %arg4: memref<512x1xi32, #tpu.memory_space<vmem>>, %arg5: memref<512x16xf32, #tpu.memory_space<vmem>>, %arg6: memref<512x16xf32, #tpu.memory_space<vmem>>, %arg7: memref<1x16xf32, #tpu.memory_space<vmem>>) attributes {dimension_semantics = [#tpu.dimension_semantics<arbitrary>], iteration_bounds = array<i64: 4>, scalar_prefetch = 0 : i64, scratch_operands = 1 : i64, tpu.core_type = #tpu.core_type<tc>, window_params = [{transform_indices = @transform_0, window_bounds = array<i64: 512, 768>}, {pipeline_mode = #tpu.pipeline_mode<synchronous>, transform_indices = @transform_1, window_bounds = array<i64: 16, 768>}, {pipeline_mode = #tpu.pipeline_mode<synchronous>, transform_indices = @transform_2, window_bounds = array<i64: 1, 16>}, {transform_indices = @transform_3, window_bounds = array<i64: 512, 1>}, {transform_indices = @transform_4, window_bounds = array<i64: 512, 16>}, {transform_indices = @transform_5, window_bounds = array<i64: 512, 16>}]} {
    %eq3A = arith.constant 0 : i32
    %eq3A_0 = arith.cmpi eq, %arg0, %eq3A : i32
    %convert_element_type3A = arith.extui %eq3A_0 : i1 to i32
    %cond3A = arith.constant 0 : i32
    %cond3A_1 = arith.cmpi ne, %convert_element_type3A, %cond3A : i32
    scf.if %cond3A_1 {
      %broadcast_in_dim3A_120 = arith.constant 0.000000e+00 : f32
      %broadcast_in_dim3A_121 = vector.broadcast %broadcast_in_dim3A_120 : f32 to vector<1x16xf32>
      %swap3A_122 = arith.constant 0 : index
      %swap3A_123 = arith.constant 0 : index
      %swap3A_124 = vector.load %arg7[%swap3A_122, %swap3A_123] : memref<1x16xf32, #tpu.memory_space<vmem>>, vector<1x16xf32>
      tpu.vector_store %arg7[%swap3A_122, %swap3A_123], %broadcast_in_dim3A_121 {strides = array<i32>} : memref<1x16xf32, #tpu.memory_space<vmem>>, vector<1x16xf32>,
    } else {
    }
    %get3A = arith.constant 0 : index
    %get3A_2 = arith.constant 0 : index
    %get3A_3 = vector.load %arg1[%get3A, %get3A_2] : memref<512x768xf32, #tpu.memory_space<vmem>>, vector<512x768xf32>
    %get3A_4 = arith.constant 0 : index
    %get3A_5 = arith.constant 0 : index
    %get3A_6 = vector.load %arg2[%get3A_4, %get3A_5] : memref<16x768xf32, #tpu.memory_space<vmem>>, vector<16x768xf32>
    %dot_general3A = arith.constant dense<0.000000e+00> : vector<512x16xf32>
    %dot_general3A_7 = tpu.matmul %get3A_3, %get3A_6, %dot_general3A {dimension_numbers = #tpu.dot_dimension_numbers<[1], [1], [0], [0], [0, 0, 1, 0], [], []>, transpose_lhs_hint = false} : vector<512x768xf32>, vector<16x768xf32>, vector<512x16xf32> -> vector<512x16xf32>
    %get3A_8 = arith.constant 0 : index
    %get3A_9 = arith.constant 0 : index
    %get3A_10 = vector.load %arg3[%get3A_8, %get3A_9] : memref<1x16xf32, #tpu.memory_space<vmem>>, vector<1x16xf32>
    %add3A = vector.broadcast %get3A_10 : vector<1x16xf32> to vector<512x16xf32>
    %add3A_11 = arith.addf %dot_general3A_7, %add3A : vector<512x16xf32>
    %reduce_max3A = arith.constant dense<0xFF800000> : vector<512xf32>
    %reduce_max3A_12 = vector.multi_reduction <maximumf>, %add3A_11, %reduce_max3A [1] : vector<512x16xf32> to vector<512xf32>
    %broadcast_in_dim3A = vector.shape_cast %reduce_max3A_12 : vector<512xf32> to vector<512x1xf32>
    %sub3A = vector.broadcast %broadcast_in_dim3A : vector<512x1xf32> to vector<512x16xf32>
    %sub3A_13 = arith.subf %add3A_11, %sub3A : vector<512x16xf32>
    %exp3A = math.exp %sub3A_13 : vector<512x16xf32>
    %reduce_sum3A = arith.constant dense<0.000000e+00> : vector<512xf32>
    %reduce_sum3A_14 = vector.multi_reduction <add>, %exp3A, %reduce_sum3A [1] : vector<512x16xf32> to vector<512xf32>
    %broadcast_in_dim3A_15 = vector.shape_cast %reduce_sum3A_14 : vector<512xf32> to vector<512x1xf32>
    %div3A = vector.broadcast %broadcast_in_dim3A_15 : vector<512x1xf32> to vector<512x16xf32>
    %div3A_16 = arith.divf %exp3A, %div3A : vector<512x16xf32>
    %iota3A = tpu.iota {dimensions = array<i32: 1>} : vector<512x16xi32>
    %reduce_max3A_17 = arith.constant dense<0xFF800000> : vector<512xf32>
    %reduce_max3A_18 = vector.multi_reduction <maximumf>, %div3A_16, %reduce_max3A_17 [1] : vector<512x16xf32> to vector<512xf32>
    %broadcast_in_dim3A_19 = vector.shape_cast %reduce_max3A_18 : vector<512xf32> to vector<512x1xf32>
    %eq3A_20 = vector.broadcast %broadcast_in_dim3A_19 : vector<512x1xf32> to vector<512x16xf32>
    %eq3A_21 = arith.cmpf oeq, %div3A_16, %eq3A_20 : vector<512x16xf32>
    %jit3A = arith.constant 16 : i32
    %broadcast_in_dim3A_22 = vector.broadcast %jit3A : i32 to vector<512x16xi32>
    %select_n3A = arith.select %eq3A_21, %iota3A, %broadcast_in_dim3A_22 : vector<512x16xi1>, vector<512x16xi32>
    %reduce_min3A = arith.constant dense<2147483647> : vector<512xi32>
    %reduce_min3A_23 = vector.multi_reduction <minsi>, %select_n3A, %reduce_min3A [1] : vector<512x16xi32> to vector<512xi32>
    %broadcast_in_dim3A_24 = vector.shape_cast %reduce_min3A_23 : vector<512xi32> to vector<512x1xi32>
    %eq3A_25 = vector.broadcast %broadcast_in_dim3A_24 : vector<512x1xi32> to vector<512x16xi32>
    %eq3A_26 = arith.cmpi eq, %iota3A, %eq3A_25 : vector<512x16xi32>
    %jit3A_27 = arith.constant -1.000000e+00 : f32
    %broadcast_in_dim3A_28 = vector.broadcast %jit3A_27 : f32 to vector<512x16xf32>
    %select_n3A_29 = arith.select %eq3A_26, %broadcast_in_dim3A_28, %div3A_16 : vector<512x16xi1>, vector<512x16xf32>
    %reduce_max3A_30 = arith.constant dense<0xFF800000> : vector<512xf32>
    %reduce_max3A_31 = vector.multi_reduction <maximumf>, %select_n3A_29, %reduce_max3A_30 [1] : vector<512x16xf32> to vector<512xf32>
    %broadcast_in_dim3A_32 = vector.shape_cast %reduce_max3A_31 : vector<512xf32> to vector<512x1xf32>
    %eq3A_33 = vector.broadcast %broadcast_in_dim3A_32 : vector<512x1xf32> to vector<512x16xf32>
    %eq3A_34 = arith.cmpf oeq, %select_n3A_29, %eq3A_33 : vector<512x16xf32>
    %jit3A_35 = arith.constant 16 : i32
    %broadcast_in_dim3A_36 = vector.broadcast %jit3A_35 : i32 to vector<512x16xi32>
    %select_n3A_37 = arith.select %eq3A_34, %iota3A, %broadcast_in_dim3A_36 : vector<512x16xi1>, vector<512x16xi32>
    %reduce_min3A_38 = arith.constant dense<2147483647> : vector<512xi32>
    %reduce_min3A_39 = vector.multi_reduction <minsi>, %select_n3A_37, %reduce_min3A_38 [1] : vector<512x16xi32> to vector<512xi32>
    %broadcast_in_dim3A_40 = vector.shape_cast %reduce_min3A_39 : vector<512xi32> to vector<512x1xi32>
    %add3A_41 = arith.addf %broadcast_in_dim3A_19, %broadcast_in_dim3A_32 : vector<512x1xf32>
    %div3A_42 = arith.divf %broadcast_in_dim3A_19, %add3A_41 : vector<512x1xf32>
    %div3A_43 = arith.divf %broadcast_in_dim3A_32, %add3A_41 : vector<512x1xf32>
    %eq3A_44 = vector.broadcast %broadcast_in_dim3A_24 : vector<512x1xi32> to vector<512x16xi32>
    %eq3A_45 = arith.cmpi eq, %iota3A, %eq3A_44 : vector<512x16xi32>
    %convert_element_type3A_46 = arith.extui %eq3A_45 : vector<512x16xi1> to vector<512x16xi32>
    %convert_element_type3A_47 = arith.sitofp %convert_element_type3A_46 : vector<512x16xi32> to vector<512x16xf32>
    %eq3A_48 = vector.broadcast %broadcast_in_dim3A_40 : vector<512x1xi32> to vector<512x16xi32>
    %eq3A_49 = arith.cmpi eq, %iota3A, %eq3A_48 : vector<512x16xi32>
    %convert_element_type3A_50 = arith.extui %eq3A_49 : vector<512x16xi1> to vector<512x16xi32>
    %convert_element_type3A_51 = arith.sitofp %convert_element_type3A_50 : vector<512x16xi32> to vector<512x16xf32>
    %add3A_52 = arith.addf %convert_element_type3A_47, %convert_element_type3A_51 : vector<512x16xf32>
    %iota3A_53 = tpu.iota {dimensions = array<i32: 0>} : vector<512x512xi32>
    %iota3A_54 = tpu.iota {dimensions = array<i32: 1>} : vector<512x512xi32>
    %lt3A = arith.cmpi slt, %iota3A_54, %iota3A_53 : vector<512x512xi32>
    %convert_element_type3A_55 = arith.extui %lt3A : vector<512x512xi1> to vector<512x512xi32>
    %convert_element_type3A_56 = arith.sitofp %convert_element_type3A_55 : vector<512x512xi32> to vector<512x512xf32>
    %get3A_57 = arith.constant 0 : index
    %get3A_58 = arith.constant 0 : index
    %get3A_59 = vector.load %arg7[%get3A_57, %get3A_58] : memref<1x16xf32, #tpu.memory_space<vmem>>, vector<1x16xf32>
    %dot_general3A_60 = arith.constant dense<0.000000e+00> : vector<512x16xf32>
    %dot_general3A_61 = tpu.matmul %convert_element_type3A_56, %add3A_52, %dot_general3A_60 {dimension_numbers = #tpu.dot_dimension_numbers<[1], [0], [0], [1], [0, 0, 1, 1], [], []>, transpose_lhs_hint = false} : vector<512x512xf32>, vector<512x16xf32>, vector<512x16xf32> -> vector<512x16xf32>
    %add3A_62 = vector.broadcast %get3A_59 : vector<1x16xf32> to vector<512x16xf32>
    %add3A_63 = arith.addf %dot_general3A_61, %add3A_62 : vector<512x16xf32>
    %reduce_sum3A_64 = arith.constant dense<0.000000e+00> : vector<16xf32>
    %reduce_sum3A_65 = vector.multi_reduction <add>, %add3A_52, %reduce_sum3A_64 [0] : vector<512x16xf32> to vector<16xf32>
    %broadcast_in_dim3A_66 = vector.shape_cast %reduce_sum3A_65 : vector<16xf32> to vector<1x16xf32>
    %add3A_67 = arith.addf %get3A_59, %broadcast_in_dim3A_66 : vector<1x16xf32>
    %swap3A = arith.constant 0 : index
    %swap3A_68 = arith.constant 0 : index
    %swap3A_69 = vector.load %arg7[%swap3A, %swap3A_68] : memref<1x16xf32, #tpu.memory_space<vmem>>, vector<1x16xf32>
    tpu.vector_store %arg7[%swap3A, %swap3A_68], %add3A_67 {strides = array<i32>} : memref<1x16xf32, #tpu.memory_space<vmem>>, vector<1x16xf32>,
    %mul3A = arith.mulf %add3A_63, %convert_element_type3A_47 : vector<512x16xf32>
    %reduce_sum3A_70 = arith.constant dense<0.000000e+00> : vector<512xf32>
    %reduce_sum3A_71 = vector.multi_reduction <add>, %mul3A, %reduce_sum3A_70 [1] : vector<512x16xf32> to vector<512xf32>
    %broadcast_in_dim3A_72 = vector.shape_cast %reduce_sum3A_71 : vector<512xf32> to vector<512x1xf32>
    %convert_element_type3A_73 = arith.fptosi %broadcast_in_dim3A_72 : vector<512x1xf32> to vector<512x1xi32>
    %mul3A_74 = arith.mulf %add3A_63, %convert_element_type3A_51 : vector<512x16xf32>
    %reduce_sum3A_75 = arith.constant dense<0.000000e+00> : vector<512xf32>
    %reduce_sum3A_76 = vector.multi_reduction <add>, %mul3A_74, %reduce_sum3A_75 [1] : vector<512x16xf32> to vector<512xf32>
    %broadcast_in_dim3A_77 = vector.shape_cast %reduce_sum3A_76 : vector<512xf32> to vector<512x1xf32>
    %convert_element_type3A_78 = arith.fptosi %broadcast_in_dim3A_77 : vector<512x1xf32> to vector<512x1xi32>
    %lt3A_79 = arith.constant 512 : i32
    %lt3A_80 = vector.broadcast %lt3A_79 : i32 to vector<512x1xi32>
    %lt3A_81 = arith.cmpi slt, %convert_element_type3A_73, %lt3A_80 : vector<512x1xi32>
    %lt3A_82 = arith.constant 512 : i32
    %lt3A_83 = vector.broadcast %lt3A_82 : i32 to vector<512x1xi32>
    %lt3A_84 = arith.cmpi slt, %convert_element_type3A_78, %lt3A_83 : vector<512x1xi32>
    %mul3A_85 = arith.constant 512 : i32
    %mul3A_86 = vector.broadcast %mul3A_85 : i32 to vector<512x1xi32>
    %mul3A_87 = arith.muli %broadcast_in_dim3A_24, %mul3A_86 : vector<512x1xi32>
    %add3A_88 = arith.addi %mul3A_87, %convert_element_type3A_73 : vector<512x1xi32>
    %jit3A_89 = arith.constant 8192 : i32
    %broadcast_in_dim3A_90 = vector.broadcast %jit3A_89 : i32 to vector<512x1xi32>
    %select_n3A_91 = arith.select %lt3A_81, %add3A_88, %broadcast_in_dim3A_90 : vector<512x1xi1>, vector<512x1xi32>
    %mul3A_92 = arith.constant 512 : i32
    %mul3A_93 = vector.broadcast %mul3A_92 : i32 to vector<512x1xi32>
    %mul3A_94 = arith.muli %broadcast_in_dim3A_40, %mul3A_93 : vector<512x1xi32>
    %add3A_95 = arith.addi %mul3A_94, %convert_element_type3A_78 : vector<512x1xi32>
    %jit3A_96 = arith.constant 8192 : i32
    %broadcast_in_dim3A_97 = vector.broadcast %jit3A_96 : i32 to vector<512x1xi32>
    %select_n3A_98 = arith.select %lt3A_84, %add3A_95, %broadcast_in_dim3A_97 : vector<512x1xi1>, vector<512x1xi32>
    %shift_left3A = arith.constant 16 : i32
    %shift_left3A_99 = vector.broadcast %shift_left3A : i32 to vector<512x1xi32>
    %shift_left3A_100 = arith.shli %select_n3A_98, %shift_left3A_99 : vector<512x1xi32>
    %or3A = arith.ori %select_n3A_91, %shift_left3A_100 : vector<512x1xi32>
    %swap3A_101 = arith.constant 0 : index
    %swap3A_102 = arith.constant 0 : index
    %swap3A_103 = vector.load %arg4[%swap3A_101, %swap3A_102] : memref<512x1xi32, #tpu.memory_space<vmem>>, vector<512x1xi32>
    tpu.vector_store %arg4[%swap3A_101, %swap3A_102], %or3A {strides = array<i32>} : memref<512x1xi32, #tpu.memory_space<vmem>>, vector<512x1xi32>,
    %jit3A_104 = arith.constant 0.000000e+00 : f32
    %broadcast_in_dim3A_105 = vector.broadcast %jit3A_104 : f32 to vector<512x1xf32>
    %select_n3A_106 = arith.select %lt3A_81, %div3A_42, %broadcast_in_dim3A_105 : vector<512x1xi1>, vector<512x1xf32>
    %broadcast_in_dim3A_107 = vector.shape_cast %select_n3A_106 : vector<512x1xf32> to vector<512x1xf32>
    %broadcast_in_dim3A_108 = vector.broadcast %broadcast_in_dim3A_107 : vector<512x1xf32> to vector<512x16xf32>
    %swap3A_109 = arith.constant 0 : index
    %swap3A_110 = arith.constant 0 : index
    %swap3A_111 = vector.load %arg5[%swap3A_109, %swap3A_110] : memref<512x16xf32, #tpu.memory_space<vmem>>, vector<512x16xf32>
    tpu.vector_store %arg5[%swap3A_109, %swap3A_110], %broadcast_in_dim3A_108 {strides = array<i32>} : memref<512x16xf32, #tpu.memory_space<vmem>>, vector<512x16xf32>,
    %jit3A_112 = arith.constant 0.000000e+00 : f32
    %broadcast_in_dim3A_113 = vector.broadcast %jit3A_112 : f32 to vector<512x1xf32>
    %select_n3A_114 = arith.select %lt3A_84, %div3A_43, %broadcast_in_dim3A_113 : vector<512x1xi1>, vector<512x1xf32>
    %broadcast_in_dim3A_115 = vector.shape_cast %select_n3A_114 : vector<512x1xf32> to vector<512x1xf32>
    %broadcast_in_dim3A_116 = vector.broadcast %broadcast_in_dim3A_115 : vector<512x1xf32> to vector<512x16xf32>
    %swap3A_117 = arith.constant 0 : index
    %swap3A_118 = arith.constant 0 : index
    %swap3A_119 = vector.load %arg6[%swap3A_117, %swap3A_118] : memref<512x16xf32, #tpu.memory_space<vmem>>, vector<512x16xf32>
    tpu.vector_store %arg6[%swap3A_117, %swap3A_118], %broadcast_in_dim3A_116 {strides = array<i32>} : memref<512x16xf32, #tpu.memory_space<vmem>>, vector<512x16xf32>,
    return
  }
  func.func @transform_0(%arg0: i32) -> (i32, i32) {
    %c0_i32 = arith.constant 0 : i32
    %c0_i32_0 = arith.constant 0 : i32
    return %arg0, %c0_i32 : i32, i32
  }
  func.func @transform_1(%arg0: i32) -> (i32, i32) {
    %c0_i32 = arith.constant 0 : i32
    %c0_i32_0 = arith.constant 0 : i32
    %c0_i32_1 = arith.constant 0 : i32
    return %c0_i32, %c0_i32_0 : i32, i32
  }
  func.func @transform_2(%arg0: i32) -> (i32, i32) {
    %c0_i32 = arith.constant 0 : i32
    %c0_i32_0 = arith.constant 0 : i32
    %c0_i32_1 = arith.constant 0 : i32
    return %c0_i32, %c0_i32_0 : i32, i32
  }
  func.func @transform_3(%arg0: i32) -> (i32, i32) {
    %c0_i32 = arith.constant 0 : i32
    %c0_i32_0 = arith.constant 0 : i32
    return %arg0, %c0_i32 : i32, i32
  }
  func.func @transform_4(%arg0: i32) -> (i32, i32) {
    %c0_i32 = arith.constant 0 : i32
    %c0_i32_0 = arith.constant 0 : i32
    return %arg0, %c0_i32 : i32, i32
  }
  func.func @transform_5(%arg0: i32) -> (i32, i32) {
    %c0_i32 = arith.constant 0 : i32
    %c0_i32_0 = arith.constant 0 : i32
    return %arg0, %c0_i32 : i32, i32
  }
}

module attributes {stable_mosaic.version = 14 : i64} {
  func.func @_mlp_body(%arg0: i32, %arg1: memref<512x768xf32, #tpu.memory_space<vmem>>, %arg2: memref<1x1536x768xf32, #tpu.memory_space<vmem>>, %arg3: memref<1x1x1536xf32, #tpu.memory_space<vmem>>, %arg4: memref<1x768x768xf32, #tpu.memory_space<vmem>>, %arg5: memref<1x1x768xf32, #tpu.memory_space<vmem>>, %arg6: memref<512x768xf32, #tpu.memory_space<vmem>>) attributes {dimension_semantics = [#tpu.dimension_semantics<arbitrary>], iteration_bounds = array<i64: 17>, scalar_prefetch = 0 : i64, scratch_operands = 0 : i64, tpu.core_type = #tpu.core_type<tc>, window_params = [{transform_indices = @transform_0, window_bounds = array<i64: 512, 768>}, {transform_indices = @transform_1, window_bounds = array<i64: 1, 1536, 768>}, {transform_indices = @transform_2, window_bounds = array<i64: 1, 1, 1536>}, {transform_indices = @transform_3, window_bounds = array<i64: 1, 768, 768>}, {transform_indices = @transform_4, window_bounds = array<i64: 1, 1, 768>}, {transform_indices = @transform_5, window_bounds = array<i64: 512, 768>}]} {
    %lt3A = arith.constant 16 : i32
    %lt3A_0 = arith.cmpi slt, %arg0, %lt3A : i32
    %convert_element_type3A = arith.extui %lt3A_0 : i1 to i32
    %cond3A = arith.constant 0 : i32
    %cond3A_1 = arith.cmpi ne, %convert_element_type3A, %cond3A : i32
    scf.if %cond3A_1 {
      %get3A = arith.constant 0 : index
      %get3A_6 = arith.constant 0 : index
      %get3A_7 = vector.load %arg1[%get3A, %get3A_6] : memref<512x768xf32, #tpu.memory_space<vmem>>, vector<512x768xf32>
      %get3A_8 = arith.constant 0 : index
      %get3A_9 = arith.constant 0 : index
      %get3A_10 = arith.constant 0 : index
      %get3A_11 = vector.load %arg2[%get3A_8, %get3A_9, %get3A_10] : memref<1x1536x768xf32, #tpu.memory_space<vmem>>, vector<1x1536x768xf32>
      %get3A_12 = vector.shape_cast %get3A_11 : vector<1x1536x768xf32> to vector<1536x768xf32>
      %dot_general3A = arith.constant dense<0.000000e+00> : vector<512x1536xf32>
      %dot_general3A_13 = tpu.matmul %get3A_7, %get3A_12, %dot_general3A {dimension_numbers = #tpu.dot_dimension_numbers<[1], [1], [0], [0], [0, 0, 1, 0], [], []>, transpose_lhs_hint = false} : vector<512x768xf32>, vector<1536x768xf32>, vector<512x1536xf32> -> vector<512x1536xf32>
      %get3A_14 = arith.constant 0 : index
      %get3A_15 = arith.constant 0 : index
      %get3A_16 = arith.constant 0 : index
      %get3A_17 = vector.load %arg3[%get3A_14, %get3A_15, %get3A_16] : memref<1x1x1536xf32, #tpu.memory_space<vmem>>, vector<1x1x1536xf32>
      %get3A_18 = vector.shape_cast %get3A_17 : vector<1x1x1536xf32> to vector<1x1536xf32>
      %add3A = vector.broadcast %get3A_18 : vector<1x1536xf32> to vector<512x1536xf32>
      %add3A_19 = arith.addf %dot_general3A_13, %add3A : vector<512x1536xf32>
      %slice3A = vector.extract_strided_slice %add3A_19 {offsets = [0, 0], sizes = [512, 768], strides = [1, 1]} : vector<512x1536xf32> to vector<512x768xf32>
      %min3A = arith.constant 7.000000e+00 : f32
      %min3A_20 = vector.broadcast %min3A : f32 to vector<512x768xf32>
      %min3A_21 = arith.minimumf %slice3A, %min3A_20 : vector<512x768xf32>
      %slice3A_22 = vector.extract_strided_slice %add3A_19 {offsets = [0, 768], sizes = [512, 768], strides = [1, 1]} : vector<512x1536xf32> to vector<512x768xf32>
      %jit3A = arith.constant -7.000000e+00 : f32
      %jit3A_23 = arith.constant 7.000000e+00 : f32
      %max3A = vector.broadcast %jit3A : f32 to vector<512x768xf32>
      %max3A_24 = arith.maximumf %max3A, %slice3A_22 : vector<512x768xf32>
      %min3A_25 = vector.broadcast %jit3A_23 : f32 to vector<512x768xf32>
      %min3A_26 = arith.minimumf %min3A_25, %max3A_24 : vector<512x768xf32>
      %mul3A = arith.constant -1.702000e+00 : f32
      %mul3A_27 = vector.broadcast %mul3A : f32 to vector<512x768xf32>
      %mul3A_28 = arith.mulf %mul3A_27, %min3A_21 : vector<512x768xf32>
      %exp3A = math.exp %mul3A_28 : vector<512x768xf32>
      %add3A_29 = arith.constant 1.000000e+00 : f32
      %add3A_30 = vector.broadcast %add3A_29 : f32 to vector<512x768xf32>
      %add3A_31 = arith.addf %add3A_30, %exp3A : vector<512x768xf32>
      %div3A = arith.constant 1.000000e+00 : f32
      %div3A_32 = vector.broadcast %div3A : f32 to vector<512x768xf32>
      %div3A_33 = arith.divf %div3A_32, %add3A_31 : vector<512x768xf32>
      %mul3A_34 = arith.mulf %min3A_21, %div3A_33 : vector<512x768xf32>
      %add3A_35 = arith.constant 1.000000e+00 : f32
      %add3A_36 = vector.broadcast %add3A_35 : f32 to vector<512x768xf32>
      %add3A_37 = arith.addf %min3A_26, %add3A_36 : vector<512x768xf32>
      %mul3A_38 = arith.mulf %mul3A_34, %add3A_37 : vector<512x768xf32>
      %get3A_39 = arith.constant 0 : index
      %get3A_40 = arith.constant 0 : index
      %get3A_41 = arith.constant 0 : index
      %get3A_42 = vector.load %arg4[%get3A_39, %get3A_40, %get3A_41] : memref<1x768x768xf32, #tpu.memory_space<vmem>>, vector<1x768x768xf32>
      %get3A_43 = vector.shape_cast %get3A_42 : vector<1x768x768xf32> to vector<768x768xf32>
      %dot_general3A_44 = arith.constant dense<0.000000e+00> : vector<512x768xf32>
      %dot_general3A_45 = tpu.matmul %mul3A_38, %get3A_43, %dot_general3A_44 {dimension_numbers = #tpu.dot_dimension_numbers<[1], [1], [0], [0], [0, 0, 1, 0], [], []>, transpose_lhs_hint = false} : vector<512x768xf32>, vector<768x768xf32>, vector<512x768xf32> -> vector<512x768xf32>
      %get3A_46 = arith.constant 0 : index
      %get3A_47 = arith.constant 0 : index
      %get3A_48 = arith.constant 0 : index
      %get3A_49 = vector.load %arg5[%get3A_46, %get3A_47, %get3A_48] : memref<1x1x768xf32, #tpu.memory_space<vmem>>, vector<1x1x768xf32>
      %get3A_50 = vector.shape_cast %get3A_49 : vector<1x1x768xf32> to vector<1x768xf32>
      %add3A_51 = vector.broadcast %get3A_50 : vector<1x768xf32> to vector<512x768xf32>
      %add3A_52 = arith.addf %dot_general3A_45, %add3A_51 : vector<512x768xf32>
      %swap3A = arith.constant 0 : index
      %swap3A_53 = arith.constant 0 : index
      %swap3A_54 = vector.load %arg6[%swap3A, %swap3A_53] : memref<512x768xf32, #tpu.memory_space<vmem>>, vector<512x768xf32>
      tpu.vector_store %arg6[%swap3A, %swap3A_53], %add3A_52 {strides = array<i32>} : memref<512x768xf32, #tpu.memory_space<vmem>>, vector<512x768xf32>,
    } else {
    }
    %eq3A = arith.constant 16 : i32
    %eq3A_2 = arith.cmpi eq, %arg0, %eq3A : i32
    %convert_element_type3A_3 = arith.extui %eq3A_2 : i1 to i32
    %cond3A_4 = arith.constant 0 : i32
    %cond3A_5 = arith.cmpi ne, %convert_element_type3A_3, %cond3A_4 : i32
    scf.if %cond3A_5 {
      %broadcast_in_dim3A = arith.constant 0.000000e+00 : f32
      %broadcast_in_dim3A_6 = vector.broadcast %broadcast_in_dim3A : f32 to vector<512x768xf32>
      %swap3A = arith.constant 0 : index
      %swap3A_7 = arith.constant 0 : index
      %swap3A_8 = vector.load %arg6[%swap3A, %swap3A_7] : memref<512x768xf32, #tpu.memory_space<vmem>>, vector<512x768xf32>
      tpu.vector_store %arg6[%swap3A, %swap3A_7], %broadcast_in_dim3A_6 {strides = array<i32>} : memref<512x768xf32, #tpu.memory_space<vmem>>, vector<512x768xf32>,
    } else {
    }
    return
  }
  func.func @transform_0(%arg0: i32) -> (i32, i32) {
    %min3A = arith.constant 15 : i32
    %min3A_0 = arith.minsi %arg0, %min3A : i32
    %c0_i32 = arith.constant 0 : i32
    %c0_i32_1 = arith.constant 0 : i32
    return %min3A_0, %c0_i32 : i32, i32
  }
  func.func @transform_1(%arg0: i32) -> (i32, i32, i32) {
    %min3A = arith.constant 15 : i32
    %min3A_0 = arith.minsi %arg0, %min3A : i32
    %c0_i32 = arith.constant 0 : i32
    %c0_i32_1 = arith.constant 0 : i32
    %c0_i32_2 = arith.constant 0 : i32
    return %min3A_0, %c0_i32, %c0_i32_1 : i32, i32, i32
  }
  func.func @transform_2(%arg0: i32) -> (i32, i32, i32) {
    %min3A = arith.constant 15 : i32
    %min3A_0 = arith.minsi %arg0, %min3A : i32
    %c0_i32 = arith.constant 0 : i32
    %c0_i32_1 = arith.constant 0 : i32
    %c0_i32_2 = arith.constant 0 : i32
    return %min3A_0, %c0_i32, %c0_i32_1 : i32, i32, i32
  }
  func.func @transform_3(%arg0: i32) -> (i32, i32, i32) {
    %min3A = arith.constant 15 : i32
    %min3A_0 = arith.minsi %arg0, %min3A : i32
    %c0_i32 = arith.constant 0 : i32
    %c0_i32_1 = arith.constant 0 : i32
    %c0_i32_2 = arith.constant 0 : i32
    return %min3A_0, %c0_i32, %c0_i32_1 : i32, i32, i32
  }
  func.func @transform_4(%arg0: i32) -> (i32, i32, i32) {
    %min3A = arith.constant 15 : i32
    %min3A_0 = arith.minsi %arg0, %min3A : i32
    %c0_i32 = arith.constant 0 : i32
    %c0_i32_1 = arith.constant 0 : i32
    %c0_i32_2 = arith.constant 0 : i32
    return %min3A_0, %c0_i32, %c0_i32_1 : i32, i32, i32
  }
  func.func @transform_5(%arg0: i32) -> (i32, i32) {
    %c0_i32 = arith.constant 0 : i32
    %c0_i32_0 = arith.constant 0 : i32
    return %arg0, %c0_i32 : i32, i32
  }
}

</mosaic_0001>

<sc_bundles>
// kernel: kernel.6.cloned.1.call-start
scs
__scs_entry_jumppad:
0x0: {  	(pc) =	sbr.rel $0x88, $3  }
0x1: {  	(tag) =	ssettag $0x0;
	lr =	simm.s32 $0x1  }
0x2: {  	[smem:$0x3F9A] =	sst lr;
	_ =	strace $0xD0000000  }
0x3: {  	_ = 	snop  }
0x4: {  	_ = 	snop  }
0x5: {  	_ = 	snop  }
0x6: {  	_ = 	snop  }
0x7: {  	_ = 	snop  }
__scs_overlays_trampoline_lowered:
0x8: {  	[smem:$0x3FA9] =	sst s0  }
0x9: {  	[smem:$0x3FAA] =	sst s1  }
0xa: {  	[smem:$0x3FAB] =	sst s2  }
0xb: {  	[smem:$0x3FAC] =	sst s3  }
0xc: {  	[smem:$0x3FAD] =	sst s4  }
0xd: {  	[smem:$0x3FAE] =	sst s5  }
0xe: {  	[smem:$0x3FAF] =	sst s6  }
0xf: {  	[smem:$0x3FB0] =	sst s7  }
0x10: {  	[smem:$0x3FB1] =	sst s8  }
0x11: {  	[smem:$0x3FB2] =	sst s9;
	s0 =	simm.s32 @!p0 $0x0  }
0x12: {  	s1 =	sld [smem:$0x3F98];
	s0 =	simm.s32 @p0 $0x1  }
0x13: {  	[smem:$0x3FB3] =	sst s0;
	s0 =	simm.s32 @!p1 $0x0  }
0x14: {  	s2 =	sld [smem:$0x3F97];
	s0 =	simm.s32 @p1 $0x1  }
0x15: {  	[smem:$0x3FB4] =	sst s0;
	s0 =	simm.s32 @!p2 $0x0  }
0x16: {  	s3 =	sld [smem:$0x3FDB];
	s0 =	simm.s32 @p2 $0x1  }
0x17: {  	s4 =	simm.s32 $0x1BF5;
	[smem:$0x3FB6] =	sst s0  }
0x18: {  	s0 =	sld [smem:$0x3F99];
	_ =	swait.ge [sflag:s4], $0x0  }
0x19: {  	s7 =	sld [smem:$0x3F9A]  }
0x1a: {  	s8 =	sadd.s32 $0xFFFFE003, lr  }
0x1b: {  	s9 =	sadd.s32 $0xFFFFFEF7, lr;
	s5 =	simm.s32 $0xFFFFFFFF;
	p2 =	slt.u32 s8, $0xFFFFF086  }
0x1c: {  	p1 =	slt.u32 s9, $0xF7A;
	s5 =	simm.s32 @!p2 $0x0  }
0x1d: {  	s5 =	simm.s32 @p1 $0x1;
	p0 =	seq.s32 s7, s2  }
0x1e: {  	s7 =	smul.u32 @!p0 $0xF7A, s2;
	p2 =	seq.s32 @!p0 s5, $0x0  }
0x1f: {  	s9 =	smul.u32 $0xF7A, s1;
	s8 =	simm.s32 @!p0 $0x1BF5;
	p2 =	por !p2, p0  }
0x20: {  	[sflag:s8] =	ssyncset.s32 @!p0 $0xFFFFF086;
	s6 =	sadd.s32 @!p0 s3, s7;
	s7 =	simm.s32 @!p0 $0x108  }
0x21: {  	s3 =	sadd.s32 s3, s9;
	s6 =	sadd.s32 @!p0 $0x88, s6;
	s7 =	simm.s32 @p2 $0x1082  }
0x22: {  	[simem:s7], [sflag:s8] =	dma.local @!p0 [hbm:s6], $0xF7A  }
0x23: {  	s9 =	sor.u32 $0xD0000000, s2;
	s6 =	simm.s32 $0x108;
	_ =	swait.ge @!p0 [sflag:s8], $0x0  }
0x24: {  	s3 =	sadd.s32 $0x88, s3;
	s6 =	simm.s32 @!p1 $0x1082;
	[sflag:s4] =	ssyncset.s32 $0xFFFFF086  }
0x25: {  	[simem:s6], [sflag:s4] =	dma.local [hbm:s3], $0xF7A  }
0x26: {  	[smem:$0x3F9A] =	sst s1;
	(tag) =	ssettag s2;
	_ =	strace s9  }
0x27: {  	s1 =	sld [smem:$0x3FAA]  }
0x28: {  	s2 =	sld [smem:$0x3FAB]  }
0x29: {  	s4 =	sld [smem:$0x3FAD]  }
0x2a: {  	p0 =	seq.s32 s5, $0x0;
	s5 =	sld [smem:$0x3FAE]  }
0x2b: {  	s6 =	sld [smem:$0x3FAF]  }
0x2c: {  	s7 =	sld [smem:$0x3FB0]  }
0x2d: {  	s3 =	simm.s32 $0x108;
	s8 =	sld [smem:$0x3FB1]  }
0x2e: {  	s3 =	simm.s32 @!p0 $0x1082;
	s9 =	sld [smem:$0x3FB2]  }
0x2f: {  	lr =	sadd.s32 s0, s3;
	s0 =	sld [smem:$0x3FA9]  }
0x30: {  	s3 =	sld [smem:$0x3FAC]  }
0x31: {  	[smem:$0x3FB5] =	sst s10  }
0x32: {  	s10 =	sld [smem:$0x3FB3];
	_ =	sdelay $0x3  }
0x33: {  	p0 =	seq.s32 s10, $0x1;
	s10 =	sld [smem:$0x3FB5];
	_ =	sdelay $0x3  }
0x34: {  	[smem:$0x3FB5] =	sst s10  }
0x35: {  	s10 =	sld [smem:$0x3FB4];
	_ =	sdelay $0x3  }
0x36: {  	p1 =	seq.s32 s10, $0x1;
	s10 =	sld [smem:$0x3FB5];
	_ =	sdelay $0x3  }
0x37: {  	[smem:$0x3FB5] =	sst s10  }
0x38: {  	s10 =	sld [smem:$0x3FB6]  }
0x39: {  	_ = 	snop;
	(pc) =	sbr.ind lr, $3  }
0x3a: {  	_ = 	snop  }
0x3b: {  	_ = 	snop  }
0x3c: {  	p2 =	seq.s32 s10, $0x1;
	s10 =	sld [smem:$0x3FB5]  }
0x3d: {  	_ =	shalt  }
0x3e: {  	_ =	shalt  }
0x3f: {  	_ =	shalt  }
0x40: {  	_ =	shalt  }
0x41: {  	_ =	shalt  }
0x42: {  	_ =	shalt  }
0x43: {  	_ =	shalt  }
0x44: {  	_ =	shalt  }
0x45: {  	_ =	shalt  }
0x46: {  	_ =	shalt  }
0x47: {  	_ =	shalt  }
0x48: {  	_ =	shalt  }
0x49: {  	_ =	shalt  }
0x4a: {  	_ =	shalt  }
0x4b: {  	_ =	shalt  }
0x4c: {  	_ =	shalt  }
0x4d: {  	_ =	shalt  }
0x4e: {  	_ =	shalt  }
0x4f: {  	_ =	shalt  }
0x50: {  	_ =	shalt  }
0x51: {  	_ =	shalt  }
0x52: {  	_ =	shalt  }
0x53: {  	_ =	shalt  }
0x54: {  	_ =	shalt  }
0x55: {  	_ =	shalt  }
0x56: {  	_ =	shalt  }
0x57: {  	_ =	shalt  }
0x58: {  	_ =	shalt  }
0x59: {  	_ =	shalt  }
0x5a: {  	_ =	shalt  }
0x5b: {  	_ =	shalt  }
0x5c: {  	_ =	shalt  }
0x5d: {  	_ =	shalt  }
0x5e: {  	_ =	shalt  }
0x5f: {  	_ =	shalt  }
0x60: {  	_ =	shalt  }
0x61: {  	_ =	shalt  }
0x62: {  	_ =	shalt  }
0x63: {  	_ =	shalt  }
0x64: {  	_ =	shalt  }
0x65: {  	_ =	shalt  }
0x66: {  	_ =	shalt  }
0x67: {  	_ =	shalt  }
0x68: {  	_ =	shalt  }
0x69: {  	_ =	shalt  }
0x6a: {  	_ =	shalt  }
0x6b: {  	_ =	shalt  }
0x6c: {  	_ =	shalt  }
0x6d: {  	_ =	shalt  }
0x6e: {  	_ =	shalt  }
0x6f: {  	_ =	shalt  }
0x70: {  	_ =	shalt  }
0x71: {  	_ =	shalt  }
0x72: {  	_ =	shalt  }
0x73: {  	_ =	shalt  }
0x74: {  	_ =	shalt  }
0x75: {  	_ =	shalt  }
0x76: {  	_ =	shalt  }
0x77: {  	_ =	shalt  }
0x78: {  	_ =	shalt  }
0x79: {  	_ =	shalt  }
0x7a: {  	_ =	shalt  }
0x7b: {  	_ =	shalt  }
0x7c: {  	_ =	shalt  }
0x7d: {  	_ =	shalt  }
0x7e: {  	_ =	shalt  }
0x7f: {  	_ =	shalt  }
0x80: {  	_ =	shalt  }
0x81: {  	_ =	shalt  }
0x82: {  	_ =	shalt  }
0x83: {  	_ =	shalt  }
0x84: {  	_ =	shalt  }
0x85: {  	_ =	shalt  }
0x86: {  	_ =	shalt  }
0x87: {  	_ =	shalt  }
.Lfunc_end0:
.L_simem_size_0:
called_computation_lowered:
.L_overlay_start_0:
0x88: {  	s2 =	sld [smem:$0x3FD9]  }
0x89: {  	s3 =	sld [smem:$0x3FFE];
	_ =	sdelay $0x1  }
0x8a: {  	s1 =	srdreg.scid  }
0x8b: {  	s0 =	sand.u32 $0x1, s1  }
0x8c: {  	s17 =	sshll.u32 s0, $0xA;
	s2 =	sadd.s32 s3, s2  }
0x8d: {  	s2 =	sadd.s32 s2, s17  }
0x8e: {  	[smem:$0x3FC1] =	sst s2  }
0x8f: {  	_ = 	snop  }
0x90: {  	s2 =	sld [smem:$0x3FC9];
	(tm) =	ssettm $0x1  }
0x91: {  	s18 =	sld [smem:$0x3FFB];
	_ =	sdelay $0x3  }
0x92: {  	_ =	strace s18  }
0x93: {  	s3 =	sld [smem:$0x3FFC];
	_ =	sdelay $0x3  }
0x94: {  	_ =	strace s3  }
0x95: {  	s3 =	sld [smem:$0x3FFD];
	_ =	sdelay $0x3  }
0x96: {  	_ =	strace s3  }
0x97: {  	_ =	strace $0x8FFFFFFF  }
0x98: {  	s19 =	sld [smem:$0x3FDB];
	_ =	sdelay $0x1  }
0x99: {  	s4 =	simm.s32 $_scs_section_size  }
0x9a: {  	s5 =	simm.s32 $_size__tile_overlayer_lowered;
	s6 =	simm.s32 $_tile_overlayer_lowered  }
0x9b: {  	s22 =	simm.s32 $0x1BFF;
	s21 =	sshll.u32 s6, $0x1;
	s3 =	sadd.s32 s4, s19  }
0x9c: {  	s7 =	simm.s32 $0x0;
	s20 =	sshll.u32 s5, $0x1;
	s5 =	sadd.s32 s21, s3  }
0x9d: {  	[timem:s7], [sflag:s22] =	dma.local [hbm:s5], s20  }
0x9e: {  	_ =	swait.ge [sflag:s22], s20  }
0x9f: {  	s4 =	ssub.s32 $0x0, s20;
	[sflag:s22] =	ssyncset.done $0x0  }
0xa0: {  	[sflag:s22] =	ssyncadd.s32 s4;
	_ =	sdelay $0x1  }
0xa1: {  	s23 =	simm.s32 $0x1B8B  }
0xa2: {  	_ =	swait.ge [sflag:s23], $0x1  }
0xa3: {  	[sflag:s23] =	ssyncset.done $0x0  }
0xa4: {  	s25 =	simm.s32 $0x1B8E;
	s24 =	sld [smem:$0x3FFE];
	[sflag:s23] =	ssyncadd.s32 $0xFFFFFFFF  }
0xa5: {  	s26 =	simm.s32 $execute0_lowered;
	[smem:$0x3FD2] =	sst s25  }
0xa6: {  	s5 =	sshll.u32 s26, $0x1;
	_ =	strace $0x80000046;
	[dreg:$0x1] =	wrdreg $0xFFFFFFFF  }
0xa7: {  	s28 =	simm.s32 $_size_execute0_lowered;
	s3 =	sadd.s32 s3, s5;
	[dreg:$0x0] =	wrdreg $0x0  }
0xa8: {  	s5 =	sshll.u32 s28, $0x1;
	[dreg:$0x2] =	wrdreg s3  }
0xa9: {  	[dreg:$0x3] =	wrdreg s5  }
0xaa: {  	[dreg:$0x4] =	wrdreg $0xC0  }
0xab: {  	_ =	task [dreg:s7], $0x5FFFF  }
0xac: {  	[dreg:$0x1] =	wrdreg $0xFFFFFFFF  }
0xad: {  	[dreg:$0x0] =	wrdreg $0x60  }
0xae: {  	[dreg:$0x2] =	wrdreg s2  }
0xaf: {  	[dreg:$0x3] =	wrdreg s24  }
0xb0: {  	[dreg:$0x4] =	wrdreg $0x9  }
0xb1: {  	_ =	task.clear_ibuf [dreg:s7], $0x5FFFF;
	_ =	strace $0x90000046  }
0xb2: {  	s29 =	simm.s32 $0x9;
	_ =	strace $0x80000048  }
0xb3: {  	_ =	swait.ge [sflag:s29], $0x1  }
0xb4: {  	[sflag:s29] =	ssyncadd.s32 $0xFFFFFFFF  }
0xb5: {  	_ =	strace $0x90000048  }
0xb6: {  	_ =	sfence  }
0xb7: {  	s30 =	sld [smem:$0x0];
	_ =	sdelay $0x2  }
0xb8: {  	s31 =	sshll.u32 s1, $0xD;
	s1 =	sshrl.u32 s1, $0x2  }
0xb9: {  	s3 =	sand.u32 $0x4000, s31;
	s1 =	sadd.s32 s1, s30  }
0xba: {  	s0 =	sor.u32 s3, s0;
	s1 =	sshll.u32 s1, $0x11  }
0xbb: {  	s0 =	sor.u32 s1, s0  }
0xbc: {  	s0 =	sadd.s32 $0x8F2B, s0  }
0xbd: {  	[sflag:s0] =	ssyncadd.remote.s32 $0x1  }
0xbe: {  	_ =	sfence.sel $0xFFFF  }
0xbf: {  	[dreg:$0x0] =	wrdreg $0xFFFFFFFF;
	(pc) =	sbr.abs _section_cstart, $3  }
0xc0: {  	[dreg:$0x1] =	wrdreg $0xFFFFFFFF  }
0xc1: {  	_ =	task.clear_ibuf [dreg:s7], $0x2FFFF;
	_ =	strace $0x9FFFFFFF  }
0xc2: {  	(tm) =	ssettm $0x7FFFFFFF  }
0xc3: {  	_ =	shalt  }
tec
execute0_lowered:
.L_overlay_start_1:
0x0: {  	(tag) =	ssettag $0x1  }
0x1: {  	s0 =	rddreg [dreg:$0x0]  }
0x2: {  	s1 =	rddreg [dreg:$0x1];
	s3 =	srdreg.scid;
	s2 =	simm.s32 $0x0  }
0x3: {  	s4 =	stileid.u32;
	s8 =	simm.s32 $0x80;
	s10 =	simm.s32 $0x1080  }
0x4: {  	s11 =	simm.s32 $0x1880;
	s12 =	simm.s32 $0x2080;
	s13 =	simm.s32 $0x2880  }
0x5: {  	s14 =	simm.s32 $0x3080;
	s15 =	simm.s32 $0x3880;
	s16 =	simm.s32 $0x4080  }
0x6: {  	s17 =	simm.s32 $0x4880;
	s18 =	simm.s32 $0x5080;
	s19 =	simm.s32 $0x5880  }
0x7: {  	s20 =	simm.s32 $0x6080;
	s21 =	simm.s32 $0x6880;
	s22 =	simm.s32 $0x7080  }
0x8: {  	s23 =	simm.s32 $0x7880;
	s24 =	simm.s32 $0x8080;
	s25 =	simm.s32 $0x8880  }
0x9: {  	s26 =	simm.s32 $0x9080;
	s28 =	simm.s32 $0x9880;
	s29 =	simm.s32 $0xA080  }
0xa: {  	s30 =	simm.s32 $0xA880;
	s31 =	simm.s32 $0xB080;
	s3 =	sand.u32 $0x1, s3  }
0xb: {  	[smem:$0x7FF] =	sst s2;
	s4 =	sshll.u32 s4, $0x4;
	s5 =	sshll.u32 s3, $0x3  }
0xc: {  	_ =	strace $0x80000047;
	s6 =	ssub.s32 $0x2, s3;
	s4 =	sor.u32 s5, s4  }
0xd: {  	s3 =	sadd.s32 $0x11600, s1;
	s7 =	sshrl.u32 s6, $0x1;
	s5 =	sadd.s32 s4, s1  }
0xe: {  	s4 =	smul.u32 $0x300, s4;
	s6 =	ssub.s32 s6, s7;
	s5 =	sadd.s32 $0x11400, s5  }
0xf: {  	v2 =	vlaneseq.u32;
	s7 =	simm.s32 $0x2;
	s6 =	smax.u32 s6, $0x1;
	[dreg:$0x3] =	wrdreg s5  }
0x10: {  	vm0 =	vmmov $0xffff;
	v1 =	vshrl.u32 v2, $0x3;
	s0 =	sadd.s32 s0, s4;
	s4 =	sadd.s32 $0x11700, s1;
	s5 =	sadd.s32 $0x11800, s1  }
0x11: {  	v0 =	vand.u32 $0x7, v2;
	v2 =	vor.u32 $0x8, v2;
	v1 =	vmul.u32 $0x8, v1;
	s1 =	simm.s32 $0x1;
	[dreg:$0x4] =	wrdreg s0;
	s0 =	simm.s32 $0xB880  }
.LBB2_1:
0x12: {  	s9 =	rddreg [dreg:$0x3]  }
0x13: {  	[tilespmem:s2], [sflag:$0x2] =	stream.linear.gather [hbm4b:s9+s2], $0x40, $0x38;
	[tilespmem:$0xC080] =	vst v63  }
0x14: {  	_ =	swait.ge [sflag:s7], $0x40  }
0x15: {  	[sflag:s7] =	ssyncset.done $0x0  }
0x16: {  	s9 =	rddreg [dreg:$0x4];
	[sflag:s7] =	ssyncadd.s32 $0xFFFFFFC0  }
0x17: {  	[tilespmem:s8], [sflag:$0x2] =	stream.linear.gather [hbm4b:s9+s2], $0xC000, $0x38;
	[tilespmem:$0xC080] =	vst v63  }
0x18: {  	_ =	swait.ge [sflag:s7], $0xC000  }
0x19: {  	[sflag:s7] =	ssyncset.done $0x0  }
0x1a: {  	[sflag:s7] =	ssyncadd.s32 $0xFFFF4000  }
0x1b: {  	v3 =	vld [tilespmem:$0x0];
	_ =	sdelay $0x4  }
0x1c: {  	v4 =	vshrl.u32 v3, $0x3  }
0x1d: {  	v4 =	vand.u32 $0x1FFF, v4  }
0x1e: {  	v4 =	vmul.u32 $0x30, v4  }
0x1f: {  	v5 =	vand.u32 $0x7, v3  }
0x20: {  	v4 =	vor.u32 v5, v4  }
0x21: {  	v5 =	vperm.xlane v4, v0;
	_ =	sdelay $0x1  }
0x22: {  	v5 =	vadd.s32 v1, v5;
	_ =	sdelay $0x3  }
0x23: {  	v4 =	vperm.xlane v4, v2  }
0x24: {  	v3 =	vshra.s32 v3, $0x10;
	[hbm4b:s3+s2] =	stream.indirect_vreg.scatter [tilespmem:s8], [sflag:$0x1], $0x80, v5, vm0, $0xb8;
	[tilespmem:$0xC080] =	vst v63  }
0x25: {  	s9 =	simm.s32 $0x880;
	v6 =	vshrl.u32 v3, $0x3;
	v4 =	vadd.s32 v1, v4  }
0x26: {  	v6 =	vmul.u32 $0x30, v6;
	[hbm4b:s4+s2] =	stream.indirect_vreg.scatter [tilespmem:s9], [sflag:$0x1], $0x80, v5, vm0, $0xb8;
	[tilespmem:$0xC080] =	vst v63  }
0x27: {  	v3 =	vand.u32 $0x7, v3  }
0x28: {  	v3 =	vor.u32 v3, v6;
	[hbm4b:s5+s2] =	stream.indirect_vreg.scatter [tilespmem:s10], [sflag:$0x1], $0x80, v5, vm0, $0xb8;
	[tilespmem:$0xC080] =	vst v63  }
0x29: {  	v51 =	vperm.xlane v3, v0  }
0x2a: {  	[hbm4b:s3+s2] =	stream.indirect_vreg.scatter [tilespmem:s11], [sflag:$0x1], $0x80, v4, vm0, $0xb8;
	[tilespmem:$0xC080] =	vst v63  }
0x2b: {  	v5 =	vadd.s32 v1, v51  }
0x2c: {  	[hbm4b:s4+s2] =	stream.indirect_vreg.scatter [tilespmem:s12], [sflag:$0x1], $0x80, v4, vm0, $0xb8;
	[tilespmem:$0xC080] =	vst v63  }
0x2d: {  	_ = 	snop  }
0x2e: {  	[hbm4b:s5+s2] =	stream.indirect_vreg.scatter [tilespmem:s13], [sflag:$0x1], $0x80, v4, vm0, $0xb8;
	[tilespmem:$0xC080] =	vst v63  }
0x2f: {  	v3 =	vperm.xlane v3, v2  }
0x30: {  	[hbm4b:s3+s2] =	stream.indirect_vreg.scatter [tilespmem:s8], [sflag:$0x1], $0x80, v5, vm0, $0xb8;
	[tilespmem:$0xC080] =	vst v63  }
0x31: {  	v3 =	vadd.s32 v1, v3  }
0x32: {  	[hbm4b:s4+s2] =	stream.indirect_vreg.scatter [tilespmem:s9], [sflag:$0x1], $0x80, v5, vm0, $0xb8;
	[tilespmem:$0xC080] =	vst v63  }
0x33: {  	_ = 	snop  }
0x34: {  	[hbm4b:s5+s2] =	stream.indirect_vreg.scatter [tilespmem:s10], [sflag:$0x1], $0x80, v5, vm0, $0xb8;
	[tilespmem:$0xC080] =	vst v63  }
0x35: {  	_ = 	snop  }
0x36: {  	[hbm4b:s3+s2] =	stream.indirect_vreg.scatter [tilespmem:s11], [sflag:$0x1], $0x80, v3, vm0, $0xb8;
	[tilespmem:$0xC080] =	vst v63  }
0x37: {  	_ = 	snop  }
0x38: {  	[hbm4b:s4+s2] =	stream.indirect_vreg.scatter [tilespmem:s12], [sflag:$0x1], $0x80, v3, vm0, $0xb8;
	[tilespmem:$0xC080] =	vst v63  }
0x39: {  	_ = 	snop  }
0x3a: {  	[hbm4b:s5+s2] =	stream.indirect_vreg.scatter [tilespmem:s13], [sflag:$0x1], $0x80, v3, vm0, $0xb8;
	[tilespmem:$0xC080] =	vst v63  }
0x3b: {  	v3 =	vld [tilespmem:$0x10];
	_ =	sdelay $0x4  }
0x3c: {  	v52 =	vshrl.u32 v3, $0x3  }
0x3d: {  	v4 =	vand.u32 $0x1FFF, v52  }
0x3e: {  	v4 =	vmul.u32 $0x30, v4  }
0x3f: {  	v53 =	vand.u32 $0x7, v3  }
0x40: {  	v4 =	vor.u32 v53, v4  }
0x41: {  	v5 =	vperm.xlane v4, v0;
	_ =	sdelay $0x1  }
0x42: {  	v5 =	vadd.s32 v1, v5;
	_ =	sdelay $0x3  }
0x43: {  	v4 =	vperm.xlane v4, v2  }
0x44: {  	v3 =	vshra.s32 v3, $0x10;
	[hbm4b:s3+s2] =	stream.indirect_vreg.scatter [tilespmem:s14], [sflag:$0x1], $0x80, v5, vm0, $0xb8;
	[tilespmem:$0xC080] =	vst v63  }
0x45: {  	v54 =	vshrl.u32 v3, $0x3;
	v4 =	vadd.s32 v1, v4  }
0x46: {  	v6 =	vmul.u32 $0x30, v54;
	[hbm4b:s4+s2] =	stream.indirect_vreg.scatter [tilespmem:s15], [sflag:$0x1], $0x80, v5, vm0, $0xb8;
	[tilespmem:$0xC080] =	vst v63  }
0x47: {  	v3 =	vand.u32 $0x7, v3  }
0x48: {  	v3 =	vor.u32 v3, v6;
	[hbm4b:s5+s2] =	stream.indirect_vreg.scatter [tilespmem:s16], [sflag:$0x1], $0x80, v5, vm0, $0xb8;
	[tilespmem:$0xC080] =	vst v63  }
0x49: {  	v55 =	vperm.xlane v3, v0  }
0x4a: {  	[hbm4b:s3+s2] =	stream.indirect_vreg.scatter [tilespmem:s17], [sflag:$0x1], $0x80, v4, vm0, $0xb8;
	[tilespmem:$0xC080] =	vst v63  }
0x4b: {  	v5 =	vadd.s32 v1, v55  }
0x4c: {  	[hbm4b:s4+s2] =	stream.indirect_vreg.scatter [tilespmem:s18], [sflag:$0x1], $0x80, v4, vm0, $0xb8;
	[tilespmem:$0xC080] =	vst v63  }
0x4d: {  	_ = 	snop  }
0x4e: {  	[hbm4b:s5+s2] =	stream.indirect_vreg.scatter [tilespmem:s19], [sflag:$0x1], $0x80, v4, vm0, $0xb8;
	[tilespmem:$0xC080] =	vst v63  }
0x4f: {  	v3 =	vperm.xlane v3, v2  }
0x50: {  	[hbm4b:s3+s2] =	stream.indirect_vreg.scatter [tilespmem:s14], [sflag:$0x1], $0x80, v5, vm0, $0xb8;
	[tilespmem:$0xC080] =	vst v63  }
0x51: {  	v3 =	vadd.s32 v1, v3  }
0x52: {  	[hbm4b:s4+s2] =	stream.indirect_vreg.scatter [tilespmem:s15], [sflag:$0x1], $0x80, v5, vm0, $0xb8;
	[tilespmem:$0xC080] =	vst v63  }
0x53: {  	_ = 	snop  }
0x54: {  	[hbm4b:s5+s2] =	stream.indirect_vreg.scatter [tilespmem:s16], [sflag:$0x1], $0x80, v5, vm0, $0xb8;
	[tilespmem:$0xC080] =	vst v63  }
0x55: {  	_ = 	snop  }
0x56: {  	[hbm4b:s3+s2] =	stream.indirect_vreg.scatter [tilespmem:s17], [sflag:$0x1], $0x80, v3, vm0, $0xb8;
	[tilespmem:$0xC080] =	vst v63  }
0x57: {  	_ = 	snop  }
0x58: {  	[hbm4b:s4+s2] =	stream.indirect_vreg.scatter [tilespmem:s18], [sflag:$0x1], $0x80, v3, vm0, $0xb8;
	[tilespmem:$0xC080] =	vst v63  }
0x59: {  	_ = 	snop  }
0x5a: {  	[hbm4b:s5+s2] =	stream.indirect_vreg.scatter [tilespmem:s19], [sflag:$0x1], $0x80, v3, vm0, $0xb8;
	[tilespmem:$0xC080] =	vst v63  }
0x5b: {  	v3 =	vld [tilespmem:$0x20];
	_ =	sdelay $0x4  }
0x5c: {  	v56 =	vshrl.u32 v3, $0x3  }
0x5d: {  	v4 =	vand.u32 $0x1FFF, v56  }
0x5e: {  	v4 =	vmul.u32 $0x30, v4  }
0x5f: {  	v57 =	vand.u32 $0x7, v3  }
0x60: {  	v4 =	vor.u32 v57, v4  }
0x61: {  	v5 =	vperm.xlane v4, v0;
	_ =	sdelay $0x1  }
0x62: {  	v5 =	vadd.s32 v1, v5;
	_ =	sdelay $0x3  }
0x63: {  	v4 =	vperm.xlane v4, v2  }
0x64: {  	v3 =	vshra.s32 v3, $0x10;
	[hbm4b:s3+s2] =	stream.indirect_vreg.scatter [tilespmem:s20], [sflag:$0x1], $0x80, v5, vm0, $0xb8;
	[tilespmem:$0xC080] =	vst v63  }
0x65: {  	v58 =	vshrl.u32 v3, $0x3;
	v4 =	vadd.s32 v1, v4  }
0x66: {  	v6 =	vmul.u32 $0x30, v58;
	[hbm4b:s4+s2] =	stream.indirect_vreg.scatter [tilespmem:s21], [sflag:$0x1], $0x80, v5, vm0, $0xb8;
	[tilespmem:$0xC080] =	vst v63  }
0x67: {  	v3 =	vand.u32 $0x7, v3  }
0x68: {  	v3 =	vor.u32 v3, v6;
	[hbm4b:s5+s2] =	stream.indirect_vreg.scatter [tilespmem:s22], [sflag:$0x1], $0x80, v5, vm0, $0xb8;
	[tilespmem:$0xC080] =	vst v63  }
0x69: {  	v59 =	vperm.xlane v3, v0  }
0x6a: {  	[hbm4b:s3+s2] =	stream.indirect_vreg.scatter [tilespmem:s23], [sflag:$0x1], $0x80, v4, vm0, $0xb8;
	[tilespmem:$0xC080] =	vst v63  }
0x6b: {  	v5 =	vadd.s32 v1, v59  }
0x6c: {  	[hbm4b:s4+s2] =	stream.indirect_vreg.scatter [tilespmem:s24], [sflag:$0x1], $0x80, v4, vm0, $0xb8;
	[tilespmem:$0xC080] =	vst v63  }
0x6d: {  	_ = 	snop  }
0x6e: {  	[hbm4b:s5+s2] =	stream.indirect_vreg.scatter [tilespmem:s25], [sflag:$0x1], $0x80, v4, vm0, $0xb8;
	[tilespmem:$0xC080] =	vst v63  }
0x6f: {  	v3 =	vperm.xlane v3, v2  }
0x70: {  	[hbm4b:s3+s2] =	stream.indirect_vreg.scatter [tilespmem:s20], [sflag:$0x1], $0x80, v5, vm0, $0xb8;
	[tilespmem:$0xC080] =	vst v63  }
0x71: {  	v3 =	vadd.s32 v1, v3  }
0x72: {  	[hbm4b:s4+s2] =	stream.indirect_vreg.scatter [tilespmem:s21], [sflag:$0x1], $0x80, v5, vm0, $0xb8;
	[tilespmem:$0xC080] =	vst v63  }
0x73: {  	_ = 	snop  }
0x74: {  	[hbm4b:s5+s2] =	stream.indirect_vreg.scatter [tilespmem:s22], [sflag:$0x1], $0x80, v5, vm0, $0xb8;
	[tilespmem:$0xC080] =	vst v63  }
0x75: {  	_ = 	snop  }
0x76: {  	[hbm4b:s3+s2] =	stream.indirect_vreg.scatter [tilespmem:s23], [sflag:$0x1], $0x80, v3, vm0, $0xb8;
	[tilespmem:$0xC080] =	vst v63  }
0x77: {  	_ = 	snop  }
0x78: {  	[hbm4b:s4+s2] =	stream.indirect_vreg.scatter [tilespmem:s24], [sflag:$0x1], $0x80, v3, vm0, $0xb8;
	[tilespmem:$0xC080] =	vst v63  }
0x79: {  	_ = 	snop  }
0x7a: {  	[hbm4b:s5+s2] =	stream.indirect_vreg.scatter [tilespmem:s25], [sflag:$0x1], $0x80, v3, vm0, $0xb8;
	[tilespmem:$0xC080] =	vst v63  }
0x7b: {  	v3 =	vld [tilespmem:$0x30];
	_ =	sdelay $0x4  }
0x7c: {  	v60 =	vshrl.u32 v3, $0x3  }
0x7d: {  	v4 =	vand.u32 $0x1FFF, v60  }
0x7e: {  	v4 =	vmul.u32 $0x30, v4  }
0x7f: {  	v61 =	vand.u32 $0x7, v3  }
0x80: {  	v4 =	vor.u32 v61, v4  }
0x81: {  	v5 =	vperm.xlane v4, v0;
	_ =	sdelay $0x1  }
0x82: {  	v5 =	vadd.s32 v1, v5;
	_ =	sdelay $0x3  }
0x83: {  	v4 =	vperm.xlane v4, v2  }
0x84: {  	v3 =	vshra.s32 v3, $0x10;
	[hbm4b:s3+s2] =	stream.indirect_vreg.scatter [tilespmem:s26], [sflag:$0x1], $0x80, v5, vm0, $0xb8;
	[tilespmem:$0xC080] =	vst v63  }
0x85: {  	v62 =	vshrl.u32 v3, $0x3;
	v4 =	vadd.s32 v1, v4  }
0x86: {  	v6 =	vmul.u32 $0x30, v62;
	[hbm4b:s4+s2] =	stream.indirect_vreg.scatter [tilespmem:s28], [sflag:$0x1], $0x80, v5, vm0, $0xb8;
	[tilespmem:$0xC080] =	vst v63  }
0x87: {  	v3 =	vand.u32 $0x7, v3  }
0x88: {  	v3 =	vor.u32 v3, v6;
	[hbm4b:s5+s2] =	stream.indirect_vreg.scatter [tilespmem:s29], [sflag:$0x1], $0x80, v5, vm0, $0xb8;
	[tilespmem:$0xC080] =	vst v63  }
0x89: {  	v63 =	vperm.xlane v3, v0  }
0x8a: {  	[hbm4b:s3+s2] =	stream.indirect_vreg.scatter [tilespmem:s30], [sflag:$0x1], $0x80, v4, vm0, $0xb8;
	[tilespmem:$0xC080] =	vst v63  }
0x8b: {  	v5 =	vadd.s32 v1, v63  }
0x8c: {  	[hbm4b:s4+s2] =	stream.indirect_vreg.scatter [tilespmem:s31], [sflag:$0x1], $0x80, v4, vm0, $0xb8;
	[tilespmem:$0xC080] =	vst v63  }
0x8d: {  	_ = 	snop  }
0x8e: {  	[hbm4b:s5+s2] =	stream.indirect_vreg.scatter [tilespmem:s0], [sflag:$0x1], $0x80, v4, vm0, $0xb8;
	[tilespmem:$0xC080] =	vst v63  }
0x8f: {  	v3 =	vperm.xlane v3, v2  }
0x90: {  	[hbm4b:s3+s2] =	stream.indirect_vreg.scatter [tilespmem:s26], [sflag:$0x1], $0x80, v5, vm0, $0xb8;
	[tilespmem:$0xC080] =	vst v63  }
0x91: {  	v3 =	vadd.s32 v1, v3  }
0x92: {  	[hbm4b:s4+s2] =	stream.indirect_vreg.scatter [tilespmem:s28], [sflag:$0x1], $0x80, v5, vm0, $0xb8;
	[tilespmem:$0xC080] =	vst v63  }
0x93: {  	_ = 	snop  }
0x94: {  	[hbm4b:s5+s2] =	stream.indirect_vreg.scatter [tilespmem:s29], [sflag:$0x1], $0x80, v5, vm0, $0xb8;
	[tilespmem:$0xC080] =	vst v63  }
0x95: {  	_ = 	snop  }
0x96: {  	[hbm4b:s3+s2] =	stream.indirect_vreg.scatter [tilespmem:s30], [sflag:$0x1], $0x80, v3, vm0, $0xb8;
	[tilespmem:$0xC080] =	vst v63  }
0x97: {  	_ = 	snop  }
0x98: {  	[hbm4b:s4+s2] =	stream.indirect_vreg.scatter [tilespmem:s31], [sflag:$0x1], $0x80, v3, vm0, $0xb8;
	[tilespmem:$0xC080] =	vst v63  }
0x99: {  	_ = 	snop  }
0x9a: {  	[hbm4b:s5+s2] =	stream.indirect_vreg.scatter [tilespmem:s0], [sflag:$0x1], $0x80, v3, vm0, $0xb8;
	[tilespmem:$0xC080] =	vst v63  }
0x9b: {  	_ =	swait.ge [sflag:s1], $0x3000  }
0x9c: {  	[sflag:s1] =	ssyncset.done $0x0  }
0x9d: {  	[sflag:s1] =	ssyncadd.s32 $0xFFFFD000  }
0x9e: {  	_ =	swait.ge [sflag:s1], $0x3000  }
0x9f: {  	[sflag:s1] =	ssyncset.done $0x0  }
0xa0: {  	[sflag:s1] =	ssyncadd.s32 $0xFFFFD000  }
0xa1: {  	_ =	swait.ge [sflag:s1], $0x3000  }
0xa2: {  	[sflag:s1] =	ssyncset.done $0x0  }
0xa3: {  	[sflag:s1] =	ssyncadd.s32 $0xFFFFD000  }
0xa4: {  	_ =	swait.ge [sflag:s1], $0x3000  }
0xa5: {  	[sflag:s1] =	ssyncset.done $0x0  }
0xa6: {  	[sflag:s1] =	ssyncadd.s32 $0xFFFFD000  }
0xa7: {  	_ =	swait.ge [sflag:s1], $0x3000  }
0xa8: {  	[sflag:s1] =	ssyncset.done $0x0  }
0xa9: {  	[sflag:s1] =	ssyncadd.s32 $0xFFFFD000  }
0xaa: {  	_ =	swait.ge [sflag:s1], $0x3000  }
0xab: {  	[sflag:s1] =	ssyncset.done $0x0  }
0xac: {  	[sflag:s1] =	ssyncadd.s32 $0xFFFFD000  }
0xad: {  	p0 =	sne.s32 s6, $0x1;
	_ =	swait.ge [sflag:s1], $0x3000  }
.Ltmp0:
0xae: {  	[sflag:s1] =	ssyncset.done $0x0;
	(pc) =	sbr.rel @p0 .LBB2_1-.Ltmp0, $4  }
0xaf: {  	[sflag:s1] =	ssyncadd.s32 $0xFFFFD000  }
0xb0: {  	_ =	swait.ge [sflag:s1], $0x3000  }
0xb1: {  	[sflag:s1] =	ssyncset.done $0x0  }
0xb2: {  	s6 =	sadd.s32 $0xFFFFFFFF, s6;
	[sflag:s1] =	ssyncadd.s32 $0xFFFFD000  }
0xb3: {  	_ =	sfence.sel $0x180000  }
0xb4: {  	[bflag:$0x0] =	sbarrier.arrive $0xFFFF  }
0xb5: {  	_ =	strace $0x90000047  }
0xb6: {  	s0 =	stileid.u32;
	[bflag:$0x2] =	sbarrier.arrive $0xFFFF  }
0xb7: {  	p0 =	sne.s32 s0, $0x0;
	s0 =	rddreg [dreg:$0x2]  }
0xb8: {  	s0 =	sadd.s32 @!p0 $0x100000, s0  }
0xb9: {  	[sflag:s0] =	ssyncadd.tile.s32 @!p0 $0x1;
	_ =	shalt  }
.Lfunc_end2:
_tile_overlayer_lowered:
.L_overlay_start_2:
0xba: {  	(tag) =	ssettag $0x2  }
0xbb: {  	s0 =	rddreg [dreg:$0x0];
	s2 =	stileid.u32  }
0xbc: {  	s1 =	rddreg [dreg:$0x1];
	p0 =	sne.s32 s2, $0x0  }
0xbd: {  	s3 =	rddreg [dreg:$0x2];
	[bflag:$0x3] =	sbarrier.arrive $0xFFFF;
	s2 =	simm.s32 @!p0 $0x1C02  }
0xbe: {  	[timem:s3], [sflag:s2] =	dma.local @!p0 [hbm:s0], s1  }
0xbf: {  	s0 =	simm.s32 @!p0 $0x2  }
0xc0: {  	_ =	swait.ge @!p0 [sflag:s0], s1  }
0xc1: {  	s1 =	ssub.s32 @!p0 $0x0, s1;
	[sflag:s0] =	ssyncset.done @!p0 $0x0  }
0xc2: {  	[sflag:s0] =	ssyncadd.s32 @!p0 s1  }
0xc3: {  	[bflag:$0x3] =	sbarrier.arrive $0xFFFF  }
0xc4: {  	_ =	shalt  }

// kernel: kernel.9.cloned.1.call-start
scs
__scs_entry_jumppad:
0x0: {  	(pc) =	sbr.rel $0x88, $3  }
0x1: {  	(tag) =	ssettag $0x0;
	lr =	simm.s32 $0x1  }
0x2: {  	[smem:$0x3F9A] =	sst lr;
	_ =	strace $0xD0000000  }
0x3: {  	_ = 	snop  }
0x4: {  	_ = 	snop  }
0x5: {  	_ = 	snop  }
0x6: {  	_ = 	snop  }
0x7: {  	_ = 	snop  }
__scs_overlays_trampoline_lowered:
0x8: {  	[smem:$0x3FA9] =	sst s0  }
0x9: {  	[smem:$0x3FAA] =	sst s1  }
0xa: {  	[smem:$0x3FAB] =	sst s2  }
0xb: {  	[smem:$0x3FAC] =	sst s3  }
0xc: {  	[smem:$0x3FAD] =	sst s4  }
0xd: {  	[smem:$0x3FAE] =	sst s5  }
0xe: {  	[smem:$0x3FAF] =	sst s6  }
0xf: {  	[smem:$0x3FB0] =	sst s7  }
0x10: {  	[smem:$0x3FB1] =	sst s8  }
0x11: {  	[smem:$0x3FB2] =	sst s9;
	s0 =	simm.s32 @!p0 $0x0  }
0x12: {  	s1 =	sld [smem:$0x3F98];
	s0 =	simm.s32 @p0 $0x1  }
0x13: {  	[smem:$0x3FB3] =	sst s0;
	s0 =	simm.s32 @!p1 $0x0  }
0x14: {  	s2 =	sld [smem:$0x3F97];
	s0 =	simm.s32 @p1 $0x1  }
0x15: {  	[smem:$0x3FB4] =	sst s0;
	s0 =	simm.s32 @!p2 $0x0  }
0x16: {  	s3 =	sld [smem:$0x3FDB];
	s0 =	simm.s32 @p2 $0x1  }
0x17: {  	s4 =	simm.s32 $0x1BF5;
	[smem:$0x3FB6] =	sst s0  }
0x18: {  	s0 =	sld [smem:$0x3F99];
	_ =	swait.ge [sflag:s4], $0x0  }
0x19: {  	s7 =	sld [smem:$0x3F9A]  }
0x1a: {  	s8 =	sadd.s32 $0xFFFFE003, lr  }
0x1b: {  	s9 =	sadd.s32 $0xFFFFFEF7, lr;
	s5 =	simm.s32 $0xFFFFFFFF;
	p2 =	slt.u32 s8, $0xFFFFF086  }
0x1c: {  	p1 =	slt.u32 s9, $0xF7A;
	s5 =	simm.s32 @!p2 $0x0  }
0x1d: {  	s5 =	simm.s32 @p1 $0x1;
	p0 =	seq.s32 s7, s2  }
0x1e: {  	s7 =	smul.u32 @!p0 $0xF7A, s2;
	p2 =	seq.s32 @!p0 s5, $0x0  }
0x1f: {  	s9 =	smul.u32 $0xF7A, s1;
	s8 =	simm.s32 @!p0 $0x1BF5;
	p2 =	por !p2, p0  }
0x20: {  	[sflag:s8] =	ssyncset.s32 @!p0 $0xFFFFF086;
	s6 =	sadd.s32 @!p0 s3, s7;
	s7 =	simm.s32 @!p0 $0x108  }
0x21: {  	s3 =	sadd.s32 s3, s9;
	s6 =	sadd.s32 @!p0 $0x88, s6;
	s7 =	simm.s32 @p2 $0x1082  }
0x22: {  	[simem:s7], [sflag:s8] =	dma.local @!p0 [hbm:s6], $0xF7A  }
0x23: {  	s9 =	sor.u32 $0xD0000000, s2;
	s6 =	simm.s32 $0x108;
	_ =	swait.ge @!p0 [sflag:s8], $0x0  }
0x24: {  	s3 =	sadd.s32 $0x88, s3;
	s6 =	simm.s32 @!p1 $0x1082;
	[sflag:s4] =	ssyncset.s32 $0xFFFFF086  }
0x25: {  	[simem:s6], [sflag:s4] =	dma.local [hbm:s3], $0xF7A  }
0x26: {  	[smem:$0x3F9A] =	sst s1;
	(tag) =	ssettag s2;
	_ =	strace s9  }
0x27: {  	s1 =	sld [smem:$0x3FAA]  }
0x28: {  	s2 =	sld [smem:$0x3FAB]  }
0x29: {  	s4 =	sld [smem:$0x3FAD]  }
0x2a: {  	p0 =	seq.s32 s5, $0x0;
	s5 =	sld [smem:$0x3FAE]  }
0x2b: {  	s6 =	sld [smem:$0x3FAF]  }
0x2c: {  	s7 =	sld [smem:$0x3FB0]  }
0x2d: {  	s3 =	simm.s32 $0x108;
	s8 =	sld [smem:$0x3FB1]  }
0x2e: {  	s3 =	simm.s32 @!p0 $0x1082;
	s9 =	sld [smem:$0x3FB2]  }
0x2f: {  	lr =	sadd.s32 s0, s3;
	s0 =	sld [smem:$0x3FA9]  }
0x30: {  	s3 =	sld [smem:$0x3FAC]  }
0x31: {  	[smem:$0x3FB5] =	sst s10  }
0x32: {  	s10 =	sld [smem:$0x3FB3];
	_ =	sdelay $0x3  }
0x33: {  	p0 =	seq.s32 s10, $0x1;
	s10 =	sld [smem:$0x3FB5];
	_ =	sdelay $0x3  }
0x34: {  	[smem:$0x3FB5] =	sst s10  }
0x35: {  	s10 =	sld [smem:$0x3FB4];
	_ =	sdelay $0x3  }
0x36: {  	p1 =	seq.s32 s10, $0x1;
	s10 =	sld [smem:$0x3FB5];
	_ =	sdelay $0x3  }
0x37: {  	[smem:$0x3FB5] =	sst s10  }
0x38: {  	s10 =	sld [smem:$0x3FB6]  }
0x39: {  	_ = 	snop;
	(pc) =	sbr.ind lr, $3  }
0x3a: {  	_ = 	snop  }
0x3b: {  	_ = 	snop  }
0x3c: {  	p2 =	seq.s32 s10, $0x1;
	s10 =	sld [smem:$0x3FB5]  }
0x3d: {  	_ =	shalt  }
0x3e: {  	_ =	shalt  }
0x3f: {  	_ =	shalt  }
0x40: {  	_ =	shalt  }
0x41: {  	_ =	shalt  }
0x42: {  	_ =	shalt  }
0x43: {  	_ =	shalt  }
0x44: {  	_ =	shalt  }
0x45: {  	_ =	shalt  }
0x46: {  	_ =	shalt  }
0x47: {  	_ =	shalt  }
0x48: {  	_ =	shalt  }
0x49: {  	_ =	shalt  }
0x4a: {  	_ =	shalt  }
0x4b: {  	_ =	shalt  }
0x4c: {  	_ =	shalt  }
0x4d: {  	_ =	shalt  }
0x4e: {  	_ =	shalt  }
0x4f: {  	_ =	shalt  }
0x50: {  	_ =	shalt  }
0x51: {  	_ =	shalt  }
0x52: {  	_ =	shalt  }
0x53: {  	_ =	shalt  }
0x54: {  	_ =	shalt  }
0x55: {  	_ =	shalt  }
0x56: {  	_ =	shalt  }
0x57: {  	_ =	shalt  }
0x58: {  	_ =	shalt  }
0x59: {  	_ =	shalt  }
0x5a: {  	_ =	shalt  }
0x5b: {  	_ =	shalt  }
0x5c: {  	_ =	shalt  }
0x5d: {  	_ =	shalt  }
0x5e: {  	_ =	shalt  }
0x5f: {  	_ =	shalt  }
0x60: {  	_ =	shalt  }
0x61: {  	_ =	shalt  }
0x62: {  	_ =	shalt  }
0x63: {  	_ =	shalt  }
0x64: {  	_ =	shalt  }
0x65: {  	_ =	shalt  }
0x66: {  	_ =	shalt  }
0x67: {  	_ =	shalt  }
0x68: {  	_ =	shalt  }
0x69: {  	_ =	shalt  }
0x6a: {  	_ =	shalt  }
0x6b: {  	_ =	shalt  }
0x6c: {  	_ =	shalt  }
0x6d: {  	_ =	shalt  }
0x6e: {  	_ =	shalt  }
0x6f: {  	_ =	shalt  }
0x70: {  	_ =	shalt  }
0x71: {  	_ =	shalt  }
0x72: {  	_ =	shalt  }
0x73: {  	_ =	shalt  }
0x74: {  	_ =	shalt  }
0x75: {  	_ =	shalt  }
0x76: {  	_ =	shalt  }
0x77: {  	_ =	shalt  }
0x78: {  	_ =	shalt  }
0x79: {  	_ =	shalt  }
0x7a: {  	_ =	shalt  }
0x7b: {  	_ =	shalt  }
0x7c: {  	_ =	shalt  }
0x7d: {  	_ =	shalt  }
0x7e: {  	_ =	shalt  }
0x7f: {  	_ =	shalt  }
0x80: {  	_ =	shalt  }
0x81: {  	_ =	shalt  }
0x82: {  	_ =	shalt  }
0x83: {  	_ =	shalt  }
0x84: {  	_ =	shalt  }
0x85: {  	_ =	shalt  }
0x86: {  	_ =	shalt  }
0x87: {  	_ =	shalt  }
.Lfunc_end0:
.L_simem_size_0:
called_computation.1_lowered:
.L_overlay_start_0:
0x88: {  	s2 =	sld [smem:$0x3FD9]  }
0x89: {  	s3 =	sld [smem:$0x3FFE];
	_ =	sdelay $0x1  }
0x8a: {  	s1 =	srdreg.scid  }
0x8b: {  	s0 =	sand.u32 $0x1, s1  }
0x8c: {  	s17 =	sshll.u32 s0, $0xA;
	s2 =	sadd.s32 s3, s2  }
0x8d: {  	s2 =	sadd.s32 s2, s17  }
0x8e: {  	[smem:$0x3FC1] =	sst s2  }
0x8f: {  	_ = 	snop  }
0x90: {  	s2 =	sld [smem:$0x3FD0];
	(tm) =	ssettm $0x1  }
0x91: {  	s18 =	sld [smem:$0x3FFB];
	_ =	sdelay $0x3  }
0x92: {  	_ =	strace s18  }
0x93: {  	s3 =	sld [smem:$0x3FFC];
	_ =	sdelay $0x3  }
0x94: {  	_ =	strace s3  }
0x95: {  	s3 =	sld [smem:$0x3FFD];
	_ =	sdelay $0x3  }
0x96: {  	_ =	strace s3  }
0x97: {  	_ =	strace $0x8FFFFFFF  }
0x98: {  	s19 =	sld [smem:$0x3FDB];
	_ =	sdelay $0x1  }
0x99: {  	s4 =	simm.s32 $_scs_section_size  }
0x9a: {  	s5 =	simm.s32 $_size__tile_overlayer_lowered;
	s6 =	simm.s32 $_tile_overlayer_lowered  }
0x9b: {  	s22 =	simm.s32 $0x1BFF;
	s21 =	sshll.u32 s6, $0x1;
	s3 =	sadd.s32 s4, s19  }
0x9c: {  	s7 =	simm.s32 $0x0;
	s20 =	sshll.u32 s5, $0x1;
	s5 =	sadd.s32 s21, s3  }
0x9d: {  	[timem:s7], [sflag:s22] =	dma.local [hbm:s5], s20  }
0x9e: {  	_ =	swait.ge [sflag:s22], s20  }
0x9f: {  	s4 =	ssub.s32 $0x0, s20;
	[sflag:s22] =	ssyncset.done $0x0  }
0xa0: {  	[sflag:s22] =	ssyncadd.s32 s4;
	_ =	sdelay $0x1  }
0xa1: {  	s23 =	simm.s32 $0x1B8B  }
0xa2: {  	_ =	swait.ge [sflag:s23], $0x1  }
0xa3: {  	[sflag:s23] =	ssyncset.done $0x0  }
0xa4: {  	s25 =	simm.s32 $0x1B8E;
	s24 =	sld [smem:$0x3FFE];
	[sflag:s23] =	ssyncadd.s32 $0xFFFFFFFF  }
0xa5: {  	s26 =	simm.s32 $execute0_lowered;
	[smem:$0x3FD2] =	sst s25  }
0xa6: {  	s5 =	sshll.u32 s26, $0x1;
	_ =	strace $0x80000049;
	[dreg:$0x1] =	wrdreg $0xFFFFFFFF  }
0xa7: {  	s28 =	simm.s32 $_size_execute0_lowered;
	s3 =	sadd.s32 s3, s5;
	[dreg:$0x0] =	wrdreg $0x0  }
0xa8: {  	s5 =	sshll.u32 s28, $0x1;
	[dreg:$0x2] =	wrdreg s3  }
0xa9: {  	[dreg:$0x3] =	wrdreg s5  }
0xaa: {  	[dreg:$0x4] =	wrdreg $0xC0  }
0xab: {  	_ =	task [dreg:s7], $0x5FFFF  }
0xac: {  	[dreg:$0x1] =	wrdreg $0xFFFFFFFF  }
0xad: {  	[dreg:$0x0] =	wrdreg $0x60  }
0xae: {  	[dreg:$0x2] =	wrdreg s24  }
0xaf: {  	[dreg:$0x3] =	wrdreg s2  }
0xb0: {  	[dreg:$0x4] =	wrdreg $0x9  }
0xb1: {  	_ =	task.clear_ibuf [dreg:s7], $0x5FFFF;
	_ =	strace $0x90000049  }
0xb2: {  	s29 =	simm.s32 $0x9;
	_ =	strace $0x8000004B  }
0xb3: {  	_ =	swait.ge [sflag:s29], $0x1  }
0xb4: {  	[sflag:s29] =	ssyncadd.s32 $0xFFFFFFFF  }
0xb5: {  	_ =	strace $0x9000004B  }
0xb6: {  	_ =	sfence  }
0xb7: {  	s30 =	sld [smem:$0x0];
	_ =	sdelay $0x2  }
0xb8: {  	s31 =	sshll.u32 s1, $0xD;
	s1 =	sshrl.u32 s1, $0x2  }
0xb9: {  	s3 =	sand.u32 $0x4000, s31;
	s1 =	sadd.s32 s1, s30  }
0xba: {  	s0 =	sor.u32 s3, s0;
	s1 =	sshll.u32 s1, $0x11  }
0xbb: {  	s0 =	sor.u32 s1, s0  }
0xbc: {  	s0 =	sadd.s32 $0x8F2B, s0  }
0xbd: {  	[sflag:s0] =	ssyncadd.remote.s32 $0x1  }
0xbe: {  	_ =	sfence.sel $0xFFFF  }
0xbf: {  	[dreg:$0x0] =	wrdreg $0xFFFFFFFF;
	(pc) =	sbr.abs _section_cstart, $3  }
0xc0: {  	[dreg:$0x1] =	wrdreg $0xFFFFFFFF  }
0xc1: {  	_ =	task.clear_ibuf [dreg:s7], $0x2FFFF;
	_ =	strace $0x9FFFFFFF  }
0xc2: {  	(tm) =	ssettm $0x7FFFFFFF  }
0xc3: {  	_ =	shalt  }
tec
execute0_lowered:
.L_overlay_start_1:
0x0: {  	(tag) =	ssettag $0x1  }
0x1: {  	s0 =	rddreg [dreg:$0x0]  }
0x2: {  	s1 =	rddreg [dreg:$0x1];
	s3 =	srdreg.scid  }
0x3: {  	s2 =	simm.s32 $0x0;
	s5 =	stileid.u32;
	s11 =	simm.s32 $0x2  }
0x4: {  	s12 =	simm.s32 $0x80;
	s30 =	simm.s32 $0x9880;
	s31 =	simm.s32 $0xA080  }
0x5: {  	s13 =	simm.s32 $0xB880;
	s14 =	simm.s32 $0x15080;
	s15 =	simm.s32 $0x15880  }
0x6: {  	s16 =	simm.s32 $0x16080;
	s17 =	simm.s32 $0x16880;
	s18 =	simm.s32 $0x17080  }
0x7: {  	s19 =	simm.s32 $0x17880;
	s20 =	simm.s32 $0x1;
	s21 =	simm.s32 $0x0  }
0x8: {  	s4 =	sand.u32 $0x1, s3;
	[smem:$0x7FF] =	sst s2;
	s5 =	sshll.u32 s5, $0x7  }
0x9: {  	s3 =	sadd.s32 $0xD1A00, s0;
	s6 =	sshll.u32 s4, $0x6;
	s4 =	ssub.s32 $0x2, s4  }
0xa: {  	_ =	strace $0x8000004A;
	s5 =	sor.u32 s6, s5;
	s29 =	sshrl.u32 s4, $0x1  }
0xb: {  	s6 =	sshrl.u32 s5, $0x3;
	s5 =	sshll.u32 s5, $0x4;
	s10 =	ssub.s32 s4, s29  }
0xc: {  	s7 =	sadd.s32 s6, s0;
	s8 =	sadd.s32 s5, s0;
	s9 =	smul.u32 $0x300, s6  }
0xd: {  	v2 =	vlaneseq.u32;
	s10 =	smax.u32 s10, $0x1;
	s4 =	sadd.s32 $0x11400, s7;
	s5 =	sadd.s32 $0x1400, s8  }
0xe: {  	vm0 =	vmmov $0xffff;
	v1 =	vshrl.u32 v2, $0x3;
	s6 =	sadd.s32 $0x9400, s8;
	s7 =	sadd.s32 $0xD1B00, s0;
	s8 =	sadd.s32 $0xD1C00, s0  }
0xf: {  	v0 =	vand.u32 $0x7, v2;
	v2 =	vor.u32 $0x8, v2;
	v1 =	vmul.u32 $0x8, v1;
	s0 =	simm.s32 $0xA880;
	s9 =	sadd.s32 s1, s9;
	s1 =	simm.s32 $0xB080  }
.LBB2_1:
0x10: {  	[tilespmem:s2], [sflag:$0x2] =	stream.linear.gather [hbm4b:s4+s2], $0x40, $0x38;
	[tilespmem:$0x1C080] =	vst v63  }
0x11: {  	_ =	swait.ge [sflag:s11], $0x40  }
0x12: {  	[sflag:s11] =	ssyncset.done $0x0  }
0x13: {  	s22 =	simm.s32 $0x18080;
	[sflag:s11] =	ssyncadd.s32 $0xFFFFFFC0  }
0x14: {  	[tilespmem:s22], [sflag:$0x2] =	stream.linear.gather [hbm4b:s5+s2], $0x2000, $0x38;
	[tilespmem:$0x1C080] =	vst v63  }
0x15: {  	_ =	swait.ge [sflag:s11], $0x2000  }
0x16: {  	[sflag:s11] =	ssyncset.done $0x0  }
0x17: {  	s23 =	simm.s32 $0x1A080;
	[sflag:s11] =	ssyncadd.s32 $0xFFFFE000  }
0x18: {  	[tilespmem:s23], [sflag:$0x2] =	stream.linear.gather [hbm4b:s6+s2], $0x2000, $0x38;
	[tilespmem:$0x1C080] =	vst v63  }
0x19: {  	_ =	swait.ge [sflag:s11], $0x2000  }
0x1a: {  	[sflag:s11] =	ssyncset.done $0x0  }
0x1b: {  	[sflag:s11] =	ssyncadd.s32 $0xFFFFE000  }
0x1c: {  	v3 =	vld [tilespmem:$0x0];
	_ =	sdelay $0x4  }
0x1d: {  	v4 =	vshrl.u32 v3, $0x3  }
0x1e: {  	v4 =	vand.u32 $0x1FFF, v4  }
0x1f: {  	v4 =	vmul.u32 $0x30, v4  }
0x20: {  	v5 =	vand.u32 $0x7, v3  }
0x21: {  	v4 =	vor.u32 v5, v4  }
0x22: {  	v5 =	vperm.xlane v4, v0;
	_ =	sdelay $0x1  }
0x23: {  	v5 =	vadd.s32 v1, v5;
	_ =	sdelay $0x3  }
0x24: {  	v4 =	vperm.xlane v4, v2  }
0x25: {  	v3 =	vshra.s32 v3, $0x10;
	[tilespmem:s12], [sflag:$0x1] =	stream.indirect_vreg.gather [hbm4b:s3+s2], $0x80, v5, vm0, $0xb8;
	[tilespmem:$0x1C080] =	vst v63  }
0x26: {  	s24 =	simm.s32 $0x880;
	v6 =	vshrl.u32 v3, $0x3;
	v4 =	vadd.s32 v1, v4  }
0x27: {  	v6 =	vmul.u32 $0x30, v6;
	[tilespmem:s24], [sflag:$0x1] =	stream.indirect_vreg.gather [hbm4b:s7+s2], $0x80, v5, vm0, $0xb8;
	[tilespmem:$0x1C080] =	vst v63  }
0x28: {  	s29 =	simm.s32 $0x1080;
	v3 =	vand.u32 $0x7, v3  }
0x29: {  	v3 =	vor.u32 v3, v6;
	[tilespmem:s29], [sflag:$0x1] =	stream.indirect_vreg.gather [hbm4b:s8+s2], $0x80, v5, vm0, $0xb8;
	[tilespmem:$0x1C080] =	vst v63  }
0x2a: {  	s25 =	simm.s32 $0x1880;
	v5 =	vperm.xlane v3, v0  }
0x2b: {  	[tilespmem:s25], [sflag:$0x1] =	stream.indirect_vreg.gather [hbm4b:s3+s2], $0x80, v4, vm0, $0xb8;
	[tilespmem:$0x1C080] =	vst v63  }
0x2c: {  	s26 =	simm.s32 $0x2080;
	v5 =	vadd.s32 v1, v5  }
0x2d: {  	[tilespmem:s26], [sflag:$0x1] =	stream.indirect_vreg.gather [hbm4b:s7+s2], $0x80, v4, vm0, $0xb8;
	[tilespmem:$0x1C080] =	vst v63  }
0x2e: {  	s28 =	simm.s32 $0x2880  }
0x2f: {  	[tilespmem:s28], [sflag:$0x1] =	stream.indirect_vreg.gather [hbm4b:s8+s2], $0x80, v4, vm0, $0xb8;
	[tilespmem:$0x1C080] =	vst v63  }
0x30: {  	v3 =	vperm.xlane v3, v2;
	s29 =	simm.s32 $0xC080  }
0x31: {  	[tilespmem:s29], [sflag:$0x1] =	stream.indirect_vreg.gather [hbm4b:s3+s2], $0x80, v5, vm0, $0xb8;
	[tilespmem:$0x1C080] =	vst v63  }
0x32: {  	v3 =	vadd.s32 v1, v3;
	s25 =	simm.s32 $0xC880  }
0x33: {  	[tilespmem:s25], [sflag:$0x1] =	stream.indirect_vreg.gather [hbm4b:s7+s2], $0x80, v5, vm0, $0xb8;
	[tilespmem:$0x1C080] =	vst v63  }
0x34: {  	s26 =	simm.s32 $0xD080  }
0x35: {  	[tilespmem:s26], [sflag:$0x1] =	stream.indirect_vreg.gather [hbm4b:s8+s2], $0x80, v5, vm0, $0xb8;
	[tilespmem:$0x1C080] =	vst v63  }
0x36: {  	s28 =	simm.s32 $0xD880  }
0x37: {  	[tilespmem:s28], [sflag:$0x1] =	stream.indirect_vreg.gather [hbm4b:s3+s2], $0x80, v3, vm0, $0xb8;
	[tilespmem:$0x1C080] =	vst v63  }
0x38: {  	s29 =	simm.s32 $0xE080  }
0x39: {  	[tilespmem:s29], [sflag:$0x1] =	stream.indirect_vreg.gather [hbm4b:s7+s2], $0x80, v3, vm0, $0xb8;
	[tilespmem:$0x1C080] =	vst v63  }
0x3a: {  	s25 =	simm.s32 $0xE880  }
0x3b: {  	[tilespmem:s25], [sflag:$0x1] =	stream.indirect_vreg.gather [hbm4b:s8+s2], $0x80, v3, vm0, $0xb8;
	[tilespmem:$0x1C080] =	vst v63  }
0x3c: {  	v3 =	vld [tilespmem:$0x10];
	_ =	sdelay $0x4  }
0x3d: {  	v4 =	vshrl.u32 v3, $0x3  }
0x3e: {  	v4 =	vand.u32 $0x1FFF, v4  }
0x3f: {  	v4 =	vmul.u32 $0x30, v4  }
0x40: {  	v5 =	vand.u32 $0x7, v3  }
0x41: {  	v4 =	vor.u32 v5, v4  }
0x42: {  	v5 =	vperm.xlane v4, v0;
	_ =	sdelay $0x1  }
0x43: {  	v5 =	vadd.s32 v1, v5;
	_ =	sdelay $0x3  }
0x44: {  	s26 =	simm.s32 $0x3080;
	v4 =	vperm.xlane v4, v2  }
0x45: {  	v3 =	vshra.s32 v3, $0x10;
	[tilespmem:s26], [sflag:$0x1] =	stream.indirect_vreg.gather [hbm4b:s3+s2], $0x80, v5, vm0, $0xb8;
	[tilespmem:$0x1C080] =	vst v63  }
0x46: {  	s28 =	simm.s32 $0x3880;
	v6 =	vshrl.u32 v3, $0x3;
	v4 =	vadd.s32 v1, v4  }
0x47: {  	v6 =	vmul.u32 $0x30, v6;
	[tilespmem:s28], [sflag:$0x1] =	stream.indirect_vreg.gather [hbm4b:s7+s2], $0x80, v5, vm0, $0xb8;
	[tilespmem:$0x1C080] =	vst v63  }
0x48: {  	s29 =	simm.s32 $0x4080;
	v3 =	vand.u32 $0x7, v3  }
0x49: {  	v3 =	vor.u32 v3, v6;
	[tilespmem:s29], [sflag:$0x1] =	stream.indirect_vreg.gather [hbm4b:s8+s2], $0x80, v5, vm0, $0xb8;
	[tilespmem:$0x1C080] =	vst v63  }
0x4a: {  	s25 =	simm.s32 $0x4880;
	v5 =	vperm.xlane v3, v0  }
0x4b: {  	[tilespmem:s25], [sflag:$0x1] =	stream.indirect_vreg.gather [hbm4b:s3+s2], $0x80, v4, vm0, $0xb8;
	[tilespmem:$0x1C080] =	vst v63  }
0x4c: {  	s26 =	simm.s32 $0x5080;
	v5 =	vadd.s32 v1, v5  }
0x4d: {  	[tilespmem:s26], [sflag:$0x1] =	stream.indirect_vreg.gather [hbm4b:s7+s2], $0x80, v4, vm0, $0xb8;
	[tilespmem:$0x1C080] =	vst v63  }
0x4e: {  	s28 =	simm.s32 $0x5880  }
0x4f: {  	[tilespmem:s28], [sflag:$0x1] =	stream.indirect_vreg.gather [hbm4b:s8+s2], $0x80, v4, vm0, $0xb8;
	[tilespmem:$0x1C080] =	vst v63  }
0x50: {  	v3 =	vperm.xlane v3, v2;
	s29 =	simm.s32 $0xF080  }
0x51: {  	[tilespmem:s29], [sflag:$0x1] =	stream.indirect_vreg.gather [hbm4b:s3+s2], $0x80, v5, vm0, $0xb8;
	[tilespmem:$0x1C080] =	vst v63  }
0x52: {  	v3 =	vadd.s32 v1, v3;
	s25 =	simm.s32 $0xF880  }
0x53: {  	[tilespmem:s25], [sflag:$0x1] =	stream.indirect_vreg.gather [hbm4b:s7+s2], $0x80, v5, vm0, $0xb8;
	[tilespmem:$0x1C080] =	vst v63  }
0x54: {  	s26 =	simm.s32 $0x10080  }
0x55: {  	[tilespmem:s26], [sflag:$0x1] =	stream.indirect_vreg.gather [hbm4b:s8+s2], $0x80, v5, vm0, $0xb8;
	[tilespmem:$0x1C080] =	vst v63  }
0x56: {  	s28 =	simm.s32 $0x10880  }
0x57: {  	[tilespmem:s28], [sflag:$0x1] =	stream.indirect_vreg.gather [hbm4b:s3+s2], $0x80, v3, vm0, $0xb8;
	[tilespmem:$0x1C080] =	vst v63  }
0x58: {  	s29 =	simm.s32 $0x11080  }
0x59: {  	[tilespmem:s29], [sflag:$0x1] =	stream.indirect_vreg.gather [hbm4b:s7+s2], $0x80, v3, vm0, $0xb8;
	[tilespmem:$0x1C080] =	vst v63  }
0x5a: {  	s25 =	simm.s32 $0x11880  }
0x5b: {  	[tilespmem:s25], [sflag:$0x1] =	stream.indirect_vreg.gather [hbm4b:s8+s2], $0x80, v3, vm0, $0xb8;
	[tilespmem:$0x1C080] =	vst v63  }
0x5c: {  	v3 =	vld [tilespmem:$0x20];
	_ =	sdelay $0x4  }
0x5d: {  	v4 =	vshrl.u32 v3, $0x3  }
0x5e: {  	v4 =	vand.u32 $0x1FFF, v4  }
0x5f: {  	v4 =	vmul.u32 $0x30, v4  }
0x60: {  	v5 =	vand.u32 $0x7, v3  }
0x61: {  	v4 =	vor.u32 v5, v4  }
0x62: {  	v5 =	vperm.xlane v4, v0;
	_ =	sdelay $0x1  }
0x63: {  	v5 =	vadd.s32 v1, v5;
	_ =	sdelay $0x3  }
0x64: {  	s26 =	simm.s32 $0x6080;
	v4 =	vperm.xlane v4, v2  }
0x65: {  	v3 =	vshra.s32 v3, $0x10;
	[tilespmem:s26], [sflag:$0x1] =	stream.indirect_vreg.gather [hbm4b:s3+s2], $0x80, v5, vm0, $0xb8;
	[tilespmem:$0x1C080] =	vst v63  }
0x66: {  	s28 =	simm.s32 $0x6880;
	v6 =	vshrl.u32 v3, $0x3;
	v4 =	vadd.s32 v1, v4  }
0x67: {  	v6 =	vmul.u32 $0x30, v6;
	[tilespmem:s28], [sflag:$0x1] =	stream.indirect_vreg.gather [hbm4b:s7+s2], $0x80, v5, vm0, $0xb8;
	[tilespmem:$0x1C080] =	vst v63  }
0x68: {  	s29 =	simm.s32 $0x7080;
	v3 =	vand.u32 $0x7, v3  }
0x69: {  	v3 =	vor.u32 v3, v6;
	[tilespmem:s29], [sflag:$0x1] =	stream.indirect_vreg.gather [hbm4b:s8+s2], $0x80, v5, vm0, $0xb8;
	[tilespmem:$0x1C080] =	vst v63  }
0x6a: {  	s25 =	simm.s32 $0x7880;
	v5 =	vperm.xlane v3, v0  }
0x6b: {  	[tilespmem:s25], [sflag:$0x1] =	stream.indirect_vreg.gather [hbm4b:s3+s2], $0x80, v4, vm0, $0xb8;
	[tilespmem:$0x1C080] =	vst v63  }
0x6c: {  	s26 =	simm.s32 $0x8080;
	v5 =	vadd.s32 v1, v5  }
0x6d: {  	[tilespmem:s26], [sflag:$0x1] =	stream.indirect_vreg.gather [hbm4b:s7+s2], $0x80, v4, vm0, $0xb8;
	[tilespmem:$0x1C080] =	vst v63  }
0x6e: {  	s28 =	simm.s32 $0x8880  }
0x6f: {  	[tilespmem:s28], [sflag:$0x1] =	stream.indirect_vreg.gather [hbm4b:s8+s2], $0x80, v4, vm0, $0xb8;
	[tilespmem:$0x1C080] =	vst v63  }
0x70: {  	v3 =	vperm.xlane v3, v2;
	s29 =	simm.s32 $0x12080  }
0x71: {  	[tilespmem:s29], [sflag:$0x1] =	stream.indirect_vreg.gather [hbm4b:s3+s2], $0x80, v5, vm0, $0xb8;
	[tilespmem:$0x1C080] =	vst v63  }
0x72: {  	v3 =	vadd.s32 v1, v3;
	s25 =	simm.s32 $0x12880  }
0x73: {  	[tilespmem:s25], [sflag:$0x1] =	stream.indirect_vreg.gather [hbm4b:s7+s2], $0x80, v5, vm0, $0xb8;
	[tilespmem:$0x1C080] =	vst v63  }
0x74: {  	s26 =	simm.s32 $0x13080  }
0x75: {  	[tilespmem:s26], [sflag:$0x1] =	stream.indirect_vreg.gather [hbm4b:s8+s2], $0x80, v5, vm0, $0xb8;
	[tilespmem:$0x1C080] =	vst v63  }
0x76: {  	s28 =	simm.s32 $0x13880  }
0x77: {  	[tilespmem:s28], [sflag:$0x1] =	stream.indirect_vreg.gather [hbm4b:s3+s2], $0x80, v3, vm0, $0xb8;
	[tilespmem:$0x1C080] =	vst v63  }
0x78: {  	s29 =	simm.s32 $0x14080  }
0x79: {  	[tilespmem:s29], [sflag:$0x1] =	stream.indirect_vreg.gather [hbm4b:s7+s2], $0x80, v3, vm0, $0xb8;
	[tilespmem:$0x1C080] =	vst v63  }
0x7a: {  	s25 =	simm.s32 $0x14880  }
0x7b: {  	[tilespmem:s25], [sflag:$0x1] =	stream.indirect_vreg.gather [hbm4b:s8+s2], $0x80, v3, vm0, $0xb8;
	[tilespmem:$0x1C080] =	vst v63  }
0x7c: {  	v3 =	vld [tilespmem:$0x30];
	_ =	sdelay $0x4  }
0x7d: {  	v4 =	vshrl.u32 v3, $0x3  }
0x7e: {  	v4 =	vand.u32 $0x1FFF, v4  }
0x7f: {  	v4 =	vmul.u32 $0x30, v4  }
0x80: {  	v5 =	vand.u32 $0x7, v3  }
0x81: {  	v4 =	vor.u32 v5, v4  }
0x82: {  	v5 =	vperm.xlane v4, v0;
	_ =	sdelay $0x1  }
0x83: {  	v5 =	vadd.s32 v1, v5;
	_ =	sdelay $0x3  }
0x84: {  	s26 =	simm.s32 $0x9080;
	v4 =	vperm.xlane v4, v2  }
0x85: {  	v3 =	vshra.s32 v3, $0x10;
	[tilespmem:s26], [sflag:$0x1] =	stream.indirect_vreg.gather [hbm4b:s3+s2], $0x80, v5, vm0, $0xb8;
	[tilespmem:$0x1C080] =	vst v63  }
0x86: {  	v6 =	vshrl.u32 v3, $0x3;
	v4 =	vadd.s32 v1, v4  }
0x87: {  	v6 =	vmul.u32 $0x30, v6;
	[tilespmem:s30], [sflag:$0x1] =	stream.indirect_vreg.gather [hbm4b:s7+s2], $0x80, v5, vm0, $0xb8;
	[tilespmem:$0x1C080] =	vst v63  }
0x88: {  	v3 =	vand.u32 $0x7, v3  }
0x89: {  	v3 =	vor.u32 v3, v6;
	[tilespmem:s31], [sflag:$0x1] =	stream.indirect_vreg.gather [hbm4b:s8+s2], $0x80, v5, vm0, $0xb8;
	[tilespmem:$0x1C080] =	vst v63  }
0x8a: {  	v5 =	vperm.xlane v3, v0  }
0x8b: {  	[tilespmem:s0], [sflag:$0x1] =	stream.indirect_vreg.gather [hbm4b:s3+s2], $0x80, v4, vm0, $0xb8;
	[tilespmem:$0x1C080] =	vst v63  }
0x8c: {  	v5 =	vadd.s32 v1, v5  }
0x8d: {  	[tilespmem:s1], [sflag:$0x1] =	stream.indirect_vreg.gather [hbm4b:s7+s2], $0x80, v4, vm0, $0xb8;
	[tilespmem:$0x1C080] =	vst v63  }
0x8e: {  	_ = 	snop  }
0x8f: {  	[tilespmem:s13], [sflag:$0x1] =	stream.indirect_vreg.gather [hbm4b:s8+s2], $0x80, v4, vm0, $0xb8;
	[tilespmem:$0x1C080] =	vst v63  }
0x90: {  	v3 =	vperm.xlane v3, v2  }
0x91: {  	[tilespmem:s14], [sflag:$0x1] =	stream.indirect_vreg.gather [hbm4b:s3+s2], $0x80, v5, vm0, $0xb8;
	[tilespmem:$0x1C080] =	vst v63  }
0x92: {  	v3 =	vadd.s32 v1, v3  }
0x93: {  	[tilespmem:s15], [sflag:$0x1] =	stream.indirect_vreg.gather [hbm4b:s7+s2], $0x80, v5, vm0, $0xb8;
	[tilespmem:$0x1C080] =	vst v63  }
0x94: {  	_ = 	snop  }
0x95: {  	[tilespmem:s16], [sflag:$0x1] =	stream.indirect_vreg.gather [hbm4b:s8+s2], $0x80, v5, vm0, $0xb8;
	[tilespmem:$0x1C080] =	vst v63  }
0x96: {  	_ = 	snop  }
0x97: {  	[tilespmem:s17], [sflag:$0x1] =	stream.indirect_vreg.gather [hbm4b:s3+s2], $0x80, v3, vm0, $0xb8;
	[tilespmem:$0x1C080] =	vst v63  }
0x98: {  	_ = 	snop  }
0x99: {  	[tilespmem:s18], [sflag:$0x1] =	stream.indirect_vreg.gather [hbm4b:s7+s2], $0x80, v3, vm0, $0xb8;
	[tilespmem:$0x1C080] =	vst v63  }
0x9a: {  	_ = 	snop  }
0x9b: {  	[tilespmem:s19], [sflag:$0x1] =	stream.indirect_vreg.gather [hbm4b:s8+s2], $0x80, v3, vm0, $0xb8;
	[tilespmem:$0x1C080] =	vst v63  }
0x9c: {  	_ =	swait.ge [sflag:s20], $0x3000  }
0x9d: {  	[sflag:s20] =	ssyncset.done $0x0  }
0x9e: {  	[sflag:s20] =	ssyncadd.s32 $0xFFFFD000  }
0x9f: {  	_ =	swait.ge [sflag:s20], $0x3000  }
0xa0: {  	[sflag:s20] =	ssyncset.done $0x0  }
0xa1: {  	[sflag:s20] =	ssyncadd.s32 $0xFFFFD000  }
0xa2: {  	_ =	swait.ge [sflag:s20], $0x3000  }
0xa3: {  	[sflag:s20] =	ssyncset.done $0x0  }
0xa4: {  	[sflag:s20] =	ssyncadd.s32 $0xFFFFD000  }
0xa5: {  	_ =	swait.ge [sflag:s20], $0x3000  }
0xa6: {  	[sflag:s20] =	ssyncset.done $0x0  }
0xa7: {  	[sflag:s20] =	ssyncadd.s32 $0xFFFFD000  }
0xa8: {  	_ =	swait.ge [sflag:s20], $0x3000  }
0xa9: {  	[sflag:s20] =	ssyncset.done $0x0  }
0xaa: {  	[sflag:s20] =	ssyncadd.s32 $0xFFFFD000  }
0xab: {  	_ =	swait.ge [sflag:s20], $0x3000  }
0xac: {  	[sflag:s20] =	ssyncset.done $0x0  }
0xad: {  	[sflag:s20] =	ssyncadd.s32 $0xFFFFD000  }
0xae: {  	_ =	swait.ge [sflag:s20], $0x3000  }
0xaf: {  	[sflag:s20] =	ssyncset.done $0x0  }
0xb0: {  	s28 =	simm.s32 $0x0;
	[sflag:s20] =	ssyncadd.s32 $0xFFFFD000  }
0xb1: {  	s24 =	smul.u32 $0x1800, s28;
	_ =	swait.ge [sflag:s20], $0x3000  }
0xb2: {  	s25 =	sand.u32 $0x380, s2;
	[sflag:s20] =	ssyncset.done $0x0  }
0xb3: {  	s26 =	sor.u32 s25, s24;
	[sflag:s20] =	ssyncadd.s32 $0xFFFFD000  }
0xb4: {  	v4 =	vld [tilespmem:s26+$0x90]  }
0xb5: {  	v3 =	vld [tilespmem:s26+$0xC090]  }
0xb6: {  	v6 =	vld [tilespmem:s26+$0xA0]  }
0xb7: {  	v5 =	vld [tilespmem:s26+$0xC0A0]  }
0xb8: {  	v10 =	vld [tilespmem:s26+$0xB0]  }
0xb9: {  	v9 =	vld [tilespmem:s26+$0xC0B0]  }
0xba: {  	v12 =	vld [tilespmem:s26+$0xC0]  }
0xbb: {  	v11 =	vld [tilespmem:s26+$0xC0C0]  }
0xbc: {  	v13 =	vld [tilespmem:s26+$0xE0]  }
0xbd: {  	v14 =	vld [tilespmem:s26+$0xF0]  }
0xbe: {  	v15 =	vld [tilespmem:s26+$0x480]  }
0xbf: {  	v16 =	vld [tilespmem:s26+$0x490]  }
0xc0: {  	v17 =	vld [tilespmem:s26+$0x4A0]  }
0xc1: {  	v18 =	vld [tilespmem:s26+$0x4B0]  }
0xc2: {  	v19 =	vld [tilespmem:s26+$0x4C0]  }
0xc3: {  	v20 =	vld [tilespmem:s26+$0x4D0]  }
0xc4: {  	v21 =	vld [tilespmem:s26+$0x4E0]  }
0xc5: {  	v22 =	vld [tilespmem:s26+$0x4F0]  }
0xc6: {  	v23 =	vld [tilespmem:s26+$0x880]  }
0xc7: {  	v24 =	vld [tilespmem:s26+$0x890]  }
0xc8: {  	v25 =	vld [tilespmem:s26+$0x8A0]  }
0xc9: {  	v26 =	vld [tilespmem:s26+$0x8B0]  }
0xca: {  	v27 =	vld [tilespmem:s26+$0x8C0]  }
0xcb: {  	v28 =	vld [tilespmem:s26+$0x8D0]  }
0xcc: {  	v29 =	vld [tilespmem:s26+$0x8E0]  }
0xcd: {  	v30 =	vld [tilespmem:s26+$0x8F0]  }
0xce: {  	v31 =	vld [tilespmem:s26+$0xC80]  }
0xcf: {  	v32 =	vld [tilespmem:s26+$0xC90]  }
0xd0: {  	v33 =	vld [tilespmem:s26+$0xCA0]  }
0xd1: {  	v34 =	vld [tilespmem:s26+$0xCB0]  }
0xd2: {  	v35 =	vld [tilespmem:s26+$0xCC0]  }
0xd3: {  	v36 =	vld [tilespmem:s26+$0xCD0]  }
0xd4: {  	v37 =	vld [tilespmem:s26+$0xCE0]  }
0xd5: {  	v38 =	vld [tilespmem:s26+$0xCF0]  }
0xd6: {  	v39 =	vld [tilespmem:s26+$0x1080]  }
0xd7: {  	v40 =	vld [tilespmem:s26+$0x1090]  }
0xd8: {  	v41 =	vld [tilespmem:s26+$0x10A0]  }
0xd9: {  	v42 =	vld [tilespmem:s26+$0x10B0]  }
0xda: {  	v43 =	vld [tilespmem:s26+$0x10C0]  }
0xdb: {  	v44 =	vld [tilespmem:s26+$0x10D0]  }
0xdc: {  	v45 =	vld [tilespmem:s26+$0x10E0]  }
0xdd: {  	v46 =	vld [tilespmem:s26+$0x1480]  }
0xde: {  	v47 =	vld [tilespmem:s26+$0x1490]  }
0xdf: {  	v48 =	vld [tilespmem:s26+$0xD490]  }
0xe0: {  	v49 =	vld [tilespmem:s26+$0xD4B0]  }
0xe1: {  	v50 =	vld [tilespmem:s26+$0x14B0]  }
0xe2: {  	v51 =	vld [tilespmem:s26+$0x14A0]  }
0xe3: {  	v7 =	vld [tilespmem:s22+$0x0]  }
0xe4: {  	v8 =	vld [tilespmem:s23+$0x0]  }
0xe5: {  	v52 =	vld [tilespmem:s26+$0xD4A0]  }
0xe6: {  	v53 =	vld [tilespmem:s26+$0xD480]  }
0xe7: {  	v54 =	vld [tilespmem:s26+$0x10F0]  }
0xe8: {  	v55 =	vld [tilespmem:s26+$0xD0F0];
	v50 =	vmul.f32 v50, v7  }
0xe9: {  	v56 =	vld [tilespmem:s26+$0xD0E0];
	v49 =	vmul.f32 v49, v8;
	v51 =	vmul.f32 v51, v7  }
0xea: {  	v57 =	vld [tilespmem:s26+$0xD0D0];
	v52 =	vmul.f32 v52, v8;
	v47 =	vmul.f32 v47, v7  }
0xeb: {  	v61 =	vld [tilespmem:s26+$0xD080];
	v48 =	vmul.f32 v48, v8;
	v46 =	vmul.f32 v46, v7  }
0xec: {  	v58 =	vld [tilespmem:s26+$0xD0C0];
	v62 =	vmul.f32 v53, v8;
	v63 =	vmul.f32 v54, v7;
	v49 =	vadd.f32 v49, v50  }
0xed: {  	v53 =	vld [tilespmem:s26+$0xD0B0];
	v59 =	vmul.f32 v55, v8;
	v45 =	vmul.f32 v45, v7;
	v51 =	vadd.f32 v52, v51  }
0xee: {  	v60 =	vmul.f32 v56, v8;
	v44 =	vmul.f32 v44, v7;
	v56 =	vld [tilespmem:s26+$0xCCE0];
	v47 =	vadd.f32 v48, v47;
	[tilespmem:s26+$0x14B0] =	vst v49  }
0xef: {  	v43 =	vmul.f32 v43, v7;
	v39 =	vmul.f32 v39, v7;
	v55 =	vld [tilespmem:s26+$0xC8F0];
	v46 =	vadd.f32 v62, v46;
	[tilespmem:s26+$0x14A0] =	vst v51  }
0xf0: {  	v61 =	vmul.f32 v61, v8;
	v12 =	vmul.f32 v12, v7;
	v48 =	vld [tilespmem:s26+$0xD0A0];
	v52 =	vadd.f32 v59, v63;
	[tilespmem:s26+$0x1490] =	vst v47  }
0xf1: {  	v11 =	vmul.f32 v11, v8;
	v63 =	vmul.f32 v58, v8;
	v45 =	vadd.f32 v60, v45;
	v58 =	vld [tilespmem:s26+$0xCCD0];
	[tilespmem:s26+$0x1480] =	vst v46  }
0xf2: {  	v42 =	vmul.f32 v42, v7;
	v62 =	vmul.f32 v57, v8;
	v59 =	vld [tilespmem:s26+$0xCCC0];
	v39 =	vadd.f32 v61, v39;
	[tilespmem:s26+$0x10F0] =	vst v52  }
0xf3: {  	v41 =	vmul.f32 v41, v7;
	v40 =	vmul.f32 v40, v7;
	v60 =	vld [tilespmem:s26+$0xCCB0];
	v11 =	vadd.f32 v11, v12;
	[tilespmem:s26+$0x10E0] =	vst v45  }
0xf4: {  	v38 =	vmul.f32 v38, v7;
	v61 =	vld [tilespmem:s26+$0xC890];
	v44 =	vadd.f32 v62, v44;
	[tilespmem:s26+$0x1080] =	vst v39;
	v57 =	vmul.f32 v53, v8  }
0xf5: {  	v37 =	vmul.f32 v37, v7;
	v49 =	vld [tilespmem:s26+$0xD090];
	v43 =	vadd.f32 v63, v43;
	[tilespmem:s26+$0xC0] =	vst v11;
	v46 =	vmul.f32 v56, v8  }
0xf6: {  	v36 =	vmul.f32 v36, v7;
	v47 =	vld [tilespmem:s26+$0xCCF0];
	[tilespmem:s26+$0x10D0] =	vst v44;
	v48 =	vmul.f32 v48, v8;
	v42 =	vadd.f32 v57, v42  }
0xf7: {  	v35 =	vmul.f32 v35, v7;
	v62 =	vld [tilespmem:s26+$0xCCA0];
	[tilespmem:s26+$0x10C0] =	vst v43;
	v54 =	vmul.f32 v58, v8;
	v37 =	vadd.f32 v46, v37  }
0xf8: {  	v34 =	vmul.f32 v34, v7;
	v63 =	vld [tilespmem:s26+$0xCC90];
	v45 =	vmul.f32 v59, v8;
	v41 =	vadd.f32 v48, v41;
	[tilespmem:s26+$0x10B0] =	vst v42  }
0xf9: {  	v33 =	vmul.f32 v33, v7;
	v56 =	vld [tilespmem:s26+$0xC8E0];
	v44 =	vmul.f32 v60, v8;
	v36 =	vadd.f32 v54, v36;
	[tilespmem:s26+$0xCE0] =	vst v37  }
0xfa: {  	v32 =	vmul.f32 v32, v7;
	v53 =	vld [tilespmem:s26+$0xCC80];
	v49 =	vmul.f32 v49, v8;
	v35 =	vadd.f32 v45, v35;
	[tilespmem:s26+$0x10A0] =	vst v41  }
0xfb: {  	v6 =	vmul.f32 v6, v7;
	v12 =	vld [tilespmem:s26+$0x14E0];
	v47 =	vmul.f32 v47, v8;
	v34 =	vadd.f32 v44, v34;
	[tilespmem:s26+$0xCD0] =	vst v36  }
0xfc: {  	v5 =	vmul.f32 v5, v8;
	v58 =	vld [tilespmem:s26+$0xC8C0];
	v43 =	vmul.f32 v62, v8;
	v40 =	vadd.f32 v49, v40;
	[tilespmem:s26+$0xCC0] =	vst v35  }
0xfd: {  	v29 =	vmul.f32 v29, v7;
	v59 =	vld [tilespmem:s26+$0xC8B0];
	v42 =	vmul.f32 v63, v8;
	v38 =	vadd.f32 v47, v38;
	[tilespmem:s26+$0xCB0] =	vst v34  }
0xfe: {  	v5 =	vadd.f32 v5, v6;
	v6 =	vld [tilespmem:s26+$0x80];
	v39 =	vmul.f32 v56, v8;
	v33 =	vadd.f32 v43, v33;
	[tilespmem:s26+$0x1090] =	vst v40  }
0xff: {  	v31 =	vmul.f32 v31, v7;
	v60 =	vld [tilespmem:s26+$0xC8A0];
	v41 =	vmul.f32 v53, v8;
	v32 =	vadd.f32 v42, v32;
	[tilespmem:s26+$0xCF0] =	vst v38  }
0x100: {  	v24 =	vmul.f32 v24, v7;
	v57 =	vld [tilespmem:s26+$0xC8D0];
	v34 =	vmul.f32 v61, v8;
	v29 =	vadd.f32 v39, v29;
	[tilespmem:s26+$0xCA0] =	vst v33  }
0x101: {  	v27 =	vmul.f32 v27, v7;
	v62 =	vld [tilespmem:s26+$0xC880];
	v37 =	vmul.f32 v58, v8;
	v31 =	vadd.f32 v41, v31;
	[tilespmem:s26+$0xC90] =	vst v32  }
0x102: {  	v26 =	vmul.f32 v26, v7;
	v63 =	vld [tilespmem:s26+$0xC4F0];
	v36 =	vmul.f32 v59, v8;
	v24 =	vadd.f32 v34, v24;
	[tilespmem:s26+$0x8E0] =	vst v29  }
0x103: {  	v30 =	vmul.f32 v30, v7;
	v40 =	vmul.f32 v55, v8;
	v27 =	vadd.f32 v37, v27;
	v29 =	vld [tilespmem:s26+$0xC4C0];
	[tilespmem:s26+$0xC80] =	vst v31  }
0x104: {  	v25 =	vmul.f32 v25, v7;
	v35 =	vmul.f32 v60, v8;
	v26 =	vadd.f32 v36, v26;
	v31 =	vld [tilespmem:s26+$0xC4E0];
	[tilespmem:s26+$0x890] =	vst v24  }
0x105: {  	v28 =	vmul.f32 v28, v7;
	v38 =	vmul.f32 v57, v8;
	v30 =	vadd.f32 v40, v30;
	v24 =	vld [tilespmem:s26+$0xC0F0];
	[tilespmem:s26+$0x8C0] =	vst v27  }
0x106: {  	v23 =	vmul.f32 v23, v7;
	v33 =	vmul.f32 v62, v8;
	v25 =	vadd.f32 v35, v25;
	v27 =	vld [tilespmem:s26+$0xC4A0];
	[tilespmem:s26+$0x8B0] =	vst v26  }
0x107: {  	v22 =	vmul.f32 v22, v7;
	v32 =	vmul.f32 v63, v8;
	v28 =	vadd.f32 v38, v28;
	[tilespmem:s26+$0x8F0] =	vst v30;
	v30 =	vld [tilespmem:s26+$0xC4D0]  }
0x108: {  	v19 =	vmul.f32 v19, v7;
	v23 =	vadd.f32 v33, v23;
	[tilespmem:s26+$0x8A0] =	vst v25;
	v25 =	vld [tilespmem:s26+$0xC480];
	v29 =	vmul.f32 v29, v8  }
0x109: {  	v21 =	vmul.f32 v21, v7;
	v22 =	vadd.f32 v32, v22;
	[tilespmem:s26+$0x8D0] =	vst v28;
	v28 =	vld [tilespmem:s26+$0xC4B0];
	v31 =	vmul.f32 v31, v8  }
0x10a: {  	v14 =	vmul.f32 v14, v7;
	[tilespmem:s26+$0x880] =	vst v23;
	v23 =	vld [tilespmem:s26+$0xC0E0];
	v24 =	vmul.f32 v24, v8;
	v19 =	vadd.f32 v29, v19  }
0x10b: {  	v17 =	vmul.f32 v17, v7;
	v26 =	vld [tilespmem:s26+$0xC490];
	[tilespmem:s26+$0x4F0] =	vst v22;
	v27 =	vmul.f32 v27, v8;
	v21 =	vadd.f32 v31, v21  }
0x10c: {  	v20 =	vmul.f32 v20, v7;
	v22 =	vld [tilespmem:s26+$0xD0];
	v30 =	vmul.f32 v30, v8;
	v14 =	vadd.f32 v24, v14;
	[tilespmem:s26+$0x4C0] =	vst v19  }
0x10d: {  	v15 =	vmul.f32 v15, v7;
	v25 =	vmul.f32 v25, v8;
	v17 =	vadd.f32 v27, v17;
	v19 =	vld [tilespmem:s26+$0xD4D0];
	[tilespmem:s26+$0x4E0] =	vst v21  }
0x10e: {  	v18 =	vmul.f32 v18, v7;
	v28 =	vmul.f32 v28, v8;
	v20 =	vadd.f32 v30, v20;
	v21 =	vld [tilespmem:s26+$0xC0D0];
	[tilespmem:s26+$0xF0] =	vst v14  }
0x10f: {  	v13 =	vmul.f32 v13, v7;
	v23 =	vmul.f32 v23, v8;
	v15 =	vadd.f32 v25, v15;
	[tilespmem:s26+$0x4A0] =	vst v17;
	v17 =	vld [tilespmem:s26+$0x14C0]  }
0x110: {  	v16 =	vmul.f32 v16, v7;
	v26 =	vmul.f32 v26, v8;
	v18 =	vadd.f32 v28, v18;
	[tilespmem:s26+$0x4D0] =	vst v20;
	v20 =	vld [tilespmem:s26+$0xD4C0]  }
0x111: {  	v10 =	vmul.f32 v10, v7;
	v9 =	vmul.f32 v9, v8;
	v13 =	vadd.f32 v23, v13;
	[tilespmem:s26+$0x480] =	vst v15;
	v15 =	vld [tilespmem:s26+$0x14D0]  }
0x112: {  	v4 =	vmul.f32 v4, v7;
	v3 =	vmul.f32 v3, v8;
	v16 =	vadd.f32 v26, v16;
	[tilespmem:s26+$0x4B0] =	vst v18;
	v18 =	vld [tilespmem:s26+$0xD4E0]  }
0x113: {  	v9 =	vadd.f32 v9, v10;
	v10 =	vmul.f32 v22, v7;
	v14 =	vld [tilespmem:s26+$0x14F0];
	[tilespmem:s26+$0xE0] =	vst v13;
	v13 =	vmul.f32 v21, v8  }
0x114: {  	v3 =	vadd.f32 v3, v4;
	[tilespmem:s26+$0x490] =	vst v16;
	v16 =	vld [tilespmem:s26+$0xD4F0]  }
0x115: {  	s29 =	simm.s32 $0x0;
	[tilespmem:s26+$0xB0] =	vst v9;
	v9 =	vld [tilespmem:s26+$0xC080];
	v11 =	vmul.f32 v17, v7;
	v17 =	vmul.f32 v20, v8;
	v4 =	vadd.f32 v13, v10  }
0x116: {  	s24 =	smul.u32 $0x1800, s29;
	s25 =	simm.s32 $0x80;
	[tilespmem:s26+$0xA0] =	vst v5;
	v5 =	vmul.f32 v15, v7;
	v10 =	vmul.f32 v19, v8  }
0x117: {  	s28 =	sand.u32 $0x380, s25;
	v11 =	vadd.f32 v17, v11;
	[tilespmem:s26+$0xD0] =	vst v4;
	v4 =	vmul.f32 v12, v7;
	v12 =	vmul.f32 v18, v8  }
0x118: {  	s24 =	sor.u32 s28, s24;
	[tilespmem:s26+$0x90] =	vst v3;
	v5 =	vadd.f32 v10, v5  }
0x119: {  	v3 =	vld [tilespmem:s24+$0x90];
	v10 =	vmul.f32 v14, v7;
	[tilespmem:s26+$0x14C0] =	vst v11;
	v11 =	vmul.f32 v16, v8;
	v12 =	vadd.f32 v12, v4  }
0x11a: {  	v7 =	vmul.f32 v6, v7;
	v8 =	vmul.f32 v9, v8;
	v4 =	vld [tilespmem:s24+$0xC090];
	[tilespmem:s26+$0x14D0] =	vst v5  }
0x11b: {  	v9 =	vadd.f32 v11, v10;
	v6 =	vld [tilespmem:s24+$0xA0];
	[tilespmem:s26+$0x14E0] =	vst v12  }
0x11c: {  	v7 =	vadd.f32 v8, v7;
	v5 =	vld [tilespmem:s24+$0xC0A0]  }
0x11d: {  	v8 =	vld [tilespmem:s24+$0xB0];
	[tilespmem:s26+$0x14F0] =	vst v9  }
0x11e: {  	v18 =	vld [tilespmem:s24+$0x4B0];
	[tilespmem:s26+$0x80] =	vst v7  }
0x11f: {  	v7 =	vld [tilespmem:s24+$0xC0B0]  }
0x120: {  	v10 =	vld [tilespmem:s24+$0xC0]  }
0x121: {  	v9 =	vld [tilespmem:s24+$0xC0C0]  }
0x122: {  	v12 =	vld [tilespmem:s24+$0xD0]  }
0x123: {  	v11 =	vld [tilespmem:s24+$0xC0D0]  }
0x124: {  	v13 =	vld [tilespmem:s24+$0xE0]  }
0x125: {  	v14 =	vld [tilespmem:s24+$0xF0]  }
0x126: {  	v15 =	vld [tilespmem:s24+$0x480]  }
0x127: {  	v16 =	vld [tilespmem:s24+$0x490]  }
0x128: {  	v17 =	vld [tilespmem:s24+$0x4A0]  }
0x129: {  	v19 =	vld [tilespmem:s24+$0x4C0]  }
0x12a: {  	v20 =	vld [tilespmem:s24+$0x4D0]  }
0x12b: {  	v21 =	vld [tilespmem:s24+$0x4E0]  }
0x12c: {  	v22 =	vld [tilespmem:s24+$0x4F0]  }
0x12d: {  	v23 =	vld [tilespmem:s24+$0x880]  }
0x12e: {  	v24 =	vld [tilespmem:s24+$0x890]  }
0x12f: {  	v25 =	vld [tilespmem:s24+$0x8A0]  }
0x130: {  	v26 =	vld [tilespmem:s24+$0x8B0]  }
0x131: {  	v27 =	vld [tilespmem:s24+$0x8C0]  }
0x132: {  	v28 =	vld [tilespmem:s24+$0x8D0]  }
0x133: {  	v29 =	vld [tilespmem:s24+$0x8E0]  }
0x134: {  	v30 =	vld [tilespmem:s24+$0x8F0]  }
0x135: {  	v31 =	vld [tilespmem:s24+$0xC80]  }
0x136: {  	v34 =	vld [tilespmem:s24+$0xC90]  }
0x137: {  	v35 =	vld [tilespmem:s24+$0xCA0]  }
0x138: {  	v36 =	vld [tilespmem:s24+$0xCB0]  }
0x139: {  	v37 =	vld [tilespmem:s24+$0xCC0]  }
0x13a: {  	v38 =	vld [tilespmem:s24+$0xCD0]  }
0x13b: {  	v39 =	vld [tilespmem:s24+$0xCE0]  }
0x13c: {  	v40 =	vld [tilespmem:s24+$0xCF0]  }
0x13d: {  	v41 =	vld [tilespmem:s24+$0x1080]  }
0x13e: {  	v42 =	vld [tilespmem:s24+$0x1090]  }
0x13f: {  	v43 =	vld [tilespmem:s24+$0x10A0]  }
0x140: {  	v44 =	vld [tilespmem:s24+$0x10B0]  }
0x141: {  	v45 =	vld [tilespmem:s24+$0x10C0]  }
0x142: {  	v46 =	vld [tilespmem:s24+$0x10D0]  }
0x143: {  	v47 =	vld [tilespmem:s24+$0x10E0]  }
0x144: {  	v48 =	vld [tilespmem:s24+$0x1480]  }
0x145: {  	v50 =	vld [tilespmem:s24+$0x1490]  }
0x146: {  	v49 =	vld [tilespmem:s24+$0xD490]  }
0x147: {  	s26 =	simm.s32 $0x2;
	v51 =	vld [tilespmem:s24+$0xD4B0]  }
.LBB2_2:
0x148: {  	p0 =	sne.s32 s26, $0x3F;
	v52 =	vld [tilespmem:s24+$0x14B0]  }
0x149: {  	s22 =	sadd.s32 $0x80, s22;
	v53 =	vld [tilespmem:s24+$0x14A0]  }
0x14a: {  	s23 =	sadd.s32 $0x80, s23;
	v33 =	vld [tilespmem:s22+$0x0]  }
0x14b: {  	v32 =	vld [tilespmem:s23+$0x0]  }
0x14c: {  	v54 =	vld [tilespmem:s24+$0xD4A0]  }
0x14d: {  	v55 =	vld [tilespmem:s24+$0xD480]  }
0x14e: {  	v56 =	vld [tilespmem:s24+$0x10F0]  }
0x14f: {  	v57 =	vld [tilespmem:s24+$0xD0F0];
	v50 =	vmul.f32 v50, v33;
	v53 =	vmul.f32 v53, v33  }
0x150: {  	v52 =	vmul.f32 v52, v33;
	v58 =	vld [tilespmem:s24+$0xD0E0];
	v51 =	vmul.f32 v51, v32  }
0x151: {  	v49 =	vmul.f32 v49, v32;
	v59 =	vld [tilespmem:s24+$0xD0D0];
	v54 =	vmul.f32 v54, v32  }
0x152: {  	v48 =	vmul.f32 v48, v33;
	v60 =	vld [tilespmem:s24+$0xD0C0];
	v55 =	vmul.f32 v55, v32;
	v51 =	vadd.f32 v51, v52  }
0x153: {  	v49 =	vadd.f32 v49, v50;
	v52 =	vld [tilespmem:s24+$0xD0B0];
	v56 =	vmul.f32 v56, v33;
	v50 =	vadd.f32 v54, v53  }
0x154: {  	v47 =	vmul.f32 v47, v33;
	v53 =	vld [tilespmem:s24+$0xD0A0];
	v54 =	vmul.f32 v57, v32;
	v48 =	vadd.f32 v55, v48;
	[tilespmem:s24+$0x14B0] =	vst v51  }
0x155: {  	v46 =	vmul.f32 v46, v33;
	v51 =	vld [tilespmem:s24+$0xD090];
	v55 =	vmul.f32 v58, v32;
	[tilespmem:s24+$0x14A0] =	vst v50  }
0x156: {  	v45 =	vmul.f32 v45, v33;
	v50 =	vld [tilespmem:s24+$0xD080];
	v57 =	vmul.f32 v59, v32;
	v54 =	vadd.f32 v54, v56;
	[tilespmem:s24+$0x1490] =	vst v49  }
0x157: {  	v44 =	vmul.f32 v44, v33;
	v49 =	vld [tilespmem:s24+$0xCCF0];
	v56 =	vmul.f32 v60, v32;
	v47 =	vadd.f32 v55, v47;
	[tilespmem:s24+$0x1480] =	vst v48  }
0x158: {  	v43 =	vmul.f32 v43, v33;
	v48 =	vld [tilespmem:s24+$0xCCE0];
	v52 =	vmul.f32 v52, v32;
	v46 =	vadd.f32 v57, v46;
	[tilespmem:s24+$0x10F0] =	vst v54  }
0x159: {  	v42 =	vmul.f32 v42, v33;
	v54 =	vld [tilespmem:s24+$0xCCD0];
	v53 =	vmul.f32 v53, v32;
	v45 =	vadd.f32 v56, v45;
	[tilespmem:s24+$0x10E0] =	vst v47  }
0x15a: {  	v41 =	vmul.f32 v41, v33;
	v47 =	vld [tilespmem:s24+$0xCCC0];
	v51 =	vmul.f32 v51, v32;
	v44 =	vadd.f32 v52, v44;
	[tilespmem:s24+$0x10D0] =	vst v46  }
0x15b: {  	v40 =	vmul.f32 v40, v33;
	v46 =	vld [tilespmem:s24+$0xCCB0];
	v50 =	vmul.f32 v50, v32;
	v43 =	vadd.f32 v53, v43;
	[tilespmem:s24+$0x10C0] =	vst v45  }
0x15c: {  	v39 =	vmul.f32 v39, v33;
	v45 =	vld [tilespmem:s24+$0xCCA0];
	v49 =	vmul.f32 v49, v32;
	v42 =	vadd.f32 v51, v42;
	[tilespmem:s24+$0x10B0] =	vst v44  }
0x15d: {  	v38 =	vmul.f32 v38, v33;
	v44 =	vld [tilespmem:s24+$0xCC90];
	v48 =	vmul.f32 v48, v32;
	v41 =	vadd.f32 v50, v41;
	[tilespmem:s24+$0x10A0] =	vst v43  }
0x15e: {  	v37 =	vmul.f32 v37, v33;
	v43 =	vld [tilespmem:s24+$0xCC80];
	v50 =	vmul.f32 v54, v32;
	v40 =	vadd.f32 v49, v40;
	[tilespmem:s24+$0x1090] =	vst v42  }
0x15f: {  	v36 =	vmul.f32 v36, v33;
	v42 =	vld [tilespmem:s24+$0xC8F0];
	v47 =	vmul.f32 v47, v32;
	v39 =	vadd.f32 v48, v39;
	[tilespmem:s24+$0x1080] =	vst v41  }
0x160: {  	v35 =	vmul.f32 v35, v33;
	v41 =	vld [tilespmem:s24+$0xC8E0];
	v46 =	vmul.f32 v46, v32;
	v38 =	vadd.f32 v50, v38;
	[tilespmem:s24+$0xCF0] =	vst v40  }
0x161: {  	v34 =	vmul.f32 v34, v33;
	v40 =	vld [tilespmem:s24+$0xC8D0];
	v45 =	vmul.f32 v45, v32;
	v37 =	vadd.f32 v47, v37;
	[tilespmem:s24+$0xCE0] =	vst v39  }
0x162: {  	v31 =	vmul.f32 v31, v33;
	v39 =	vld [tilespmem:s24+$0xC8C0];
	v44 =	vmul.f32 v44, v32;
	v36 =	vadd.f32 v46, v36;
	[tilespmem:s24+$0xCD0] =	vst v38  }
0x163: {  	v30 =	vmul.f32 v30, v33;
	v38 =	vld [tilespmem:s24+$0xC8B0];
	v43 =	vmul.f32 v43, v32;
	v35 =	vadd.f32 v45, v35;
	[tilespmem:s24+$0xCC0] =	vst v37  }
0x164: {  	v29 =	vmul.f32 v29, v33;
	v37 =	vld [tilespmem:s24+$0xC8A0];
	v42 =	vmul.f32 v42, v32;
	v34 =	vadd.f32 v44, v34;
	[tilespmem:s24+$0xCB0] =	vst v36  }
0x165: {  	v28 =	vmul.f32 v28, v33;
	v36 =	vld [tilespmem:s24+$0xC890];
	v41 =	vmul.f32 v41, v32;
	v31 =	vadd.f32 v43, v31;
	[tilespmem:s24+$0xCA0] =	vst v35  }
0x166: {  	v27 =	vmul.f32 v27, v33;
	v35 =	vld [tilespmem:s24+$0xC880];
	v40 =	vmul.f32 v40, v32;
	v30 =	vadd.f32 v42, v30;
	[tilespmem:s24+$0xC90] =	vst v34  }
0x167: {  	v26 =	vmul.f32 v26, v33;
	v34 =	vld [tilespmem:s24+$0xC4F0];
	v39 =	vmul.f32 v39, v32;
	v29 =	vadd.f32 v41, v29;
	[tilespmem:s24+$0xC80] =	vst v31  }
0x168: {  	v25 =	vmul.f32 v25, v33;
	v31 =	vld [tilespmem:s24+$0xC4E0];
	v38 =	vmul.f32 v38, v32;
	v28 =	vadd.f32 v40, v28;
	[tilespmem:s24+$0x8F0] =	vst v30  }
0x169: {  	v24 =	vmul.f32 v24, v33;
	v30 =	vld [tilespmem:s24+$0xC4D0];
	v37 =	vmul.f32 v37, v32;
	v27 =	vadd.f32 v39, v27;
	[tilespmem:s24+$0x8E0] =	vst v29  }
0x16a: {  	v23 =	vmul.f32 v23, v33;
	v29 =	vld [tilespmem:s24+$0xC4C0];
	v36 =	vmul.f32 v36, v32;
	v26 =	vadd.f32 v38, v26;
	[tilespmem:s24+$0x8D0] =	vst v28  }
0x16b: {  	v22 =	vmul.f32 v22, v33;
	v28 =	vld [tilespmem:s24+$0xC4B0];
	v35 =	vmul.f32 v35, v32;
	v25 =	vadd.f32 v37, v25;
	[tilespmem:s24+$0x8C0] =	vst v27  }
0x16c: {  	v21 =	vmul.f32 v21, v33;
	v27 =	vld [tilespmem:s24+$0xC4A0];
	v34 =	vmul.f32 v34, v32;
	v24 =	vadd.f32 v36, v24;
	[tilespmem:s24+$0x8B0] =	vst v26  }
0x16d: {  	v20 =	vmul.f32 v20, v33;
	v26 =	vld [tilespmem:s24+$0xC490];
	v31 =	vmul.f32 v31, v32;
	v23 =	vadd.f32 v35, v23;
	[tilespmem:s24+$0x8A0] =	vst v25  }
0x16e: {  	v19 =	vmul.f32 v19, v33;
	v25 =	vld [tilespmem:s24+$0xC480];
	v30 =	vmul.f32 v30, v32;
	v22 =	vadd.f32 v34, v22;
	[tilespmem:s24+$0x890] =	vst v24  }
0x16f: {  	v18 =	vmul.f32 v18, v33;
	v24 =	vld [tilespmem:s24+$0xC0F0];
	v29 =	vmul.f32 v29, v32;
	v21 =	vadd.f32 v31, v21;
	[tilespmem:s24+$0x880] =	vst v23  }
0x170: {  	v17 =	vmul.f32 v17, v33;
	v23 =	vld [tilespmem:s24+$0xC0E0];
	v28 =	vmul.f32 v28, v32;
	v20 =	vadd.f32 v30, v20;
	[tilespmem:s24+$0x4F0] =	vst v22  }
0x171: {  	v16 =	vmul.f32 v16, v33;
	v22 =	vmul.f32 v27, v32;
	v19 =	vadd.f32 v29, v19;
	[tilespmem:s24+$0x4E0] =	vst v21;
	v21 =	vld [tilespmem:s24+$0xD4C0]  }
0x172: {  	v15 =	vmul.f32 v15, v33;
	v26 =	vmul.f32 v26, v32;
	v18 =	vadd.f32 v28, v18;
	[tilespmem:s24+$0x4D0] =	vst v20;
	v20 =	vld [tilespmem:s24+$0xD4D0]  }
0x173: {  	v14 =	vmul.f32 v14, v33;
	v25 =	vmul.f32 v25, v32;
	v17 =	vadd.f32 v22, v17;
	[tilespmem:s24+$0x4C0] =	vst v19;
	v19 =	vld [tilespmem:s24+$0xD4E0]  }
0x174: {  	v13 =	vmul.f32 v13, v33;
	v22 =	vmul.f32 v24, v32;
	v16 =	vadd.f32 v26, v16;
	[tilespmem:s24+$0x4B0] =	vst v18;
	v18 =	vld [tilespmem:s24+$0xD4F0]  }
0x175: {  	v12 =	vmul.f32 v12, v33;
	v23 =	vmul.f32 v23, v32;
	v15 =	vadd.f32 v25, v15;
	[tilespmem:s24+$0x4A0] =	vst v17;
	v17 =	vld [tilespmem:s24+$0x14C0]  }
0x176: {  	v10 =	vmul.f32 v10, v33;
	v11 =	vmul.f32 v11, v32;
	v14 =	vadd.f32 v22, v14;
	[tilespmem:s24+$0x490] =	vst v16;
	v16 =	vld [tilespmem:s24+$0x14D0]  }
0x177: {  	v8 =	vmul.f32 v8, v33;
	v9 =	vmul.f32 v9, v32;
	v13 =	vadd.f32 v23, v13;
	[tilespmem:s24+$0x480] =	vst v15;
	v15 =	vld [tilespmem:s24+$0x14E0]  }
0x178: {  	v6 =	vmul.f32 v6, v33;
	v7 =	vmul.f32 v7, v32;
	v11 =	vadd.f32 v11, v12;
	[tilespmem:s24+$0xF0] =	vst v14;
	v12 =	vld [tilespmem:s24+$0x14F0]  }
0x179: {  	v3 =	vmul.f32 v3, v33;
	v5 =	vmul.f32 v5, v32;
	v9 =	vadd.f32 v9, v10;
	v14 =	vld [tilespmem:s24+$0x80];
	[tilespmem:s24+$0xE0] =	vst v13  }
0x17a: {  	v4 =	vmul.f32 v4, v32;
	v7 =	vadd.f32 v7, v8;
	v10 =	vld [tilespmem:s24+$0xC080];
	[tilespmem:s24+$0xD0] =	vst v11;
	v8 =	vmul.f32 v17, v33  }
0x17b: {  	s28 =	sshrl.u32 s26, $0x3;
	v5 =	vadd.f32 v5, v6;
	v6 =	vmul.f32 v21, v32;
	[tilespmem:s24+$0xC0] =	vst v9;
	v9 =	vmul.f32 v16, v33  }
0x17c: {  	s25 =	sadd.s32 $0x80, s25;
	s28 =	smul.u32 $0x1800, s28;
	v3 =	vadd.f32 v4, v3;
	v4 =	vmul.f32 v20, v32;
	[tilespmem:s24+$0xB0] =	vst v7;
	v7 =	vmul.f32 v15, v33  }
0x17d: {  	s29 =	sand.u32 $0x380, s25;
	[tilespmem:s24+$0xA0] =	vst v5;
	v5 =	vadd.f32 v6, v8;
	v6 =	vmul.f32 v19, v32;
	v8 =	vmul.f32 v12, v33  }
0x17e: {  	s28 =	sor.u32 s29, s28;
	v9 =	vadd.f32 v4, v9;
	v12 =	vmul.f32 v18, v32;
	v11 =	vmul.f32 v14, v33;
	[tilespmem:s24+$0x90] =	vst v3  }
0x17f: {  	v3 =	vld [tilespmem:s28+$0x90];
	v10 =	vmul.f32 v10, v32;
	[tilespmem:s24+$0x14C0] =	vst v5;
	v5 =	vadd.f32 v6, v7  }
0x180: {  	v7 =	vadd.f32 v12, v8;
	v4 =	vld [tilespmem:s28+$0xC090];
	[tilespmem:s24+$0x14D0] =	vst v9  }
0x181: {  	v6 =	vld [tilespmem:s28+$0xA0];
	v9 =	vadd.f32 v10, v11;
	[tilespmem:s24+$0x14E0] =	vst v5  }
0x182: {  	v5 =	vld [tilespmem:s28+$0xC0A0];
	[tilespmem:s24+$0x14F0] =	vst v7  }
0x183: {  	v8 =	vld [tilespmem:s28+$0xB0];
	[tilespmem:s24+$0x80] =	vst v9;
	s24 =	smov.u32 s28  }
0x184: {  	v7 =	vld [tilespmem:s24+$0xC0B0]  }
0x185: {  	v10 =	vld [tilespmem:s24+$0xC0]  }
0x186: {  	v9 =	vld [tilespmem:s24+$0xC0C0]  }
0x187: {  	v12 =	vld [tilespmem:s24+$0xD0]  }
0x188: {  	v11 =	vld [tilespmem:s24+$0xC0D0]  }
0x189: {  	v13 =	vld [tilespmem:s24+$0xE0]  }
0x18a: {  	v14 =	vld [tilespmem:s24+$0xF0]  }
0x18b: {  	v15 =	vld [tilespmem:s24+$0x480]  }
0x18c: {  	v16 =	vld [tilespmem:s24+$0x490]  }
0x18d: {  	v17 =	vld [tilespmem:s24+$0x4A0]  }
0x18e: {  	v18 =	vld [tilespmem:s24+$0x4B0]  }
0x18f: {  	v19 =	vld [tilespmem:s24+$0x4C0]  }
0x190: {  	v20 =	vld [tilespmem:s24+$0x4D0]  }
0x191: {  	v21 =	vld [tilespmem:s24+$0x4E0]  }
0x192: {  	v22 =	vld [tilespmem:s24+$0x4F0]  }
0x193: {  	v23 =	vld [tilespmem:s24+$0x880]  }
0x194: {  	v24 =	vld [tilespmem:s24+$0x890]  }
0x195: {  	v25 =	vld [tilespmem:s24+$0x8A0]  }
0x196: {  	v26 =	vld [tilespmem:s24+$0x8B0]  }
0x197: {  	v27 =	vld [tilespmem:s24+$0x8C0]  }
0x198: {  	v28 =	vld [tilespmem:s24+$0x8D0]  }
0x199: {  	v29 =	vld [tilespmem:s24+$0x8E0]  }
0x19a: {  	v30 =	vld [tilespmem:s24+$0x8F0]  }
0x19b: {  	v31 =	vld [tilespmem:s24+$0xC80]  }
0x19c: {  	v34 =	vld [tilespmem:s24+$0xC90]  }
0x19d: {  	v35 =	vld [tilespmem:s24+$0xCA0]  }
0x19e: {  	v36 =	vld [tilespmem:s24+$0xCB0]  }
0x19f: {  	v37 =	vld [tilespmem:s24+$0xCC0]  }
0x1a0: {  	v38 =	vld [tilespmem:s24+$0xCD0]  }
0x1a1: {  	v39 =	vld [tilespmem:s24+$0xCE0]  }
0x1a2: {  	v40 =	vld [tilespmem:s24+$0xCF0]  }
0x1a3: {  	v41 =	vld [tilespmem:s24+$0x1080]  }
0x1a4: {  	v42 =	vld [tilespmem:s24+$0x1090]  }
0x1a5: {  	v43 =	vld [tilespmem:s24+$0x10A0]  }
0x1a6: {  	v44 =	vld [tilespmem:s24+$0x10B0]  }
0x1a7: {  	v45 =	vld [tilespmem:s24+$0x10C0]  }
0x1a8: {  	v46 =	vld [tilespmem:s24+$0x10D0]  }
.Ltmp0:
0x1a9: {  	v47 =	vld [tilespmem:s24+$0x10E0];
	(pc) =	sbr.rel @p0 .LBB2_2-.Ltmp0, $4  }
0x1aa: {  	v48 =	vld [tilespmem:s24+$0x1480]  }
0x1ab: {  	v50 =	vld [tilespmem:s24+$0x1490]  }
0x1ac: {  	v49 =	vld [tilespmem:s24+$0xD490]  }
0x1ad: {  	s26 =	sadd.s32 $0x1, s26;
	v51 =	vld [tilespmem:s24+$0xD4B0]  }
0x1ae: {  	v52 =	vld [tilespmem:s24+$0x14B0]  }
0x1af: {  	v53 =	vld [tilespmem:s24+$0x14A0];
	s22 =	sadd.s32 $0x80, s22  }
0x1b0: {  	s29 =	sadd.s32 $0x80, s23;
	v32 =	vld [tilespmem:s22+$0x0]  }
0x1b1: {  	v33 =	vld [tilespmem:s29+$0x0]  }
0x1b2: {  	v54 =	vld [tilespmem:s24+$0xD4A0];
	_ =	sdelay $0x1  }
0x1b3: {  	v55 =	vld [tilespmem:s24+$0xD480]  }
0x1b4: {  	v56 =	vld [tilespmem:s24+$0x10F0]  }
0x1b5: {  	v58 =	vld [tilespmem:s24+$0xD0E0];
	v52 =	vmul.f32 v52, v32;
	v51 =	vmul.f32 v51, v33  }
0x1b6: {  	v57 =	vld [tilespmem:s24+$0xD0F0];
	v53 =	vmul.f32 v53, v32;
	v54 =	vmul.f32 v54, v33  }
0x1b7: {  	v59 =	vld [tilespmem:s24+$0xD0D0];
	v50 =	vmul.f32 v50, v32;
	v49 =	vmul.f32 v49, v33  }
0x1b8: {  	v60 =	vld [tilespmem:s24+$0xD0C0];
	v48 =	vmul.f32 v48, v32;
	v62 =	vmul.f32 v55, v33;
	v51 =	vadd.f32 v51, v52  }
0x1b9: {  	v61 =	vld [tilespmem:s24+$0xD0A0];
	v63 =	vmul.f32 v56, v32;
	v47 =	vmul.f32 v47, v32;
	v53 =	vadd.f32 v54, v53  }
0x1ba: {  	v58 =	vmul.f32 v58, v33;
	v55 =	vld [tilespmem:s24+$0xC4E0];
	v12 =	vmul.f32 v12, v32;
	v49 =	vadd.f32 v49, v50;
	[tilespmem:s24+$0x14B0] =	vst v51  }
0x1bb: {  	v56 =	vld [tilespmem:s24+$0xC4D0];
	v11 =	vmul.f32 v11, v33;
	v10 =	vmul.f32 v10, v32;
	v48 =	vadd.f32 v62, v48;
	[tilespmem:s24+$0x14A0] =	vst v53  }
0x1bc: {  	v9 =	vmul.f32 v9, v33;
	v8 =	vmul.f32 v8, v32;
	v52 =	vld [tilespmem:s24+$0xD0B0];
	v47 =	vadd.f32 v58, v47;
	[tilespmem:s24+$0x1490] =	vst v49  }
0x1bd: {  	v7 =	vmul.f32 v7, v33;
	v6 =	vmul.f32 v6, v32;
	v50 =	vld [tilespmem:s24+$0xD080];
	v11 =	vadd.f32 v11, v12;
	[tilespmem:s24+$0x1480] =	vst v48  }
0x1be: {  	v5 =	vmul.f32 v5, v33;
	v3 =	vmul.f32 v3, v32;
	v58 =	vld [tilespmem:s24+$0xCCA0];
	v9 =	vadd.f32 v9, v10;
	[tilespmem:s24+$0x10E0] =	vst v47  }
0x1bf: {  	v4 =	vmul.f32 v4, v33;
	v62 =	vmul.f32 v59, v33;
	v59 =	vld [tilespmem:s24+$0xCC90];
	v7 =	vadd.f32 v7, v8;
	[tilespmem:s24+$0xD0] =	vst v11  }
0x1c0: {  	v57 =	vmul.f32 v57, v33;
	v54 =	vld [tilespmem:s24+$0xC4F0];
	v5 =	vadd.f32 v5, v6;
	[tilespmem:s24+$0xC0] =	vst v9  }
0x1c1: {  	v46 =	vmul.f32 v46, v32;
	v3 =	vadd.f32 v4, v3;
	v51 =	vld [tilespmem:s24+$0xD090];
	[tilespmem:s24+$0xB0] =	vst v7  }
0x1c2: {  	v45 =	vmul.f32 v45, v32;
	v49 =	vld [tilespmem:s24+$0xCCF0];
	v53 =	vadd.f32 v57, v63;
	v63 =	vmul.f32 v60, v33;
	[tilespmem:s24+$0xA0] =	vst v5  }
0x1c3: {  	v43 =	vmul.f32 v43, v32;
	v48 =	vld [tilespmem:s24+$0xCCE0];
	v46 =	vadd.f32 v62, v46;
	v57 =	vmul.f32 v61, v33;
	[tilespmem:s24+$0x90] =	vst v3  }
0x1c4: {  	v44 =	vmul.f32 v44, v32;
	v47 =	vld [tilespmem:s24+$0xCCC0];
	[tilespmem:s24+$0x10F0] =	vst v53;
	v45 =	vadd.f32 v63, v45;
	v52 =	vmul.f32 v52, v33  }
0x1c5: {  	v41 =	vmul.f32 v41, v32;
	v60 =	vld [tilespmem:s24+$0xCC80];
	[tilespmem:s24+$0x10D0] =	vst v46;
	v43 =	vadd.f32 v57, v43;
	v50 =	vmul.f32 v50, v33  }
0x1c6: {  	v35 =	vmul.f32 v35, v32;
	v61 =	vld [tilespmem:s24+$0xC8F0];
	[tilespmem:s24+$0x10C0] =	vst v45;
	v45 =	vmul.f32 v58, v33;
	v44 =	vadd.f32 v52, v44  }
0x1c7: {  	v42 =	vmul.f32 v42, v32;
	v53 =	vld [tilespmem:s24+$0xCCD0];
	[tilespmem:s24+$0x10A0] =	vst v43;
	v51 =	vmul.f32 v51, v33;
	v41 =	vadd.f32 v50, v41  }
0x1c8: {  	v40 =	vmul.f32 v40, v32;
	v46 =	vld [tilespmem:s24+$0xCCB0];
	v49 =	vmul.f32 v49, v33;
	v35 =	vadd.f32 v45, v35;
	[tilespmem:s24+$0x10B0] =	vst v44  }
0x1c9: {  	v39 =	vmul.f32 v39, v32;
	v62 =	vld [tilespmem:s24+$0xC8E0];
	v48 =	vmul.f32 v48, v33;
	v42 =	vadd.f32 v51, v42;
	[tilespmem:s24+$0x1080] =	vst v41  }
0x1ca: {  	v37 =	vmul.f32 v37, v32;
	v57 =	vld [tilespmem:s24+$0xC4C0];
	v47 =	vmul.f32 v47, v33;
	v40 =	vadd.f32 v49, v40;
	[tilespmem:s24+$0xCA0] =	vst v35  }
0x1cb: {  	v31 =	vmul.f32 v31, v32;
	v58 =	vld [tilespmem:s24+$0xC4B0];
	v43 =	vmul.f32 v60, v33;
	v39 =	vadd.f32 v48, v39;
	[tilespmem:s24+$0x1090] =	vst v42  }
0x1cc: {  	v38 =	vmul.f32 v38, v32;
	v50 =	vld [tilespmem:s24+$0xC8B0];
	v63 =	vmul.f32 v53, v33;
	v37 =	vadd.f32 v47, v37;
	[tilespmem:s24+$0xCF0] =	vst v40  }
0x1cd: {  	v36 =	vmul.f32 v36, v32;
	v60 =	vld [tilespmem:s24+$0xC490];
	v46 =	vmul.f32 v46, v33;
	v31 =	vadd.f32 v43, v31;
	[tilespmem:s24+$0xCE0] =	vst v39  }
0x1ce: {  	v34 =	vmul.f32 v34, v32;
	v52 =	vld [tilespmem:s24+$0xC890];
	v44 =	vmul.f32 v59, v33;
	v38 =	vadd.f32 v63, v38;
	[tilespmem:s24+$0xCC0] =	vst v37  }
0x1cf: {  	v29 =	vmul.f32 v29, v32;
	v45 =	vld [tilespmem:s24+$0x14C0];
	v41 =	vmul.f32 v62, v33;
	v36 =	vadd.f32 v46, v36;
	[tilespmem:s24+$0xC80] =	vst v31  }
0x1d0: {  	v21 =	vmul.f32 v21, v32;
	v48 =	vld [tilespmem:s24+$0xC8D0];
	v62 =	vmul.f32 v55, v33;
	v34 =	vadd.f32 v44, v34;
	[tilespmem:s24+$0xCD0] =	vst v38  }
0x1d1: {  	v30 =	vmul.f32 v30, v32;
	v49 =	vld [tilespmem:s24+$0xC8C0];
	v42 =	vmul.f32 v61, v33;
	v29 =	vadd.f32 v41, v29;
	[tilespmem:s24+$0xCB0] =	vst v36  }
0x1d2: {  	v16 =	vmul.f32 v16, v32;
	v51 =	vld [tilespmem:s24+$0xC8A0];
	v21 =	vadd.f32 v62, v21;
	v41 =	vmul.f32 v60, v33;
	[tilespmem:s24+$0xC90] =	vst v34  }
0x1d3: {  	v26 =	vmul.f32 v26, v32;
	v53 =	vld [tilespmem:s24+$0xC880];
	v30 =	vadd.f32 v42, v30;
	[tilespmem:s24+$0x8E0] =	vst v29;
	v38 =	vmul.f32 v50, v33  }
0x1d4: {  	v24 =	vmul.f32 v24, v32;
	v59 =	vld [tilespmem:s24+$0xC4A0];
	v36 =	vmul.f32 v52, v33;
	[tilespmem:s24+$0x4E0] =	vst v21;
	v16 =	vadd.f32 v41, v16  }
0x1d5: {  	v22 =	vmul.f32 v22, v32;
	v43 =	vld [tilespmem:s24+$0xD4F0];
	v34 =	vmul.f32 v54, v33;
	[tilespmem:s24+$0x8F0] =	vst v30;
	v26 =	vadd.f32 v38, v26  }
0x1d6: {  	v28 =	vmul.f32 v28, v32;
	v61 =	vld [tilespmem:s24+$0xC480];
	v40 =	vmul.f32 v48, v33;
	v24 =	vadd.f32 v36, v24;
	[tilespmem:s24+$0x490] =	vst v16  }
0x1d7: {  	v27 =	vmul.f32 v27, v32;
	v63 =	vld [tilespmem:s24+$0xC0F0];
	v39 =	vmul.f32 v49, v33;
	v22 =	vadd.f32 v34, v22;
	[tilespmem:s24+$0x8B0] =	vst v26  }
0x1d8: {  	v25 =	vmul.f32 v25, v32;
	v46 =	vld [tilespmem:s24+$0x14D0];
	v37 =	vmul.f32 v51, v33;
	v28 =	vadd.f32 v40, v28;
	[tilespmem:s24+$0x890] =	vst v24  }
0x1d9: {  	v23 =	vmul.f32 v23, v32;
	v50 =	vld [tilespmem:s24+$0xC080];
	v35 =	vmul.f32 v53, v33;
	v27 =	vadd.f32 v39, v27;
	[tilespmem:s24+$0x4F0] =	vst v22  }
0x1da: {  	v20 =	vmul.f32 v20, v32;
	v48 =	vld [tilespmem:s24+$0x14E0];
	v30 =	vmul.f32 v56, v33;
	v25 =	vadd.f32 v37, v25;
	[tilespmem:s24+$0x8D0] =	vst v28  }
0x1db: {  	v19 =	vmul.f32 v19, v32;
	v51 =	vld [tilespmem:s24+$0x80];
	v23 =	vadd.f32 v35, v23;
	v35 =	vmul.f32 v57, v33;
	[tilespmem:s24+$0x8C0] =	vst v27  }
0x1dc: {  	v18 =	vmul.f32 v18, v32;
	v34 =	vld [tilespmem:s24+$0xC0E0];
	v37 =	vmul.f32 v58, v33;
	v20 =	vadd.f32 v30, v20;
	[tilespmem:s24+$0x8A0] =	vst v25  }
0x1dd: {  	v17 =	vmul.f32 v17, v32;
	v36 =	vld [tilespmem:s24+$0xD4C0];
	v39 =	vmul.f32 v59, v33;
	[tilespmem:s24+$0x880] =	vst v23;
	v19 =	vadd.f32 v35, v19  }
0x1de: {  	v15 =	vmul.f32 v15, v32;
	v38 =	vld [tilespmem:s24+$0xD4D0];
	v42 =	vmul.f32 v61, v33;
	v18 =	vadd.f32 v37, v18;
	[tilespmem:s24+$0x4D0] =	vst v20  }
0x1df: {  	v14 =	vmul.f32 v14, v32;
	v40 =	vld [tilespmem:s24+$0xD4E0];
	v44 =	vmul.f32 v63, v33;
	v17 =	vadd.f32 v39, v17;
	[tilespmem:s24+$0x4C0] =	vst v19  }
0x1e0: {  	v49 =	vld [tilespmem:s24+$0x14F0];
	v15 =	vadd.f32 v42, v15;
	v10 =	vmul.f32 v50, v33;
	v61 =	vmul.f32 v51, v32;
	[tilespmem:s24+$0x4B0] =	vst v18  }
0x1e1: {  	v13 =	vmul.f32 v13, v32;
	v14 =	vadd.f32 v44, v14;
	[tilespmem:s24+$0x4A0] =	vst v17;
	v47 =	vmul.f32 v34, v33  }
0x1e2: {  	v52 =	vmul.f32 v45, v32;
	[tilespmem:s24+$0x480] =	vst v15;
	v53 =	vmul.f32 v36, v33;
	v63 =	vadd.f32 v10, v61  }
0x1e3: {  	v54 =	vmul.f32 v46, v32;
	[tilespmem:s24+$0xF0] =	vst v14;
	v55 =	vmul.f32 v38, v33;
	v13 =	vadd.f32 v47, v13  }
0x1e4: {  	v56 =	vmul.f32 v48, v32;
	v58 =	vmul.f32 v40, v33;
	v57 =	vadd.f32 v53, v52;
	[tilespmem:s24+$0x80] =	vst v63  }
0x1e5: {  	v60 =	vmul.f32 v43, v33;
	v59 =	vmul.f32 v49, v32;
	v3 =	vadd.f32 v55, v54;
	[tilespmem:s24+$0xE0] =	vst v13  }
0x1e6: {  	v62 =	vadd.f32 v58, v56;
	[tilespmem:s24+$0x14C0] =	vst v57  }
0x1e7: {  	s21 =	sadd.s32 $0x1, s21;
	[tilespmem:s24+$0x14D0] =	vst v3;
	v3 =	vadd.f32 v60, v59  }
0x1e8: {  	p0 =	sne.s32 s21, s10;
	[tilespmem:s24+$0x14E0] =	vst v62  }
.Ltmp1:
0x1e9: {  	[tilespmem:s24+$0x14F0] =	vst v3;
	(pc) =	sbr.rel @p0 .LBB2_1-.Ltmp1, $4  }
0x1ea: {  	[hbm4b:s9+s2] =	stream.linear.scatter [tilespmem:s12], [sflag:$0x2], $0xC000, $0x38;
	[tilespmem:$0x1C080] =	vst v63  }
0x1eb: {  	_ =	swait.ge [sflag:s11], $0xC000  }
0x1ec: {  	[sflag:s11] =	ssyncset.done $0x0  }
0x1ed: {  	[sflag:s11] =	ssyncadd.s32 $0xFFFF4000  }
0x1ee: {  	_ =	sfence.sel $0x180000  }
0x1ef: {  	[bflag:$0x0] =	sbarrier.arrive $0xFFFF  }
0x1f0: {  	_ =	strace $0x9000004A  }
0x1f1: {  	s0 =	stileid.u32;
	[bflag:$0x2] =	sbarrier.arrive $0xFFFF  }
0x1f2: {  	p0 =	sne.s32 s0, $0x0;
	s0 =	rddreg [dreg:$0x2]  }
0x1f3: {  	s0 =	sadd.s32 @!p0 $0x100000, s0  }
0x1f4: {  	[sflag:s0] =	ssyncadd.tile.s32 @!p0 $0x1;
	_ =	shalt  }
.Lfunc_end2:
_tile_overlayer_lowered:
.L_overlay_start_2:
0x1f5: {  	(tag) =	ssettag $0x2  }
0x1f6: {  	s0 =	rddreg [dreg:$0x0];
	s2 =	stileid.u32  }
0x1f7: {  	s1 =	rddreg [dreg:$0x1];
	p0 =	sne.s32 s2, $0x0  }
0x1f8: {  	s3 =	rddreg [dreg:$0x2];
	[bflag:$0x3] =	sbarrier.arrive $0xFFFF;
	s2 =	simm.s32 @!p0 $0x1C02  }
0x1f9: {  	[timem:s3], [sflag:s2] =	dma.local @!p0 [hbm:s0], s1  }
0x1fa: {  	s0 =	simm.s32 @!p0 $0x2  }
0x1fb: {  	_ =	swait.ge @!p0 [sflag:s0], s1  }
0x1fc: {  	s1 =	ssub.s32 @!p0 $0x0, s1;
	[sflag:s0] =	ssyncset.done @!p0 $0x0  }
0x1fd: {  	[sflag:s0] =	ssyncadd.s32 @!p0 s1  }
0x1fe: {  	[bflag:$0x3] =	sbarrier.arrive $0xFFFF  }
0x1ff: {  	_ =	shalt  }

</sc_bundles>
